<compile_context>
chip_gen: v7x
topology: tpu7x:2x2x1
jax: 0.10.2.dev20260603
libtpu: 0.0.44.dev20260713+nightly
codegen_flags: <defaults>
</compile_context>

<pallas_src>
import functools

import jax
import jax.numpy as jnp
from jax import lax
from jax.experimental import pallas as pl
from jax.experimental.pallas import tpu as pltpu
from jax.experimental.pallas import tpu_sc as plsc

N = 10000
D = 128
H = 128
G = 64
E = 320000

NC = 2
NS = 16
NW = NC * NS
CHUNK = 128
NCH = 80
NBUF = 2
HALF = NCH // 2
E_PAD = NW * NCH * CHUNK
PAD = E_PAD - E
ACC_ROWS = 10240
ZROWS = ACC_ROWS // NS
DROWS = 624
DTAIL = N - DROWS * NS
CW = 16

R = 2000
NB = N // R


def _sc_mesh():
    return plsc.VectorSubcoreMesh(core_axis_name="c", subcore_axis_name="s")


def _deg_count(dst3, zo):

    @functools.partial(
        pl.kernel,
        out_type=jax.ShapeDtypeStruct((NC, N, CW), jnp.float32),
        mesh=_sc_mesh(),
        scratch_types=[
            pltpu.VMEM((NCH, CHUNK), jnp.int32),
            pltpu.VMEM((2, CHUNK, CW), jnp.float32),
            pltpu.VMEM_SHARED((ACC_ROWS, CW), jnp.float32),
        ],
    )
    def k(dst_hbm, zo_hbm, out_hbm, idx_v, zo_v, acc_s):
        c = lax.axis_index("c")
        s = lax.axis_index("s")
        wid = s * NC + c
        pltpu.sync_copy(zo_hbm, zo_v)
        pltpu.sync_copy(dst_hbm.at[wid], idx_v)
        base = s * ZROWS
        for t in range(ZROWS // CHUNK):
            pltpu.sync_copy(zo_v.at[0], acc_s.at[pl.ds(base + t * CHUNK, CHUNK)])
        rem = ZROWS % CHUNK
        if rem:
            pltpu.sync_copy(zo_v.at[0, pl.ds(0, rem)],
                            acc_s.at[pl.ds(base + ZROWS - rem, rem)])
        plsc.subcore_barrier()

        def body(i, carry):
            pltpu.sync_copy(zo_v.at[1], acc_s.at[idx_v.at[i]], add=True)
            return carry

        lax.fori_loop(0, NCH, body, 0)
        plsc.subcore_barrier()
        pltpu.sync_copy(acc_s.at[pl.ds(s * DROWS, DROWS)],
                        out_hbm.at[c, pl.ds(s * DROWS, DROWS)])

        @pl.when(s == 0)
        def _():
            pltpu.sync_copy(acc_s.at[pl.ds(DROWS * NS, DTAIL)],
                            out_hbm.at[c, pl.ds(DROWS * NS, DTAIL)])

    return k(dst3, zo)


def _edge_pass(p, src3, dst3, zeros_rows):

    @functools.partial(
        pl.kernel,
        out_type=jax.ShapeDtypeStruct((NC, N, H), jnp.float32),
        mesh=_sc_mesh(),
        scratch_types=[
            pltpu.VMEM((HALF, CHUNK), jnp.int32),
            pltpu.VMEM((HALF, CHUNK), jnp.int32),
            pltpu.VMEM((CHUNK, H), jnp.float32),
            pltpu.VMEM((CHUNK, H), jnp.float32),
            pltpu.VMEM_SHARED((ACC_ROWS, H), jnp.float32),
            pltpu.SemaphoreType.DMA,
            pltpu.SemaphoreType.DMA,
        ],
    )
    def k(p_hbm, src_hbm, dst_hbm, z_hbm, out_hbm,
          src_v, dst_v, buf0, buf1, acc_s, sem0, sem1):
        c = lax.axis_index("c")
        s = lax.axis_index("s")
        wid = s * NC + c
        bufs = (buf0, buf1)
        sems = (sem0, sem1)
        pltpu.sync_copy(src_hbm.at[wid, pl.ds(0, HALF)], src_v)
        for b in range(1, NBUF):
            pltpu.async_copy(p_hbm.at[src_v.at[b]], bufs[b], sems[b])
        pltpu.sync_copy(dst_hbm.at[wid, pl.ds(0, HALF)], dst_v)
        pltpu.sync_copy(z_hbm, buf0)
        base = s * ZROWS
        for t in range(ZROWS // CHUNK):
            pltpu.sync_copy(buf0, acc_s.at[pl.ds(base + t * CHUNK, CHUNK)])
        rem = ZROWS % CHUNK
        if rem:
            pltpu.sync_copy(buf0.at[pl.ds(0, rem)],
                            acc_s.at[pl.ds(base + ZROWS - rem, rem)])
        pltpu.async_copy(p_hbm.at[src_v.at[0]], buf0, sem0)
        plsc.subcore_barrier()

        def run_half():
            def body(it, carry):
                g = it * NBUF
                for b in range(NBUF):
                    i = g + b
                    pltpu.make_async_copy(p_hbm.at[src_v.at[i]], bufs[b],
                                          sems[b]).wait()
                    pltpu.sync_copy(bufs[b], acc_s.at[dst_v.at[i]], add=True)
                    nxt = i + NBUF

                    @pl.when(nxt < HALF)
                    def _():
                        pltpu.async_copy(p_hbm.at[src_v.at[nxt]],
                                         bufs[b], sems[b])
                return carry

            lax.fori_loop(0, HALF // NBUF, body, 0)

        run_half()
        pltpu.sync_copy(src_hbm.at[wid, pl.ds(HALF, HALF)], src_v)
        pltpu.sync_copy(dst_hbm.at[wid, pl.ds(HALF, HALF)], dst_v)
        for b in range(NBUF):
            pltpu.async_copy(p_hbm.at[src_v.at[b]], bufs[b], sems[b])
        run_half()
        plsc.subcore_barrier()
        pltpu.sync_copy(acc_s.at[pl.ds(s * DROWS, DROWS)],
                        out_hbm.at[c, pl.ds(s * DROWS, DROWS)])

        @pl.when(s == 0)
        def _():
            pltpu.sync_copy(acc_s.at[pl.ds(DROWS * NS, DTAIL)],
                            out_hbm.at[c, pl.ds(DROWS * NS, DTAIL)])

    return k(p, src3, dst3, zeros_rows)


def _dinv(cnt):
    return lax.rsqrt(cnt[0, :, 0:1] + cnt[1, :, 0:1] + 1.0)


def _prep1_body(cnt_ref, x_ref, w_ref, p_ref):
    d = _dinv(cnt_ref[...])
    p_ref[...] = jnp.dot(x_ref[...], w_ref[...],
                         preferred_element_type=jnp.float32) * d


def _prep1(cnt, x, W1):
    return pl.pallas_call(
        _prep1_body,
        grid=(NB,),
        in_specs=[
            pl.BlockSpec((NC, R, CW), lambda i: (0, i, 0)),
            pl.BlockSpec((R, D), lambda i: (i, 0)),
            pl.BlockSpec((D, H), lambda i: (0, 0)),
        ],
        out_specs=pl.BlockSpec((R, H), lambda i: (i, 0)),
        out_shape=jax.ShapeDtypeStruct((N, H), jnp.float32),
    )(cnt, x, W1)


def _combine_body(cnt_ref, acc_ref, p_ref, b_ref, w_ref, o_ref):
    d = _dinv(cnt_ref[...])
    h = jax.nn.relu(d * (acc_ref[0] + acc_ref[1] + p_ref[...]) + b_ref[...])
    o_ref[...] = jnp.dot(h, w_ref[...], preferred_element_type=jnp.float32) * d


def _combine_prep(cnt, acc, p, b1, W2):
    return pl.pallas_call(
        _combine_body,
        grid=(NB,),
        in_specs=[
            pl.BlockSpec((NC, R, CW), lambda i: (0, i, 0)),
            pl.BlockSpec((NC, R, H), lambda i: (0, i, 0)),
            pl.BlockSpec((R, H), lambda i: (i, 0)),
            pl.BlockSpec((1, H), lambda i: (0, 0)),
            pl.BlockSpec((H, H), lambda i: (0, 0)),
        ],
        out_specs=pl.BlockSpec((R, H), lambda i: (i, 0)),
        out_shape=jax.ShapeDtypeStruct((N, H), jnp.float32),
    )(cnt, acc, p, b1, W2)


def _final_body(cnt_ref, acc_ref, p_ref, b_ref, bat_ref,
                wt_ref, bo_ref, o_ref, pool_acc, cnt_acc):
    i = pl.program_id(0)
    d = _dinv(cnt_ref[...])
    h = jax.nn.relu(d * (acc_ref[0] + acc_ref[1] + p_ref[...]) + b_ref[...])
    bat = bat_ref[0, 0, :]
    oh = (bat[:, None] == lax.broadcasted_iota(jnp.int32, (R, G), 1)
          ).astype(jnp.float32)
    pool = lax.dot_general(oh, h, (((0,), (0,)), ((), ())),
                           preferred_element_type=jnp.float32)
    cnt = jnp.broadcast_to(jnp.sum(oh, axis=0)[:, None], (G, H))

    @pl.when(i == 0)
    def _():
        pool_acc[...] = pool
        cnt_acc[...] = cnt

    @pl.when(i > 0)
    def _():
        pool_acc[...] += pool
        cnt_acc[...] += cnt

    @pl.when(i == NB - 1)
    def _():
        pooled = pool_acc[...] / jnp.maximum(cnt_acc[...], 1.0)
        z = jnp.sum(pooled * wt_ref[...], axis=1, keepdims=True) + bo_ref[...]
        o_ref[...] = 1.0 / (1.0 + jnp.exp(-z))


def _final(cnt, acc, p, b2, bat3, WoutT, bout):
    return pl.pallas_call(
        _final_body,
        grid=(NB,),
        in_specs=[
            pl.BlockSpec((NC, R, CW), lambda i: (0, i, 0)),
            pl.BlockSpec((NC, R, H), lambda i: (0, i, 0)),
            pl.BlockSpec((R, H), lambda i: (i, 0)),
            pl.BlockSpec((1, H), lambda i: (0, 0)),
            pl.BlockSpec((1, 1, R), lambda i: (i, 0, 0)),
            pl.BlockSpec((1, H), lambda i: (0, 0)),
            pl.BlockSpec((1, 1), lambda i: (0, 0)),
        ],
        out_specs=pl.BlockSpec((G, 1), lambda i: (0, 0)),
        out_shape=jax.ShapeDtypeStruct((G, 1), jnp.float32),
        scratch_shapes=[
            pltpu.VMEM((G, H), jnp.float32),
            pltpu.VMEM((G, H), jnp.float32),
        ],
    )(cnt, acc, p, b2, bat3, WoutT, bout)


def kernel(x, edge_index, batch, W1, b1, W2, b2, W_out, b_out):
    pad_ids = jnp.arange(PAD, dtype=jnp.int32)
    src_pad = pad_ids % jnp.int32(N)
    dst_pad = jnp.int32(N) + (pad_ids % jnp.int32(NS))
    src3 = jnp.concatenate([edge_index[0], src_pad]).reshape(NW, NCH, CHUNK)
    dst3 = jnp.concatenate([edge_index[1], dst_pad]).reshape(NW, NCH, CHUNK)

    zo = jnp.stack([jnp.zeros((CHUNK, CW), jnp.float32),
                    jnp.ones((CHUNK, CW), jnp.float32)])
    zeros_rows = jnp.zeros((CHUNK, H), jnp.float32)

    cnt = _deg_count(dst3, zo)

    p1 = _prep1(cnt, x, W1)
    acc1 = _edge_pass(p1, src3, dst3, zeros_rows)
    p2 = _combine_prep(cnt, acc1, p1, b1.reshape(1, H), W2)
    acc2 = _edge_pass(p2, src3, dst3, zeros_rows)

    bat3 = batch.reshape(NB, 1, R)
    out = _final(cnt, acc2, p2, b2.reshape(1, H),
                 bat3, W_out.reshape(1, H), b_out.reshape(1, 1))
    return out

# --- scband reference (transcript-rebuilt; emitter-appended) ---
"""Pipeline reference for scband-dynamic-graph-binary-classification-model-28509992910998 (READ-ONLY COPY).

The authoritative reference and input builder live on the scoring server;
editing this copy changes nothing except your own understanding.
"""

import jax, jax.numpy as jnp
import numpy as np

N = 10000
E = 320000
D = 128
H = 128
G = 64


def setup_inputs(seed: int = 0) -> dict:
    key = jax.random.key(seed)
    ks = jax.random.split(key, 10)
    x = jax.random.normal(ks[0], (N, D), dtype=jnp.float32)
    edge_index = jax.random.randint(ks[1], (2, E), 0, N, dtype=jnp.int32)
    batch = jnp.sort(jax.random.randint(ks[2], (N,), 0, G, dtype=jnp.int32))
    W1 = jax.random.normal(ks[3], (D, H), dtype=jnp.float32) * (1.0 / np.sqrt(D))
    b1 = jnp.zeros((H,), dtype=jnp.float32)
    W2 = jax.random.normal(ks[4], (H, H), dtype=jnp.float32) * (1.0 / np.sqrt(H))
    b2 = jnp.zeros((H,), dtype=jnp.float32)
    W_out = jax.random.normal(ks[5], (H, 1), dtype=jnp.float32) * (1.0 / np.sqrt(H))
    b_out = jnp.zeros((1,), dtype=jnp.float32)
    return {"x": x, "edge_index": edge_index, "batch": batch, "W1": W1, "b1": b1, "W2": W2, "b2": b2, "W_out": W_out, "b_out": b_out}


def _gcn_conv(x, edge_index, W, b):
    # PyG GCNConv: x' = D^{-1/2} (A + I) D^{-1/2} (X W) + b
    src = edge_index[0]
    dst = edge_index[1]
    loop = jnp.arange(N, dtype=src.dtype)
    src = jnp.concatenate([src, loop])
    dst = jnp.concatenate([dst, loop])
    deg = jnp.zeros((N,), x.dtype).at[dst].add(1.0)
    dinv = jnp.where(deg > 0, jax.lax.rsqrt(deg), 0.0)
    norm = dinv[src] * dinv[dst]
    h = x @ W
    msg = h[src] * norm[:, None]
    out = jnp.zeros((N, W.shape[1]), x.dtype).at[dst].add(msg)
    return out + b


def reference(x, edge_index, batch, W1, b1, W2, b2, W_out, b_out):
    # layer 1 (dropout inactive in eval mode)
    h = jax.nn.relu(_gcn_conv(x, edge_index, W1, b1))
    # layer 2
    h = jax.nn.relu(_gcn_conv(h, edge_index, W2, b2))
    # global_mean_pool over batch assignment
    summed = jax.ops.segment_sum(h, batch, num_segments=G)
    counts = jax.ops.segment_sum(jnp.ones((N, 1), h.dtype), batch, num_segments=G)
    pooled = summed / jnp.maximum(counts, 1.0)
    logits = pooled @ W_out + b_out
    return jax.nn.sigmoid(logits)

if __name__ == "__main__":
    import jax
    _d = setup_inputs()
    print(jax.jit(kernel)(*tuple(_d.values())))

</pallas_src>

<mosaic_0001>
#map = affine_map<(d0, d1) -> (0, 0)>
#map1 = affine_map<(d0, d1) -> (0, 0, 0)>
module attributes {stable_mosaic.version = 14 : i64} {
  func.func @k(%arg0: i32, %arg1: i32, %arg2: memref<10000x128xf32, #tpu.memory_space<hbm>>, %arg3: memref<32x80x128xi32, #tpu.memory_space<hbm>>, %arg4: memref<32x80x128xi32, #tpu.memory_space<hbm>>, %arg5: memref<128x128xf32, #tpu.memory_space<hbm>>, %arg6: memref<2x10000x128xf32, #tpu.memory_space<hbm>>, %arg7: memref<40x128xi32, #tpu.memory_space<vmem>>, %arg8: memref<40x128xi32, #tpu.memory_space<vmem>>, %arg9: memref<128x128xf32, #tpu.memory_space<vmem>>, %arg10: memref<128x128xf32, #tpu.memory_space<vmem>>, %arg11: memref<10240x128xf32, #tpu.memory_space<vmem_shared>>, %arg12: memref<!tpu.dma_semaphore, #tpu.memory_space<semaphore_mem>>, %arg13: memref<!tpu.dma_semaphore, #tpu.memory_space<semaphore_mem>>) attributes {dimension_semantics = [#tpu.dimension_semantics<core_parallel>, #tpu.dimension_semantics<subcore_parallel>], iteration_bounds = array<i64: 2, 16>, scalar_prefetch = 0 : i64, scratch_operands = 7 : i64, tpu.core_type = #tpu.core_type<sc_vector_subcore>, window_params = [{transform_indices = #map}, {transform_indices = #map1}, {transform_indices = #map1}, {transform_indices = #map}, {transform_indices = #map1}]} {
    %mul3A = arith.constant 2 : i32
    %mul3A_0 = arith.muli %arg1, %mul3A : i32
    %add3A = arith.addi %mul3A_0, %arg0 : i32
    "tpu.region"() ({
      %run_scoped3A = tpu.sem_alloc : memref<!tpu.dma_semaphore, #tpu.memory_space<semaphore_mem>>
      %dma_start3A_58 = arith.constant 0 : i32
      %dma_start3A_59 = arith.constant 0 : i32
      %dma_start3A_60 = tpu.memref_slice %arg3[%add3A, %dma_start3A_58, %dma_start3A_59] : memref<32x80x128xi32, #tpu.memory_space<hbm>> -> memref<1x40x128xi32, #tpu.memory_space<hbm>>
      %dma_start3A_61 = tpu.memref_squeeze %dma_start3A_60 : memref<1x40x128xi32, #tpu.memory_space<hbm>> -> memref<40x128xi32, #tpu.memory_space<hbm>>
      %dma_start3A_62 = arith.constant 0 : i32
      %dma_start3A_63 = arith.constant 0 : i32
      %dma_start3A_64 = tpu.memref_slice %arg3[%add3A, %dma_start3A_62, %dma_start3A_63] : memref<32x80x128xi32, #tpu.memory_space<hbm>> -> memref<1x40x128xi32, #tpu.memory_space<hbm>>
      %dma_start3A_65 = tpu.memref_squeeze %dma_start3A_64 : memref<1x40x128xi32, #tpu.memory_space<hbm>> -> memref<40x128xi32, #tpu.memory_space<hbm>>
      tpu.enqueue_dma source(%dma_start3A_65 : memref<40x128xi32, #tpu.memory_space<hbm>>) target(%arg7 : memref<40x128xi32, #tpu.memory_space<vmem>>) target_semaphore(%run_scoped3A : memref<!tpu.dma_semaphore, #tpu.memory_space<semaphore_mem>>)
      %dma_wait3A = arith.constant 0 : i32
      %dma_wait3A_66 = arith.constant 0 : i32
      %dma_wait3A_67 = tpu.memref_slice %arg3[%add3A, %dma_wait3A, %dma_wait3A_66] : memref<32x80x128xi32, #tpu.memory_space<hbm>> -> memref<1x40x128xi32, #tpu.memory_space<hbm>>
      %dma_wait3A_68 = tpu.memref_squeeze %dma_wait3A_67 : memref<1x40x128xi32, #tpu.memory_space<hbm>> -> memref<40x128xi32, #tpu.memory_space<hbm>>
      %dma_wait3A_69 = arith.constant 0 : i32
      %dma_wait3A_70 = arith.constant 0 : i32
      %dma_wait3A_71 = tpu.memref_slice %arg3[%add3A, %dma_wait3A_69, %dma_wait3A_70] : memref<32x80x128xi32, #tpu.memory_space<hbm>> -> memref<1x40x128xi32, #tpu.memory_space<hbm>>
      %dma_wait3A_72 = tpu.memref_squeeze %dma_wait3A_71 : memref<1x40x128xi32, #tpu.memory_space<hbm>> -> memref<40x128xi32, #tpu.memory_space<hbm>>
      tpu.wait_dma2 semaphore(%run_scoped3A : memref<!tpu.dma_semaphore, #tpu.memory_space<semaphore_mem>>) src(%dma_wait3A_72 : memref<40x128xi32, #tpu.memory_space<hbm>>) dst(%arg7 : memref<40x128xi32, #tpu.memory_space<vmem>>)
      tpu.yield
    }) : () -> ()
    %dma_start3A = arith.constant 1 : i32
    %dma_start3A_1 = arith.constant 0 : i32
    %dma_start3A_2 = tpu.memref_slice %arg7[%dma_start3A, %dma_start3A_1] : memref<40x128xi32, #tpu.memory_space<vmem>> -> memref<1x128xi32, #tpu.memory_space<vmem>>
    %dma_start3A_3 = tpu.memref_squeeze %dma_start3A_2 : memref<1x128xi32, #tpu.memory_space<vmem>> -> memref<128xi32, #tpu.memory_space<vmem>>
    %dma_start3A_4 = arith.constant 0 : i32
    %dma_start3A_5 = arith.constant 0 : i32
    %dma_start3A_6 = tpu.memref_slice %arg2[%dma_start3A_4, %dma_start3A_5] : memref<10000x128xf32, #tpu.memory_space<hbm>> -> memref<10000x128xf32, #tpu.memory_space<hbm>>
    tpu.enqueue_indirect_dma source(%dma_start3A_6 : memref<10000x128xf32, #tpu.memory_space<hbm>>) target(%arg10 : memref<128x128xf32, #tpu.memory_space<vmem>>) offsets(%dma_start3A_3 : memref<128xi32, #tpu.memory_space<vmem>>) semaphore(%arg13 : memref<!tpu.dma_semaphore, #tpu.memory_space<semaphore_mem>>)
    "tpu.region"() ({
      %run_scoped3A = tpu.sem_alloc : memref<!tpu.dma_semaphore, #tpu.memory_space<semaphore_mem>>
      %dma_start3A_58 = arith.constant 0 : i32
      %dma_start3A_59 = arith.constant 0 : i32
      %dma_start3A_60 = tpu.memref_slice %arg4[%add3A, %dma_start3A_58, %dma_start3A_59] : memref<32x80x128xi32, #tpu.memory_space<hbm>> -> memref<1x40x128xi32, #tpu.memory_space<hbm>>
      %dma_start3A_61 = tpu.memref_squeeze %dma_start3A_60 : memref<1x40x128xi32, #tpu.memory_space<hbm>> -> memref<40x128xi32, #tpu.memory_space<hbm>>
      %dma_start3A_62 = arith.constant 0 : i32
      %dma_start3A_63 = arith.constant 0 : i32
      %dma_start3A_64 = tpu.memref_slice %arg4[%add3A, %dma_start3A_62, %dma_start3A_63] : memref<32x80x128xi32, #tpu.memory_space<hbm>> -> memref<1x40x128xi32, #tpu.memory_space<hbm>>
      %dma_start3A_65 = tpu.memref_squeeze %dma_start3A_64 : memref<1x40x128xi32, #tpu.memory_space<hbm>> -> memref<40x128xi32, #tpu.memory_space<hbm>>
      tpu.enqueue_dma source(%dma_start3A_65 : memref<40x128xi32, #tpu.memory_space<hbm>>) target(%arg8 : memref<40x128xi32, #tpu.memory_space<vmem>>) target_semaphore(%run_scoped3A : memref<!tpu.dma_semaphore, #tpu.memory_space<semaphore_mem>>)
      %dma_wait3A = arith.constant 0 : i32
      %dma_wait3A_66 = arith.constant 0 : i32
      %dma_wait3A_67 = tpu.memref_slice %arg4[%add3A, %dma_wait3A, %dma_wait3A_66] : memref<32x80x128xi32, #tpu.memory_space<hbm>> -> memref<1x40x128xi32, #tpu.memory_space<hbm>>
      %dma_wait3A_68 = tpu.memref_squeeze %dma_wait3A_67 : memref<1x40x128xi32, #tpu.memory_space<hbm>> -> memref<40x128xi32, #tpu.memory_space<hbm>>
      %dma_wait3A_69 = arith.constant 0 : i32
      %dma_wait3A_70 = arith.constant 0 : i32
      %dma_wait3A_71 = tpu.memref_slice %arg4[%add3A, %dma_wait3A_69, %dma_wait3A_70] : memref<32x80x128xi32, #tpu.memory_space<hbm>> -> memref<1x40x128xi32, #tpu.memory_space<hbm>>
      %dma_wait3A_72 = tpu.memref_squeeze %dma_wait3A_71 : memref<1x40x128xi32, #tpu.memory_space<hbm>> -> memref<40x128xi32, #tpu.memory_space<hbm>>
      tpu.wait_dma2 semaphore(%run_scoped3A : memref<!tpu.dma_semaphore, #tpu.memory_space<semaphore_mem>>) src(%dma_wait3A_72 : memref<40x128xi32, #tpu.memory_space<hbm>>) dst(%arg8 : memref<40x128xi32, #tpu.memory_space<vmem>>)
      tpu.yield
    }) : () -> ()
    "tpu.region"() ({
      %run_scoped3A = tpu.sem_alloc : memref<!tpu.dma_semaphore, #tpu.memory_space<semaphore_mem>>
      tpu.enqueue_dma source(%arg5 : memref<128x128xf32, #tpu.memory_space<hbm>>) target(%arg9 : memref<128x128xf32, #tpu.memory_space<vmem>>) target_semaphore(%run_scoped3A : memref<!tpu.dma_semaphore, #tpu.memory_space<semaphore_mem>>)
      tpu.wait_dma2 semaphore(%run_scoped3A : memref<!tpu.dma_semaphore, #tpu.memory_space<semaphore_mem>>) src(%arg5 : memref<128x128xf32, #tpu.memory_space<hbm>>) dst(%arg9 : memref<128x128xf32, #tpu.memory_space<vmem>>)
      tpu.yield
    }) : () -> ()
    %mul3A_7 = arith.constant 640 : i32
    %mul3A_8 = arith.muli %arg1, %mul3A_7 : i32
    %add3A_9 = arith.constant 0 : i32
    %add3A_10 = arith.addi %mul3A_8, %add3A_9 : i32
    "tpu.region"() ({
      %run_scoped3A = tpu.sem_alloc : memref<!tpu.dma_semaphore, #tpu.memory_space<semaphore_mem>>
      %dma_start3A_58 = arith.constant 0 : i32
      %dma_start3A_59 = tpu.memref_slice %arg11[%add3A_10, %dma_start3A_58] : memref<10240x128xf32, #tpu.memory_space<vmem_shared>> -> memref<128x128xf32, #tpu.memory_space<vmem_shared>>
      %dma_start3A_60 = arith.constant 0 : i32
      %dma_start3A_61 = tpu.memref_slice %arg11[%add3A_10, %dma_start3A_60] : memref<10240x128xf32, #tpu.memory_space<vmem_shared>> -> memref<128x128xf32, #tpu.memory_space<vmem_shared>>
      tpu.enqueue_dma source(%arg9 : memref<128x128xf32, #tpu.memory_space<vmem>>) target(%dma_start3A_61 : memref<128x128xf32, #tpu.memory_space<vmem_shared>>) target_semaphore(%run_scoped3A : memref<!tpu.dma_semaphore, #tpu.memory_space<semaphore_mem>>)
      %dma_wait3A = arith.constant 0 : i32
      %dma_wait3A_62 = tpu.memref_slice %arg11[%add3A_10, %dma_wait3A] : memref<10240x128xf32, #tpu.memory_space<vmem_shared>> -> memref<128x128xf32, #tpu.memory_space<vmem_shared>>
      %dma_wait3A_63 = arith.constant 0 : i32
      %dma_wait3A_64 = tpu.memref_slice %arg11[%add3A_10, %dma_wait3A_63] : memref<10240x128xf32, #tpu.memory_space<vmem_shared>> -> memref<128x128xf32, #tpu.memory_space<vmem_shared>>
      tpu.wait_dma2 semaphore(%run_scoped3A : memref<!tpu.dma_semaphore, #tpu.memory_space<semaphore_mem>>) src(%arg9 : memref<128x128xf32, #tpu.memory_space<vmem>>) dst(%dma_wait3A_64 : memref<128x128xf32, #tpu.memory_space<vmem_shared>>)
      tpu.yield
    }) : () -> ()
    %add3A_11 = arith.constant 128 : i32
    %add3A_12 = arith.addi %mul3A_8, %add3A_11 : i32
    "tpu.region"() ({
      %run_scoped3A = tpu.sem_alloc : memref<!tpu.dma_semaphore, #tpu.memory_space<semaphore_mem>>
      %dma_start3A_58 = arith.constant 0 : i32
      %dma_start3A_59 = tpu.memref_slice %arg11[%add3A_12, %dma_start3A_58] : memref<10240x128xf32, #tpu.memory_space<vmem_shared>> -> memref<128x128xf32, #tpu.memory_space<vmem_shared>>
      %dma_start3A_60 = arith.constant 0 : i32
      %dma_start3A_61 = tpu.memref_slice %arg11[%add3A_12, %dma_start3A_60] : memref<10240x128xf32, #tpu.memory_space<vmem_shared>> -> memref<128x128xf32, #tpu.memory_space<vmem_shared>>
      tpu.enqueue_dma source(%arg9 : memref<128x128xf32, #tpu.memory_space<vmem>>) target(%dma_start3A_61 : memref<128x128xf32, #tpu.memory_space<vmem_shared>>) target_semaphore(%run_scoped3A : memref<!tpu.dma_semaphore, #tpu.memory_space<semaphore_mem>>)
      %dma_wait3A = arith.constant 0 : i32
      %dma_wait3A_62 = tpu.memref_slice %arg11[%add3A_12, %dma_wait3A] : memref<10240x128xf32, #tpu.memory_space<vmem_shared>> -> memref<128x128xf32, #tpu.memory_space<vmem_shared>>
      %dma_wait3A_63 = arith.constant 0 : i32
      %dma_wait3A_64 = tpu.memref_slice %arg11[%add3A_12, %dma_wait3A_63] : memref<10240x128xf32, #tpu.memory_space<vmem_shared>> -> memref<128x128xf32, #tpu.memory_space<vmem_shared>>
      tpu.wait_dma2 semaphore(%run_scoped3A : memref<!tpu.dma_semaphore, #tpu.memory_space<semaphore_mem>>) src(%arg9 : memref<128x128xf32, #tpu.memory_space<vmem>>) dst(%dma_wait3A_64 : memref<128x128xf32, #tpu.memory_space<vmem_shared>>)
      tpu.yield
    }) : () -> ()
    %add3A_13 = arith.constant 256 : i32
    %add3A_14 = arith.addi %mul3A_8, %add3A_13 : i32
    "tpu.region"() ({
      %run_scoped3A = tpu.sem_alloc : memref<!tpu.dma_semaphore, #tpu.memory_space<semaphore_mem>>
      %dma_start3A_58 = arith.constant 0 : i32
      %dma_start3A_59 = tpu.memref_slice %arg11[%add3A_14, %dma_start3A_58] : memref<10240x128xf32, #tpu.memory_space<vmem_shared>> -> memref<128x128xf32, #tpu.memory_space<vmem_shared>>
      %dma_start3A_60 = arith.constant 0 : i32
      %dma_start3A_61 = tpu.memref_slice %arg11[%add3A_14, %dma_start3A_60] : memref<10240x128xf32, #tpu.memory_space<vmem_shared>> -> memref<128x128xf32, #tpu.memory_space<vmem_shared>>
      tpu.enqueue_dma source(%arg9 : memref<128x128xf32, #tpu.memory_space<vmem>>) target(%dma_start3A_61 : memref<128x128xf32, #tpu.memory_space<vmem_shared>>) target_semaphore(%run_scoped3A : memref<!tpu.dma_semaphore, #tpu.memory_space<semaphore_mem>>)
      %dma_wait3A = arith.constant 0 : i32
      %dma_wait3A_62 = tpu.memref_slice %arg11[%add3A_14, %dma_wait3A] : memref<10240x128xf32, #tpu.memory_space<vmem_shared>> -> memref<128x128xf32, #tpu.memory_space<vmem_shared>>
      %dma_wait3A_63 = arith.constant 0 : i32
      %dma_wait3A_64 = tpu.memref_slice %arg11[%add3A_14, %dma_wait3A_63] : memref<10240x128xf32, #tpu.memory_space<vmem_shared>> -> memref<128x128xf32, #tpu.memory_space<vmem_shared>>
      tpu.wait_dma2 semaphore(%run_scoped3A : memref<!tpu.dma_semaphore, #tpu.memory_space<semaphore_mem>>) src(%arg9 : memref<128x128xf32, #tpu.memory_space<vmem>>) dst(%dma_wait3A_64 : memref<128x128xf32, #tpu.memory_space<vmem_shared>>)
      tpu.yield
    }) : () -> ()
    %add3A_15 = arith.constant 384 : i32
    %add3A_16 = arith.addi %mul3A_8, %add3A_15 : i32
    "tpu.region"() ({
      %run_scoped3A = tpu.sem_alloc : memref<!tpu.dma_semaphore, #tpu.memory_space<semaphore_mem>>
      %dma_start3A_58 = arith.constant 0 : i32
      %dma_start3A_59 = tpu.memref_slice %arg11[%add3A_16, %dma_start3A_58] : memref<10240x128xf32, #tpu.memory_space<vmem_shared>> -> memref<128x128xf32, #tpu.memory_space<vmem_shared>>
      %dma_start3A_60 = arith.constant 0 : i32
      %dma_start3A_61 = tpu.memref_slice %arg11[%add3A_16, %dma_start3A_60] : memref<10240x128xf32, #tpu.memory_space<vmem_shared>> -> memref<128x128xf32, #tpu.memory_space<vmem_shared>>
      tpu.enqueue_dma source(%arg9 : memref<128x128xf32, #tpu.memory_space<vmem>>) target(%dma_start3A_61 : memref<128x128xf32, #tpu.memory_space<vmem_shared>>) target_semaphore(%run_scoped3A : memref<!tpu.dma_semaphore, #tpu.memory_space<semaphore_mem>>)
      %dma_wait3A = arith.constant 0 : i32
      %dma_wait3A_62 = tpu.memref_slice %arg11[%add3A_16, %dma_wait3A] : memref<10240x128xf32, #tpu.memory_space<vmem_shared>> -> memref<128x128xf32, #tpu.memory_space<vmem_shared>>
      %dma_wait3A_63 = arith.constant 0 : i32
      %dma_wait3A_64 = tpu.memref_slice %arg11[%add3A_16, %dma_wait3A_63] : memref<10240x128xf32, #tpu.memory_space<vmem_shared>> -> memref<128x128xf32, #tpu.memory_space<vmem_shared>>
      tpu.wait_dma2 semaphore(%run_scoped3A : memref<!tpu.dma_semaphore, #tpu.memory_space<semaphore_mem>>) src(%arg9 : memref<128x128xf32, #tpu.memory_space<vmem>>) dst(%dma_wait3A_64 : memref<128x128xf32, #tpu.memory_space<vmem_shared>>)
      tpu.yield
    }) : () -> ()
    %add3A_17 = arith.constant 512 : i32
    %add3A_18 = arith.addi %mul3A_8, %add3A_17 : i32
    "tpu.region"() ({
      %run_scoped3A = tpu.sem_alloc : memref<!tpu.dma_semaphore, #tpu.memory_space<semaphore_mem>>
      %dma_start3A_58 = arith.constant 0 : i32
      %dma_start3A_59 = tpu.memref_slice %arg11[%add3A_18, %dma_start3A_58] : memref<10240x128xf32, #tpu.memory_space<vmem_shared>> -> memref<128x128xf32, #tpu.memory_space<vmem_shared>>
      %dma_start3A_60 = arith.constant 0 : i32
      %dma_start3A_61 = tpu.memref_slice %arg11[%add3A_18, %dma_start3A_60] : memref<10240x128xf32, #tpu.memory_space<vmem_shared>> -> memref<128x128xf32, #tpu.memory_space<vmem_shared>>
      tpu.enqueue_dma source(%arg9 : memref<128x128xf32, #tpu.memory_space<vmem>>) target(%dma_start3A_61 : memref<128x128xf32, #tpu.memory_space<vmem_shared>>) target_semaphore(%run_scoped3A : memref<!tpu.dma_semaphore, #tpu.memory_space<semaphore_mem>>)
      %dma_wait3A = arith.constant 0 : i32
      %dma_wait3A_62 = tpu.memref_slice %arg11[%add3A_18, %dma_wait3A] : memref<10240x128xf32, #tpu.memory_space<vmem_shared>> -> memref<128x128xf32, #tpu.memory_space<vmem_shared>>
      %dma_wait3A_63 = arith.constant 0 : i32
      %dma_wait3A_64 = tpu.memref_slice %arg11[%add3A_18, %dma_wait3A_63] : memref<10240x128xf32, #tpu.memory_space<vmem_shared>> -> memref<128x128xf32, #tpu.memory_space<vmem_shared>>
      tpu.wait_dma2 semaphore(%run_scoped3A : memref<!tpu.dma_semaphore, #tpu.memory_space<semaphore_mem>>) src(%arg9 : memref<128x128xf32, #tpu.memory_space<vmem>>) dst(%dma_wait3A_64 : memref<128x128xf32, #tpu.memory_space<vmem_shared>>)
      tpu.yield
    }) : () -> ()
    %dma_start3A_19 = arith.constant 0 : i32
    %dma_start3A_20 = arith.constant 0 : i32
    %dma_start3A_21 = tpu.memref_slice %arg7[%dma_start3A_19, %dma_start3A_20] : memref<40x128xi32, #tpu.memory_space<vmem>> -> memref<1x128xi32, #tpu.memory_space<vmem>>
    %dma_start3A_22 = tpu.memref_squeeze %dma_start3A_21 : memref<1x128xi32, #tpu.memory_space<vmem>> -> memref<128xi32, #tpu.memory_space<vmem>>
    %dma_start3A_23 = arith.constant 0 : i32
    %dma_start3A_24 = arith.constant 0 : i32
    %dma_start3A_25 = tpu.memref_slice %arg2[%dma_start3A_23, %dma_start3A_24] : memref<10000x128xf32, #tpu.memory_space<hbm>> -> memref<10000x128xf32, #tpu.memory_space<hbm>>
    tpu.enqueue_indirect_dma source(%dma_start3A_25 : memref<10000x128xf32, #tpu.memory_space<hbm>>) target(%arg9 : memref<128x128xf32, #tpu.memory_space<vmem>>) offsets(%dma_start3A_22 : memref<128xi32, #tpu.memory_space<vmem>>) semaphore(%arg12 : memref<!tpu.dma_semaphore, #tpu.memory_space<semaphore_mem>>)
    %barrier3A = arith.constant 0 : index
    tpu.barrier barrier_id(%barrier3A)
    %scan3A = arith.constant 0 : i32
    %scan3A_26 = arith.constant 0 : i32
    %scan3A_27 = arith.constant 20 : i32
    %scan3A_28 = arith.addi %scan3A_26, %scan3A_27 : i32
    %scan3A_29 = arith.constant 1 : i32
    scf.for %scan3A_58 = %scan3A_26 to %scan3A_28 step %scan3A_29  : i32 {
      %mul3A_59 = arith.constant 2 : i32
      %mul3A_60 = arith.muli %scan3A_58, %mul3A_59 : i32
      %add3A_61 = arith.constant 0 : i32
      %add3A_62 = arith.addi %mul3A_60, %add3A_61 : i32
      %dma_wait3A = arith.constant 0 : i32
      %dma_wait3A_63 = tpu.memref_slice %arg7[%add3A_62, %dma_wait3A] : memref<40x128xi32, #tpu.memory_space<vmem>> -> memref<1x128xi32, #tpu.memory_space<vmem>>
      %dma_wait3A_64 = tpu.memref_squeeze %dma_wait3A_63 : memref<1x128xi32, #tpu.memory_space<vmem>> -> memref<128xi32, #tpu.memory_space<vmem>>
      %dma_wait3A_65 = arith.constant 0 : i32
      %dma_wait3A_66 = arith.constant 0 : i32
      %dma_wait3A_67 = tpu.memref_slice %arg2[%dma_wait3A_65, %dma_wait3A_66] : memref<10000x128xf32, #tpu.memory_space<hbm>> -> memref<10000x128xf32, #tpu.memory_space<hbm>>
      tpu.wait_indirect_dma semaphore(%arg12 : memref<!tpu.dma_semaphore, #tpu.memory_space<semaphore_mem>>) src(%dma_wait3A_67 : memref<10000x128xf32, #tpu.memory_space<hbm>>) dst(%arg9 : memref<128x128xf32, #tpu.memory_space<vmem>>)
      "tpu.region"() ({
        %run_scoped3A = tpu.sem_alloc : memref<!tpu.dma_semaphore, #tpu.memory_space<semaphore_mem>>
        %dma_start3A_89 = arith.constant 0 : i32
        %dma_start3A_90 = tpu.memref_slice %arg8[%add3A_62, %dma_start3A_89] : memref<40x128xi32, #tpu.memory_space<vmem>> -> memref<1x128xi32, #tpu.memory_space<vmem>>
        %dma_start3A_91 = tpu.memref_squeeze %dma_start3A_90 : memref<1x128xi32, #tpu.memory_space<vmem>> -> memref<128xi32, #tpu.memory_space<vmem>>
        %dma_start3A_92 = arith.constant 0 : i32
        %dma_start3A_93 = arith.constant 0 : i32
        %dma_start3A_94 = tpu.memref_slice %arg11[%dma_start3A_92, %dma_start3A_93] : memref<10240x128xf32, #tpu.memory_space<vmem_shared>> -> memref<10240x128xf32, #tpu.memory_space<vmem_shared>>
        tpu.enqueue_indirect_dma source(%arg9 : memref<128x128xf32, #tpu.memory_space<vmem>>) target(%dma_start3A_94 : memref<10240x128xf32, #tpu.memory_space<vmem_shared>>) offsets(%dma_start3A_91 : memref<128xi32, #tpu.memory_space<vmem>>) semaphore(%run_scoped3A : memref<!tpu.dma_semaphore, #tpu.memory_space<semaphore_mem>>) {add = true}
        %dma_wait3A_95 = arith.constant 0 : i32
        %dma_wait3A_96 = tpu.memref_slice %arg8[%add3A_62, %dma_wait3A_95] : memref<40x128xi32, #tpu.memory_space<vmem>> -> memref<1x128xi32, #tpu.memory_space<vmem>>
        %dma_wait3A_97 = tpu.memref_squeeze %dma_wait3A_96 : memref<1x128xi32, #tpu.memory_space<vmem>> -> memref<128xi32, #tpu.memory_space<vmem>>
        %dma_wait3A_98 = arith.constant 0 : i32
        %dma_wait3A_99 = arith.constant 0 : i32
        %dma_wait3A_100 = tpu.memref_slice %arg11[%dma_wait3A_98, %dma_wait3A_99] : memref<10240x128xf32, #tpu.memory_space<vmem_shared>> -> memref<10240x128xf32, #tpu.memory_space<vmem_shared>>
        tpu.wait_indirect_dma semaphore(%run_scoped3A : memref<!tpu.dma_semaphore, #tpu.memory_space<semaphore_mem>>) src(%arg9 : memref<128x128xf32, #tpu.memory_space<vmem>>) dst(%dma_wait3A_100 : memref<10240x128xf32, #tpu.memory_space<vmem_shared>>)
        tpu.yield
      }) : () -> ()
      %add3A_68 = arith.constant 2 : i32
      %add3A_69 = arith.addi %add3A_62, %add3A_68 : i32
      %lt3A = arith.constant 40 : i32
      %lt3A_70 = arith.cmpi slt, %add3A_69, %lt3A : i32
      %convert_element_type3A_71 = arith.extui %lt3A_70 : i1 to i32
      %cond3A_72 = arith.constant 0 : i32
      %cond3A_73 = arith.cmpi ne, %convert_element_type3A_71, %cond3A_72 : i32
      scf.if %cond3A_73 {
        %dma_start3A_89 = arith.constant 0 : i32
        %dma_start3A_90 = tpu.memref_slice %arg7[%add3A_69, %dma_start3A_89] : memref<40x128xi32, #tpu.memory_space<vmem>> -> memref<1x128xi32, #tpu.memory_space<vmem>>
        %dma_start3A_91 = tpu.memref_squeeze %dma_start3A_90 : memref<1x128xi32, #tpu.memory_space<vmem>> -> memref<128xi32, #tpu.memory_space<vmem>>
        %dma_start3A_92 = arith.constant 0 : i32
        %dma_start3A_93 = arith.constant 0 : i32
        %dma_start3A_94 = tpu.memref_slice %arg2[%dma_start3A_92, %dma_start3A_93] : memref<10000x128xf32, #tpu.memory_space<hbm>> -> memref<10000x128xf32, #tpu.memory_space<hbm>>
        tpu.enqueue_indirect_dma source(%dma_start3A_94 : memref<10000x128xf32, #tpu.memory_space<hbm>>) target(%arg9 : memref<128x128xf32, #tpu.memory_space<vmem>>) offsets(%dma_start3A_91 : memref<128xi32, #tpu.memory_space<vmem>>) semaphore(%arg12 : memref<!tpu.dma_semaphore, #tpu.memory_space<semaphore_mem>>)
      } else {
      }
      %add3A_74 = arith.constant 1 : i32
      %add3A_75 = arith.addi %mul3A_60, %add3A_74 : i32
      %dma_wait3A_76 = arith.constant 0 : i32
      %dma_wait3A_77 = tpu.memref_slice %arg7[%add3A_75, %dma_wait3A_76] : memref<40x128xi32, #tpu.memory_space<vmem>> -> memref<1x128xi32, #tpu.memory_space<vmem>>
      %dma_wait3A_78 = tpu.memref_squeeze %dma_wait3A_77 : memref<1x128xi32, #tpu.memory_space<vmem>> -> memref<128xi32, #tpu.memory_space<vmem>>
      %dma_wait3A_79 = arith.constant 0 : i32
      %dma_wait3A_80 = arith.constant 0 : i32
      %dma_wait3A_81 = tpu.memref_slice %arg2[%dma_wait3A_79, %dma_wait3A_80] : memref<10000x128xf32, #tpu.memory_space<hbm>> -> memref<10000x128xf32, #tpu.memory_space<hbm>>
      tpu.wait_indirect_dma semaphore(%arg13 : memref<!tpu.dma_semaphore, #tpu.memory_space<semaphore_mem>>) src(%dma_wait3A_81 : memref<10000x128xf32, #tpu.memory_space<hbm>>) dst(%arg10 : memref<128x128xf32, #tpu.memory_space<vmem>>)
      "tpu.region"() ({
        %run_scoped3A = tpu.sem_alloc : memref<!tpu.dma_semaphore, #tpu.memory_space<semaphore_mem>>
        %dma_start3A_89 = arith.constant 0 : i32
        %dma_start3A_90 = tpu.memref_slice %arg8[%add3A_75, %dma_start3A_89] : memref<40x128xi32, #tpu.memory_space<vmem>> -> memref<1x128xi32, #tpu.memory_space<vmem>>
        %dma_start3A_91 = tpu.memref_squeeze %dma_start3A_90 : memref<1x128xi32, #tpu.memory_space<vmem>> -> memref<128xi32, #tpu.memory_space<vmem>>
        %dma_start3A_92 = arith.constant 0 : i32
        %dma_start3A_93 = arith.constant 0 : i32
        %dma_start3A_94 = tpu.memref_slice %arg11[%dma_start3A_92, %dma_start3A_93] : memref<10240x128xf32, #tpu.memory_space<vmem_shared>> -> memref<10240x128xf32, #tpu.memory_space<vmem_shared>>
        tpu.enqueue_indirect_dma source(%arg10 : memref<128x128xf32, #tpu.memory_space<vmem>>) target(%dma_start3A_94 : memref<10240x128xf32, #tpu.memory_space<vmem_shared>>) offsets(%dma_start3A_91 : memref<128xi32, #tpu.memory_space<vmem>>) semaphore(%run_scoped3A : memref<!tpu.dma_semaphore, #tpu.memory_space<semaphore_mem>>) {add = true}
        %dma_wait3A_95 = arith.constant 0 : i32
        %dma_wait3A_96 = tpu.memref_slice %arg8[%add3A_75, %dma_wait3A_95] : memref<40x128xi32, #tpu.memory_space<vmem>> -> memref<1x128xi32, #tpu.memory_space<vmem>>
        %dma_wait3A_97 = tpu.memref_squeeze %dma_wait3A_96 : memref<1x128xi32, #tpu.memory_space<vmem>> -> memref<128xi32, #tpu.memory_space<vmem>>
        %dma_wait3A_98 = arith.constant 0 : i32
        %dma_wait3A_99 = arith.constant 0 : i32
        %dma_wait3A_100 = tpu.memref_slice %arg11[%dma_wait3A_98, %dma_wait3A_99] : memref<10240x128xf32, #tpu.memory_space<vmem_shared>> -> memref<10240x128xf32, #tpu.memory_space<vmem_shared>>
        tpu.wait_indirect_dma semaphore(%run_scoped3A : memref<!tpu.dma_semaphore, #tpu.memory_space<semaphore_mem>>) src(%arg10 : memref<128x128xf32, #tpu.memory_space<vmem>>) dst(%dma_wait3A_100 : memref<10240x128xf32, #tpu.memory_space<vmem_shared>>)
        tpu.yield
      }) : () -> ()
      %add3A_82 = arith.constant 2 : i32
      %add3A_83 = arith.addi %add3A_75, %add3A_82 : i32
      %lt3A_84 = arith.constant 40 : i32
      %lt3A_85 = arith.cmpi slt, %add3A_83, %lt3A_84 : i32
      %convert_element_type3A_86 = arith.extui %lt3A_85 : i1 to i32
      %cond3A_87 = arith.constant 0 : i32
      %cond3A_88 = arith.cmpi ne, %convert_element_type3A_86, %cond3A_87 : i32
      scf.if %cond3A_88 {
        %dma_start3A_89 = arith.constant 0 : i32
        %dma_start3A_90 = tpu.memref_slice %arg7[%add3A_83, %dma_start3A_89] : memref<40x128xi32, #tpu.memory_space<vmem>> -> memref<1x128xi32, #tpu.memory_space<vmem>>
        %dma_start3A_91 = tpu.memref_squeeze %dma_start3A_90 : memref<1x128xi32, #tpu.memory_space<vmem>> -> memref<128xi32, #tpu.memory_space<vmem>>
        %dma_start3A_92 = arith.constant 0 : i32
        %dma_start3A_93 = arith.constant 0 : i32
        %dma_start3A_94 = tpu.memref_slice %arg2[%dma_start3A_92, %dma_start3A_93] : memref<10000x128xf32, #tpu.memory_space<hbm>> -> memref<10000x128xf32, #tpu.memory_space<hbm>>
        tpu.enqueue_indirect_dma source(%dma_start3A_94 : memref<10000x128xf32, #tpu.memory_space<hbm>>) target(%arg10 : memref<128x128xf32, #tpu.memory_space<vmem>>) offsets(%dma_start3A_91 : memref<128xi32, #tpu.memory_space<vmem>>) semaphore(%arg13 : memref<!tpu.dma_semaphore, #tpu.memory_space<semaphore_mem>>)
      } else {
      }
    }
    %scan3A_30 = arith.constant 20 : i32
    "tpu.region"() ({
      %run_scoped3A = tpu.sem_alloc : memref<!tpu.dma_semaphore, #tpu.memory_space<semaphore_mem>>
      %dma_start3A_58 = arith.constant 40 : i32
      %dma_start3A_59 = arith.constant 0 : i32
      %dma_start3A_60 = tpu.memref_slice %arg3[%add3A, %dma_start3A_58, %dma_start3A_59] : memref<32x80x128xi32, #tpu.memory_space<hbm>> -> memref<1x40x128xi32, #tpu.memory_space<hbm>>
      %dma_start3A_61 = tpu.memref_squeeze %dma_start3A_60 : memref<1x40x128xi32, #tpu.memory_space<hbm>> -> memref<40x128xi32, #tpu.memory_space<hbm>>
      %dma_start3A_62 = arith.constant 40 : i32
      %dma_start3A_63 = arith.constant 0 : i32
      %dma_start3A_64 = tpu.memref_slice %arg3[%add3A, %dma_start3A_62, %dma_start3A_63] : memref<32x80x128xi32, #tpu.memory_space<hbm>> -> memref<1x40x128xi32, #tpu.memory_space<hbm>>
      %dma_start3A_65 = tpu.memref_squeeze %dma_start3A_64 : memref<1x40x128xi32, #tpu.memory_space<hbm>> -> memref<40x128xi32, #tpu.memory_space<hbm>>
      tpu.enqueue_dma source(%dma_start3A_65 : memref<40x128xi32, #tpu.memory_space<hbm>>) target(%arg7 : memref<40x128xi32, #tpu.memory_space<vmem>>) target_semaphore(%run_scoped3A : memref<!tpu.dma_semaphore, #tpu.memory_space<semaphore_mem>>)
      %dma_wait3A = arith.constant 40 : i32
      %dma_wait3A_66 = arith.constant 0 : i32
      %dma_wait3A_67 = tpu.memref_slice %arg3[%add3A, %dma_wait3A, %dma_wait3A_66] : memref<32x80x128xi32, #tpu.memory_space<hbm>> -> memref<1x40x128xi32, #tpu.memory_space<hbm>>
      %dma_wait3A_68 = tpu.memref_squeeze %dma_wait3A_67 : memref<1x40x128xi32, #tpu.memory_space<hbm>> -> memref<40x128xi32, #tpu.memory_space<hbm>>
      %dma_wait3A_69 = arith.constant 40 : i32
      %dma_wait3A_70 = arith.constant 0 : i32
      %dma_wait3A_71 = tpu.memref_slice %arg3[%add3A, %dma_wait3A_69, %dma_wait3A_70] : memref<32x80x128xi32, #tpu.memory_space<hbm>> -> memref<1x40x128xi32, #tpu.memory_space<hbm>>
      %dma_wait3A_72 = tpu.memref_squeeze %dma_wait3A_71 : memref<1x40x128xi32, #tpu.memory_space<hbm>> -> memref<40x128xi32, #tpu.memory_space<hbm>>
      tpu.wait_dma2 semaphore(%run_scoped3A : memref<!tpu.dma_semaphore, #tpu.memory_space<semaphore_mem>>) src(%dma_wait3A_72 : memref<40x128xi32, #tpu.memory_space<hbm>>) dst(%arg7 : memref<40x128xi32, #tpu.memory_space<vmem>>)
      tpu.yield
    }) : () -> ()
    "tpu.region"() ({
      %run_scoped3A = tpu.sem_alloc : memref<!tpu.dma_semaphore, #tpu.memory_space<semaphore_mem>>
      %dma_start3A_58 = arith.constant 40 : i32
      %dma_start3A_59 = arith.constant 0 : i32
      %dma_start3A_60 = tpu.memref_slice %arg4[%add3A, %dma_start3A_58, %dma_start3A_59] : memref<32x80x128xi32, #tpu.memory_space<hbm>> -> memref<1x40x128xi32, #tpu.memory_space<hbm>>
      %dma_start3A_61 = tpu.memref_squeeze %dma_start3A_60 : memref<1x40x128xi32, #tpu.memory_space<hbm>> -> memref<40x128xi32, #tpu.memory_space<hbm>>
      %dma_start3A_62 = arith.constant 40 : i32
      %dma_start3A_63 = arith.constant 0 : i32
      %dma_start3A_64 = tpu.memref_slice %arg4[%add3A, %dma_start3A_62, %dma_start3A_63] : memref<32x80x128xi32, #tpu.memory_space<hbm>> -> memref<1x40x128xi32, #tpu.memory_space<hbm>>
      %dma_start3A_65 = tpu.memref_squeeze %dma_start3A_64 : memref<1x40x128xi32, #tpu.memory_space<hbm>> -> memref<40x128xi32, #tpu.memory_space<hbm>>
      tpu.enqueue_dma source(%dma_start3A_65 : memref<40x128xi32, #tpu.memory_space<hbm>>) target(%arg8 : memref<40x128xi32, #tpu.memory_space<vmem>>) target_semaphore(%run_scoped3A : memref<!tpu.dma_semaphore, #tpu.memory_space<semaphore_mem>>)
      %dma_wait3A = arith.constant 40 : i32
      %dma_wait3A_66 = arith.constant 0 : i32
      %dma_wait3A_67 = tpu.memref_slice %arg4[%add3A, %dma_wait3A, %dma_wait3A_66] : memref<32x80x128xi32, #tpu.memory_space<hbm>> -> memref<1x40x128xi32, #tpu.memory_space<hbm>>
      %dma_wait3A_68 = tpu.memref_squeeze %dma_wait3A_67 : memref<1x40x128xi32, #tpu.memory_space<hbm>> -> memref<40x128xi32, #tpu.memory_space<hbm>>
      %dma_wait3A_69 = arith.constant 40 : i32
      %dma_wait3A_70 = arith.constant 0 : i32
      %dma_wait3A_71 = tpu.memref_slice %arg4[%add3A, %dma_wait3A_69, %dma_wait3A_70] : memref<32x80x128xi32, #tpu.memory_space<hbm>> -> memref<1x40x128xi32, #tpu.memory_space<hbm>>
      %dma_wait3A_72 = tpu.memref_squeeze %dma_wait3A_71 : memref<1x40x128xi32, #tpu.memory_space<hbm>> -> memref<40x128xi32, #tpu.memory_space<hbm>>
      tpu.wait_dma2 semaphore(%run_scoped3A : memref<!tpu.dma_semaphore, #tpu.memory_space<semaphore_mem>>) src(%dma_wait3A_72 : memref<40x128xi32, #tpu.memory_space<hbm>>) dst(%arg8 : memref<40x128xi32, #tpu.memory_space<vmem>>)
      tpu.yield
    }) : () -> ()
    %dma_start3A_31 = arith.constant 0 : i32
    %dma_start3A_32 = arith.constant 0 : i32
    %dma_start3A_33 = tpu.memref_slice %arg7[%dma_start3A_31, %dma_start3A_32] : memref<40x128xi32, #tpu.memory_space<vmem>> -> memref<1x128xi32, #tpu.memory_space<vmem>>
    %dma_start3A_34 = tpu.memref_squeeze %dma_start3A_33 : memref<1x128xi32, #tpu.memory_space<vmem>> -> memref<128xi32, #tpu.memory_space<vmem>>
    %dma_start3A_35 = arith.constant 0 : i32
    %dma_start3A_36 = arith.constant 0 : i32
    %dma_start3A_37 = tpu.memref_slice %arg2[%dma_start3A_35, %dma_start3A_36] : memref<10000x128xf32, #tpu.memory_space<hbm>> -> memref<10000x128xf32, #tpu.memory_space<hbm>>
    tpu.enqueue_indirect_dma source(%dma_start3A_37 : memref<10000x128xf32, #tpu.memory_space<hbm>>) target(%arg9 : memref<128x128xf32, #tpu.memory_space<vmem>>) offsets(%dma_start3A_34 : memref<128xi32, #tpu.memory_space<vmem>>) semaphore(%arg12 : memref<!tpu.dma_semaphore, #tpu.memory_space<semaphore_mem>>)
    %dma_start3A_38 = arith.constant 1 : i32
    %dma_start3A_39 = arith.constant 0 : i32
    %dma_start3A_40 = tpu.memref_slice %arg7[%dma_start3A_38, %dma_start3A_39] : memref<40x128xi32, #tpu.memory_space<vmem>> -> memref<1x128xi32, #tpu.memory_space<vmem>>
    %dma_start3A_41 = tpu.memref_squeeze %dma_start3A_40 : memref<1x128xi32, #tpu.memory_space<vmem>> -> memref<128xi32, #tpu.memory_space<vmem>>
    %dma_start3A_42 = arith.constant 0 : i32
    %dma_start3A_43 = arith.constant 0 : i32
    %dma_start3A_44 = tpu.memref_slice %arg2[%dma_start3A_42, %dma_start3A_43] : memref<10000x128xf32, #tpu.memory_space<hbm>> -> memref<10000x128xf32, #tpu.memory_space<hbm>>
    tpu.enqueue_indirect_dma source(%dma_start3A_44 : memref<10000x128xf32, #tpu.memory_space<hbm>>) target(%arg10 : memref<128x128xf32, #tpu.memory_space<vmem>>) offsets(%dma_start3A_41 : memref<128xi32, #tpu.memory_space<vmem>>) semaphore(%arg13 : memref<!tpu.dma_semaphore, #tpu.memory_space<semaphore_mem>>)
    %scan3A_45 = arith.constant 0 : i32
    %scan3A_46 = arith.constant 0 : i32
    %scan3A_47 = arith.constant 20 : i32
    %scan3A_48 = arith.addi %scan3A_46, %scan3A_47 : i32
    %scan3A_49 = arith.constant 1 : i32
    scf.for %scan3A_58 = %scan3A_46 to %scan3A_48 step %scan3A_49  : i32 {
      %mul3A_59 = arith.constant 2 : i32
      %mul3A_60 = arith.muli %scan3A_58, %mul3A_59 : i32
      %add3A_61 = arith.constant 0 : i32
      %add3A_62 = arith.addi %mul3A_60, %add3A_61 : i32
      %dma_wait3A = arith.constant 0 : i32
      %dma_wait3A_63 = tpu.memref_slice %arg7[%add3A_62, %dma_wait3A] : memref<40x128xi32, #tpu.memory_space<vmem>> -> memref<1x128xi32, #tpu.memory_space<vmem>>
      %dma_wait3A_64 = tpu.memref_squeeze %dma_wait3A_63 : memref<1x128xi32, #tpu.memory_space<vmem>> -> memref<128xi32, #tpu.memory_space<vmem>>
      %dma_wait3A_65 = arith.constant 0 : i32
      %dma_wait3A_66 = arith.constant 0 : i32
      %dma_wait3A_67 = tpu.memref_slice %arg2[%dma_wait3A_65, %dma_wait3A_66] : memref<10000x128xf32, #tpu.memory_space<hbm>> -> memref<10000x128xf32, #tpu.memory_space<hbm>>
      tpu.wait_indirect_dma semaphore(%arg12 : memref<!tpu.dma_semaphore, #tpu.memory_space<semaphore_mem>>) src(%dma_wait3A_67 : memref<10000x128xf32, #tpu.memory_space<hbm>>) dst(%arg9 : memref<128x128xf32, #tpu.memory_space<vmem>>)
      "tpu.region"() ({
        %run_scoped3A = tpu.sem_alloc : memref<!tpu.dma_semaphore, #tpu.memory_space<semaphore_mem>>
        %dma_start3A_89 = arith.constant 0 : i32
        %dma_start3A_90 = tpu.memref_slice %arg8[%add3A_62, %dma_start3A_89] : memref<40x128xi32, #tpu.memory_space<vmem>> -> memref<1x128xi32, #tpu.memory_space<vmem>>
        %dma_start3A_91 = tpu.memref_squeeze %dma_start3A_90 : memref<1x128xi32, #tpu.memory_space<vmem>> -> memref<128xi32, #tpu.memory_space<vmem>>
        %dma_start3A_92 = arith.constant 0 : i32
        %dma_start3A_93 = arith.constant 0 : i32
        %dma_start3A_94 = tpu.memref_slice %arg11[%dma_start3A_92, %dma_start3A_93] : memref<10240x128xf32, #tpu.memory_space<vmem_shared>> -> memref<10240x128xf32, #tpu.memory_space<vmem_shared>>
        tpu.enqueue_indirect_dma source(%arg9 : memref<128x128xf32, #tpu.memory_space<vmem>>) target(%dma_start3A_94 : memref<10240x128xf32, #tpu.memory_space<vmem_shared>>) offsets(%dma_start3A_91 : memref<128xi32, #tpu.memory_space<vmem>>) semaphore(%run_scoped3A : memref<!tpu.dma_semaphore, #tpu.memory_space<semaphore_mem>>) {add = true}
        %dma_wait3A_95 = arith.constant 0 : i32
        %dma_wait3A_96 = tpu.memref_slice %arg8[%add3A_62, %dma_wait3A_95] : memref<40x128xi32, #tpu.memory_space<vmem>> -> memref<1x128xi32, #tpu.memory_space<vmem>>
        %dma_wait3A_97 = tpu.memref_squeeze %dma_wait3A_96 : memref<1x128xi32, #tpu.memory_space<vmem>> -> memref<128xi32, #tpu.memory_space<vmem>>
        %dma_wait3A_98 = arith.constant 0 : i32
        %dma_wait3A_99 = arith.constant 0 : i32
        %dma_wait3A_100 = tpu.memref_slice %arg11[%dma_wait3A_98, %dma_wait3A_99] : memref<10240x128xf32, #tpu.memory_space<vmem_shared>> -> memref<10240x128xf32, #tpu.memory_space<vmem_shared>>
        tpu.wait_indirect_dma semaphore(%run_scoped3A : memref<!tpu.dma_semaphore, #tpu.memory_space<semaphore_mem>>) src(%arg9 : memref<128x128xf32, #tpu.memory_space<vmem>>) dst(%dma_wait3A_100 : memref<10240x128xf32, #tpu.memory_space<vmem_shared>>)
        tpu.yield
      }) : () -> ()
      %add3A_68 = arith.constant 2 : i32
      %add3A_69 = arith.addi %add3A_62, %add3A_68 : i32
      %lt3A = arith.constant 40 : i32
      %lt3A_70 = arith.cmpi slt, %add3A_69, %lt3A : i32
      %convert_element_type3A_71 = arith.extui %lt3A_70 : i1 to i32
      %cond3A_72 = arith.constant 0 : i32
      %cond3A_73 = arith.cmpi ne, %convert_element_type3A_71, %cond3A_72 : i32
      scf.if %cond3A_73 {
        %dma_start3A_89 = arith.constant 0 : i32
        %dma_start3A_90 = tpu.memref_slice %arg7[%add3A_69, %dma_start3A_89] : memref<40x128xi32, #tpu.memory_space<vmem>> -> memref<1x128xi32, #tpu.memory_space<vmem>>
        %dma_start3A_91 = tpu.memref_squeeze %dma_start3A_90 : memref<1x128xi32, #tpu.memory_space<vmem>> -> memref<128xi32, #tpu.memory_space<vmem>>
        %dma_start3A_92 = arith.constant 0 : i32
        %dma_start3A_93 = arith.constant 0 : i32
        %dma_start3A_94 = tpu.memref_slice %arg2[%dma_start3A_92, %dma_start3A_93] : memref<10000x128xf32, #tpu.memory_space<hbm>> -> memref<10000x128xf32, #tpu.memory_space<hbm>>
        tpu.enqueue_indirect_dma source(%dma_start3A_94 : memref<10000x128xf32, #tpu.memory_space<hbm>>) target(%arg9 : memref<128x128xf32, #tpu.memory_space<vmem>>) offsets(%dma_start3A_91 : memref<128xi32, #tpu.memory_space<vmem>>) semaphore(%arg12 : memref<!tpu.dma_semaphore, #tpu.memory_space<semaphore_mem>>)
      } else {
      }
      %add3A_74 = arith.constant 1 : i32
      %add3A_75 = arith.addi %mul3A_60, %add3A_74 : i32
      %dma_wait3A_76 = arith.constant 0 : i32
      %dma_wait3A_77 = tpu.memref_slice %arg7[%add3A_75, %dma_wait3A_76] : memref<40x128xi32, #tpu.memory_space<vmem>> -> memref<1x128xi32, #tpu.memory_space<vmem>>
      %dma_wait3A_78 = tpu.memref_squeeze %dma_wait3A_77 : memref<1x128xi32, #tpu.memory_space<vmem>> -> memref<128xi32, #tpu.memory_space<vmem>>
      %dma_wait3A_79 = arith.constant 0 : i32
      %dma_wait3A_80 = arith.constant 0 : i32
      %dma_wait3A_81 = tpu.memref_slice %arg2[%dma_wait3A_79, %dma_wait3A_80] : memref<10000x128xf32, #tpu.memory_space<hbm>> -> memref<10000x128xf32, #tpu.memory_space<hbm>>
      tpu.wait_indirect_dma semaphore(%arg13 : memref<!tpu.dma_semaphore, #tpu.memory_space<semaphore_mem>>) src(%dma_wait3A_81 : memref<10000x128xf32, #tpu.memory_space<hbm>>) dst(%arg10 : memref<128x128xf32, #tpu.memory_space<vmem>>)
      "tpu.region"() ({
        %run_scoped3A = tpu.sem_alloc : memref<!tpu.dma_semaphore, #tpu.memory_space<semaphore_mem>>
        %dma_start3A_89 = arith.constant 0 : i32
        %dma_start3A_90 = tpu.memref_slice %arg8[%add3A_75, %dma_start3A_89] : memref<40x128xi32, #tpu.memory_space<vmem>> -> memref<1x128xi32, #tpu.memory_space<vmem>>
        %dma_start3A_91 = tpu.memref_squeeze %dma_start3A_90 : memref<1x128xi32, #tpu.memory_space<vmem>> -> memref<128xi32, #tpu.memory_space<vmem>>
        %dma_start3A_92 = arith.constant 0 : i32
        %dma_start3A_93 = arith.constant 0 : i32
        %dma_start3A_94 = tpu.memref_slice %arg11[%dma_start3A_92, %dma_start3A_93] : memref<10240x128xf32, #tpu.memory_space<vmem_shared>> -> memref<10240x128xf32, #tpu.memory_space<vmem_shared>>
        tpu.enqueue_indirect_dma source(%arg10 : memref<128x128xf32, #tpu.memory_space<vmem>>) target(%dma_start3A_94 : memref<10240x128xf32, #tpu.memory_space<vmem_shared>>) offsets(%dma_start3A_91 : memref<128xi32, #tpu.memory_space<vmem>>) semaphore(%run_scoped3A : memref<!tpu.dma_semaphore, #tpu.memory_space<semaphore_mem>>) {add = true}
        %dma_wait3A_95 = arith.constant 0 : i32
        %dma_wait3A_96 = tpu.memref_slice %arg8[%add3A_75, %dma_wait3A_95] : memref<40x128xi32, #tpu.memory_space<vmem>> -> memref<1x128xi32, #tpu.memory_space<vmem>>
        %dma_wait3A_97 = tpu.memref_squeeze %dma_wait3A_96 : memref<1x128xi32, #tpu.memory_space<vmem>> -> memref<128xi32, #tpu.memory_space<vmem>>
        %dma_wait3A_98 = arith.constant 0 : i32
        %dma_wait3A_99 = arith.constant 0 : i32
        %dma_wait3A_100 = tpu.memref_slice %arg11[%dma_wait3A_98, %dma_wait3A_99] : memref<10240x128xf32, #tpu.memory_space<vmem_shared>> -> memref<10240x128xf32, #tpu.memory_space<vmem_shared>>
        tpu.wait_indirect_dma semaphore(%run_scoped3A : memref<!tpu.dma_semaphore, #tpu.memory_space<semaphore_mem>>) src(%arg10 : memref<128x128xf32, #tpu.memory_space<vmem>>) dst(%dma_wait3A_100 : memref<10240x128xf32, #tpu.memory_space<vmem_shared>>)
        tpu.yield
      }) : () -> ()
      %add3A_82 = arith.constant 2 : i32
      %add3A_83 = arith.addi %add3A_75, %add3A_82 : i32
      %lt3A_84 = arith.constant 40 : i32
      %lt3A_85 = arith.cmpi slt, %add3A_83, %lt3A_84 : i32
      %convert_element_type3A_86 = arith.extui %lt3A_85 : i1 to i32
      %cond3A_87 = arith.constant 0 : i32
      %cond3A_88 = arith.cmpi ne, %convert_element_type3A_86, %cond3A_87 : i32
      scf.if %cond3A_88 {
        %dma_start3A_89 = arith.constant 0 : i32
        %dma_start3A_90 = tpu.memref_slice %arg7[%add3A_83, %dma_start3A_89] : memref<40x128xi32, #tpu.memory_space<vmem>> -> memref<1x128xi32, #tpu.memory_space<vmem>>
        %dma_start3A_91 = tpu.memref_squeeze %dma_start3A_90 : memref<1x128xi32, #tpu.memory_space<vmem>> -> memref<128xi32, #tpu.memory_space<vmem>>
        %dma_start3A_92 = arith.constant 0 : i32
        %dma_start3A_93 = arith.constant 0 : i32
        %dma_start3A_94 = tpu.memref_slice %arg2[%dma_start3A_92, %dma_start3A_93] : memref<10000x128xf32, #tpu.memory_space<hbm>> -> memref<10000x128xf32, #tpu.memory_space<hbm>>
        tpu.enqueue_indirect_dma source(%dma_start3A_94 : memref<10000x128xf32, #tpu.memory_space<hbm>>) target(%arg10 : memref<128x128xf32, #tpu.memory_space<vmem>>) offsets(%dma_start3A_91 : memref<128xi32, #tpu.memory_space<vmem>>) semaphore(%arg13 : memref<!tpu.dma_semaphore, #tpu.memory_space<semaphore_mem>>)
      } else {
      }
    }
    %scan3A_50 = arith.constant 20 : i32
    %barrier3A_51 = arith.constant 0 : index
    tpu.barrier barrier_id(%barrier3A_51)
    %mul3A_52 = arith.constant 624 : i32
    %mul3A_53 = arith.muli %arg1, %mul3A_52 : i32
    %mul3A_54 = arith.constant 624 : i32
    %mul3A_55 = arith.muli %arg1, %mul3A_54 : i32
    "tpu.region"() ({
      %run_scoped3A = tpu.sem_alloc : memref<!tpu.dma_semaphore, #tpu.memory_space<semaphore_mem>>
      %dma_start3A_58 = arith.constant 0 : i32
      %dma_start3A_59 = tpu.memref_slice %arg6[%arg0, %mul3A_55, %dma_start3A_58] : memref<2x10000x128xf32, #tpu.memory_space<hbm>> -> memref<1x624x128xf32, #tpu.memory_space<hbm>>
      %dma_start3A_60 = tpu.memref_squeeze %dma_start3A_59 : memref<1x624x128xf32, #tpu.memory_space<hbm>> -> memref<624x128xf32, #tpu.memory_space<hbm>>
      %dma_start3A_61 = arith.constant 0 : i32
      %dma_start3A_62 = tpu.memref_slice %arg11[%mul3A_53, %dma_start3A_61] : memref<10240x128xf32, #tpu.memory_space<vmem_shared>> -> memref<624x128xf32, #tpu.memory_space<vmem_shared>>
      tpu.enqueue_dma source(%dma_start3A_62 : memref<624x128xf32, #tpu.memory_space<vmem_shared>>) target(%dma_start3A_60 : memref<624x128xf32, #tpu.memory_space<hbm>>) target_semaphore(%run_scoped3A : memref<!tpu.dma_semaphore, #tpu.memory_space<semaphore_mem>>)
      %dma_wait3A = arith.constant 0 : i32
      %dma_wait3A_63 = tpu.memref_slice %arg6[%arg0, %mul3A_55, %dma_wait3A] : memref<2x10000x128xf32, #tpu.memory_space<hbm>> -> memref<1x624x128xf32, #tpu.memory_space<hbm>>
      %dma_wait3A_64 = tpu.memref_squeeze %dma_wait3A_63 : memref<1x624x128xf32, #tpu.memory_space<hbm>> -> memref<624x128xf32, #tpu.memory_space<hbm>>
      %dma_wait3A_65 = arith.constant 0 : i32
      %dma_wait3A_66 = tpu.memref_slice %arg11[%mul3A_53, %dma_wait3A_65] : memref<10240x128xf32, #tpu.memory_space<vmem_shared>> -> memref<624x128xf32, #tpu.memory_space<vmem_shared>>
      tpu.wait_dma2 semaphore(%run_scoped3A : memref<!tpu.dma_semaphore, #tpu.memory_space<semaphore_mem>>) src(%dma_wait3A_66 : memref<624x128xf32, #tpu.memory_space<vmem_shared>>) dst(%dma_wait3A_64 : memref<624x128xf32, #tpu.memory_space<hbm>>)
      tpu.yield
    }) : () -> ()
    %eq3A = arith.constant 0 : i32
    %eq3A_56 = arith.cmpi eq, %arg1, %eq3A : i32
    %convert_element_type3A = arith.extui %eq3A_56 : i1 to i32
    %cond3A = arith.constant 0 : i32
    %cond3A_57 = arith.cmpi ne, %convert_element_type3A, %cond3A : i32
    scf.if %cond3A_57 {
      "tpu.region"() ({
        %run_scoped3A = tpu.sem_alloc : memref<!tpu.dma_semaphore, #tpu.memory_space<semaphore_mem>>
        %dma_start3A_58 = arith.constant 9984 : i32
        %dma_start3A_59 = arith.constant 0 : i32
        %dma_start3A_60 = tpu.memref_slice %arg6[%arg0, %dma_start3A_58, %dma_start3A_59] : memref<2x10000x128xf32, #tpu.memory_space<hbm>> -> memref<1x16x128xf32, #tpu.memory_space<hbm>>
        %dma_start3A_61 = tpu.memref_squeeze %dma_start3A_60 : memref<1x16x128xf32, #tpu.memory_space<hbm>> -> memref<16x128xf32, #tpu.memory_space<hbm>>
        %dma_start3A_62 = arith.constant 9984 : i32
        %dma_start3A_63 = arith.constant 0 : i32
        %dma_start3A_64 = tpu.memref_slice %arg11[%dma_start3A_62, %dma_start3A_63] : memref<10240x128xf32, #tpu.memory_space<vmem_shared>> -> memref<16x128xf32, #tpu.memory_space<vmem_shared>>
        tpu.enqueue_dma source(%dma_start3A_64 : memref<16x128xf32, #tpu.memory_space<vmem_shared>>) target(%dma_start3A_61 : memref<16x128xf32, #tpu.memory_space<hbm>>) target_semaphore(%run_scoped3A : memref<!tpu.dma_semaphore, #tpu.memory_space<semaphore_mem>>)
        %dma_wait3A = arith.constant 9984 : i32
        %dma_wait3A_65 = arith.constant 0 : i32
        %dma_wait3A_66 = tpu.memref_slice %arg6[%arg0, %dma_wait3A, %dma_wait3A_65] : memref<2x10000x128xf32, #tpu.memory_space<hbm>> -> memref<1x16x128xf32, #tpu.memory_space<hbm>>
        %dma_wait3A_67 = tpu.memref_squeeze %dma_wait3A_66 : memref<1x16x128xf32, #tpu.memory_space<hbm>> -> memref<16x128xf32, #tpu.memory_space<hbm>>
        %dma_wait3A_68 = arith.constant 9984 : i32
        %dma_wait3A_69 = arith.constant 0 : i32
        %dma_wait3A_70 = tpu.memref_slice %arg11[%dma_wait3A_68, %dma_wait3A_69] : memref<10240x128xf32, #tpu.memory_space<vmem_shared>> -> memref<16x128xf32, #tpu.memory_space<vmem_shared>>
        tpu.wait_dma2 semaphore(%run_scoped3A : memref<!tpu.dma_semaphore, #tpu.memory_space<semaphore_mem>>) src(%dma_wait3A_70 : memref<16x128xf32, #tpu.memory_space<vmem_shared>>) dst(%dma_wait3A_67 : memref<16x128xf32, #tpu.memory_space<hbm>>)
        tpu.yield
      }) : () -> ()
    } else {
    }
    return
  }
}

#map = affine_map<(d0, d1) -> (0, 0)>
#map1 = affine_map<(d0, d1) -> (0, 0, 0)>
module attributes {stable_mosaic.version = 14 : i64} {
  func.func @k(%arg0: i32, %arg1: i32, %arg2: memref<10000x128xf32, #tpu.memory_space<hbm>>, %arg3: memref<32x80x128xi32, #tpu.memory_space<hbm>>, %arg4: memref<32x80x128xi32, #tpu.memory_space<hbm>>, %arg5: memref<128x128xf32, #tpu.memory_space<hbm>>, %arg6: memref<2x10000x128xf32, #tpu.memory_space<hbm>>, %arg7: memref<40x128xi32, #tpu.memory_space<vmem>>, %arg8: memref<40x128xi32, #tpu.memory_space<vmem>>, %arg9: memref<128x128xf32, #tpu.memory_space<vmem>>, %arg10: memref<128x128xf32, #tpu.memory_space<vmem>>, %arg11: memref<10240x128xf32, #tpu.memory_space<vmem_shared>>, %arg12: memref<!tpu.dma_semaphore, #tpu.memory_space<semaphore_mem>>, %arg13: memref<!tpu.dma_semaphore, #tpu.memory_space<semaphore_mem>>) attributes {dimension_semantics = [#tpu.dimension_semantics<core_parallel>, #tpu.dimension_semantics<subcore_parallel>], iteration_bounds = array<i64: 2, 16>, scalar_prefetch = 0 : i64, scratch_operands = 7 : i64, tpu.core_type = #tpu.core_type<sc_vector_subcore>, window_params = [{transform_indices = #map}, {transform_indices = #map1}, {transform_indices = #map1}, {transform_indices = #map}, {transform_indices = #map1}]} {
    %mul3A = arith.constant 2 : i32
    %mul3A_0 = arith.muli %arg1, %mul3A : i32
    %add3A = arith.addi %mul3A_0, %arg0 : i32
    "tpu.region"() ({
      %run_scoped3A = tpu.sem_alloc : memref<!tpu.dma_semaphore, #tpu.memory_space<semaphore_mem>>
      %dma_start3A_58 = arith.constant 0 : i32
      %dma_start3A_59 = arith.constant 0 : i32
      %dma_start3A_60 = tpu.memref_slice %arg3[%add3A, %dma_start3A_58, %dma_start3A_59] : memref<32x80x128xi32, #tpu.memory_space<hbm>> -> memref<1x40x128xi32, #tpu.memory_space<hbm>>
      %dma_start3A_61 = tpu.memref_squeeze %dma_start3A_60 : memref<1x40x128xi32, #tpu.memory_space<hbm>> -> memref<40x128xi32, #tpu.memory_space<hbm>>
      %dma_start3A_62 = arith.constant 0 : i32
      %dma_start3A_63 = arith.constant 0 : i32
      %dma_start3A_64 = tpu.memref_slice %arg3[%add3A, %dma_start3A_62, %dma_start3A_63] : memref<32x80x128xi32, #tpu.memory_space<hbm>> -> memref<1x40x128xi32, #tpu.memory_space<hbm>>
      %dma_start3A_65 = tpu.memref_squeeze %dma_start3A_64 : memref<1x40x128xi32, #tpu.memory_space<hbm>> -> memref<40x128xi32, #tpu.memory_space<hbm>>
      tpu.enqueue_dma source(%dma_start3A_65 : memref<40x128xi32, #tpu.memory_space<hbm>>) target(%arg7 : memref<40x128xi32, #tpu.memory_space<vmem>>) target_semaphore(%run_scoped3A : memref<!tpu.dma_semaphore, #tpu.memory_space<semaphore_mem>>)
      %dma_wait3A = arith.constant 0 : i32
      %dma_wait3A_66 = arith.constant 0 : i32
      %dma_wait3A_67 = tpu.memref_slice %arg3[%add3A, %dma_wait3A, %dma_wait3A_66] : memref<32x80x128xi32, #tpu.memory_space<hbm>> -> memref<1x40x128xi32, #tpu.memory_space<hbm>>
      %dma_wait3A_68 = tpu.memref_squeeze %dma_wait3A_67 : memref<1x40x128xi32, #tpu.memory_space<hbm>> -> memref<40x128xi32, #tpu.memory_space<hbm>>
      %dma_wait3A_69 = arith.constant 0 : i32
      %dma_wait3A_70 = arith.constant 0 : i32
      %dma_wait3A_71 = tpu.memref_slice %arg3[%add3A, %dma_wait3A_69, %dma_wait3A_70] : memref<32x80x128xi32, #tpu.memory_space<hbm>> -> memref<1x40x128xi32, #tpu.memory_space<hbm>>
      %dma_wait3A_72 = tpu.memref_squeeze %dma_wait3A_71 : memref<1x40x128xi32, #tpu.memory_space<hbm>> -> memref<40x128xi32, #tpu.memory_space<hbm>>
      tpu.wait_dma2 semaphore(%run_scoped3A : memref<!tpu.dma_semaphore, #tpu.memory_space<semaphore_mem>>) src(%dma_wait3A_72 : memref<40x128xi32, #tpu.memory_space<hbm>>) dst(%arg7 : memref<40x128xi32, #tpu.memory_space<vmem>>)
      tpu.yield
    }) : () -> ()
    %dma_start3A = arith.constant 1 : i32
    %dma_start3A_1 = arith.constant 0 : i32
    %dma_start3A_2 = tpu.memref_slice %arg7[%dma_start3A, %dma_start3A_1] : memref<40x128xi32, #tpu.memory_space<vmem>> -> memref<1x128xi32, #tpu.memory_space<vmem>>
    %dma_start3A_3 = tpu.memref_squeeze %dma_start3A_2 : memref<1x128xi32, #tpu.memory_space<vmem>> -> memref<128xi32, #tpu.memory_space<vmem>>
    %dma_start3A_4 = arith.constant 0 : i32
    %dma_start3A_5 = arith.constant 0 : i32
    %dma_start3A_6 = tpu.memref_slice %arg2[%dma_start3A_4, %dma_start3A_5] : memref<10000x128xf32, #tpu.memory_space<hbm>> -> memref<10000x128xf32, #tpu.memory_space<hbm>>
    tpu.enqueue_indirect_dma source(%dma_start3A_6 : memref<10000x128xf32, #tpu.memory_space<hbm>>) target(%arg10 : memref<128x128xf32, #tpu.memory_space<vmem>>) offsets(%dma_start3A_3 : memref<128xi32, #tpu.memory_space<vmem>>) semaphore(%arg13 : memref<!tpu.dma_semaphore, #tpu.memory_space<semaphore_mem>>)
    "tpu.region"() ({
      %run_scoped3A = tpu.sem_alloc : memref<!tpu.dma_semaphore, #tpu.memory_space<semaphore_mem>>
      %dma_start3A_58 = arith.constant 0 : i32
      %dma_start3A_59 = arith.constant 0 : i32
      %dma_start3A_60 = tpu.memref_slice %arg4[%add3A, %dma_start3A_58, %dma_start3A_59] : memref<32x80x128xi32, #tpu.memory_space<hbm>> -> memref<1x40x128xi32, #tpu.memory_space<hbm>>
      %dma_start3A_61 = tpu.memref_squeeze %dma_start3A_60 : memref<1x40x128xi32, #tpu.memory_space<hbm>> -> memref<40x128xi32, #tpu.memory_space<hbm>>
      %dma_start3A_62 = arith.constant 0 : i32
      %dma_start3A_63 = arith.constant 0 : i32
      %dma_start3A_64 = tpu.memref_slice %arg4[%add3A, %dma_start3A_62, %dma_start3A_63] : memref<32x80x128xi32, #tpu.memory_space<hbm>> -> memref<1x40x128xi32, #tpu.memory_space<hbm>>
      %dma_start3A_65 = tpu.memref_squeeze %dma_start3A_64 : memref<1x40x128xi32, #tpu.memory_space<hbm>> -> memref<40x128xi32, #tpu.memory_space<hbm>>
      tpu.enqueue_dma source(%dma_start3A_65 : memref<40x128xi32, #tpu.memory_space<hbm>>) target(%arg8 : memref<40x128xi32, #tpu.memory_space<vmem>>) target_semaphore(%run_scoped3A : memref<!tpu.dma_semaphore, #tpu.memory_space<semaphore_mem>>)
      %dma_wait3A = arith.constant 0 : i32
      %dma_wait3A_66 = arith.constant 0 : i32
      %dma_wait3A_67 = tpu.memref_slice %arg4[%add3A, %dma_wait3A, %dma_wait3A_66] : memref<32x80x128xi32, #tpu.memory_space<hbm>> -> memref<1x40x128xi32, #tpu.memory_space<hbm>>
      %dma_wait3A_68 = tpu.memref_squeeze %dma_wait3A_67 : memref<1x40x128xi32, #tpu.memory_space<hbm>> -> memref<40x128xi32, #tpu.memory_space<hbm>>
      %dma_wait3A_69 = arith.constant 0 : i32
      %dma_wait3A_70 = arith.constant 0 : i32
      %dma_wait3A_71 = tpu.memref_slice %arg4[%add3A, %dma_wait3A_69, %dma_wait3A_70] : memref<32x80x128xi32, #tpu.memory_space<hbm>> -> memref<1x40x128xi32, #tpu.memory_space<hbm>>
      %dma_wait3A_72 = tpu.memref_squeeze %dma_wait3A_71 : memref<1x40x128xi32, #tpu.memory_space<hbm>> -> memref<40x128xi32, #tpu.memory_space<hbm>>
      tpu.wait_dma2 semaphore(%run_scoped3A : memref<!tpu.dma_semaphore, #tpu.memory_space<semaphore_mem>>) src(%dma_wait3A_72 : memref<40x128xi32, #tpu.memory_space<hbm>>) dst(%arg8 : memref<40x128xi32, #tpu.memory_space<vmem>>)
      tpu.yield
    }) : () -> ()
    "tpu.region"() ({
      %run_scoped3A = tpu.sem_alloc : memref<!tpu.dma_semaphore, #tpu.memory_space<semaphore_mem>>
      tpu.enqueue_dma source(%arg5 : memref<128x128xf32, #tpu.memory_space<hbm>>) target(%arg9 : memref<128x128xf32, #tpu.memory_space<vmem>>) target_semaphore(%run_scoped3A : memref<!tpu.dma_semaphore, #tpu.memory_space<semaphore_mem>>)
      tpu.wait_dma2 semaphore(%run_scoped3A : memref<!tpu.dma_semaphore, #tpu.memory_space<semaphore_mem>>) src(%arg5 : memref<128x128xf32, #tpu.memory_space<hbm>>) dst(%arg9 : memref<128x128xf32, #tpu.memory_space<vmem>>)
      tpu.yield
    }) : () -> ()
    %mul3A_7 = arith.constant 640 : i32
    %mul3A_8 = arith.muli %arg1, %mul3A_7 : i32
    %add3A_9 = arith.constant 0 : i32
    %add3A_10 = arith.addi %mul3A_8, %add3A_9 : i32
    "tpu.region"() ({
      %run_scoped3A = tpu.sem_alloc : memref<!tpu.dma_semaphore, #tpu.memory_space<semaphore_mem>>
      %dma_start3A_58 = arith.constant 0 : i32
      %dma_start3A_59 = tpu.memref_slice %arg11[%add3A_10, %dma_start3A_58] : memref<10240x128xf32, #tpu.memory_space<vmem_shared>> -> memref<128x128xf32, #tpu.memory_space<vmem_shared>>
      %dma_start3A_60 = arith.constant 0 : i32
      %dma_start3A_61 = tpu.memref_slice %arg11[%add3A_10, %dma_start3A_60] : memref<10240x128xf32, #tpu.memory_space<vmem_shared>> -> memref<128x128xf32, #tpu.memory_space<vmem_shared>>
      tpu.enqueue_dma source(%arg9 : memref<128x128xf32, #tpu.memory_space<vmem>>) target(%dma_start3A_61 : memref<128x128xf32, #tpu.memory_space<vmem_shared>>) target_semaphore(%run_scoped3A : memref<!tpu.dma_semaphore, #tpu.memory_space<semaphore_mem>>)
      %dma_wait3A = arith.constant 0 : i32
      %dma_wait3A_62 = tpu.memref_slice %arg11[%add3A_10, %dma_wait3A] : memref<10240x128xf32, #tpu.memory_space<vmem_shared>> -> memref<128x128xf32, #tpu.memory_space<vmem_shared>>
      %dma_wait3A_63 = arith.constant 0 : i32
      %dma_wait3A_64 = tpu.memref_slice %arg11[%add3A_10, %dma_wait3A_63] : memref<10240x128xf32, #tpu.memory_space<vmem_shared>> -> memref<128x128xf32, #tpu.memory_space<vmem_shared>>
      tpu.wait_dma2 semaphore(%run_scoped3A : memref<!tpu.dma_semaphore, #tpu.memory_space<semaphore_mem>>) src(%arg9 : memref<128x128xf32, #tpu.memory_space<vmem>>) dst(%dma_wait3A_64 : memref<128x128xf32, #tpu.memory_space<vmem_shared>>)
      tpu.yield
    }) : () -> ()
    %add3A_11 = arith.constant 128 : i32
    %add3A_12 = arith.addi %mul3A_8, %add3A_11 : i32
    "tpu.region"() ({
      %run_scoped3A = tpu.sem_alloc : memref<!tpu.dma_semaphore, #tpu.memory_space<semaphore_mem>>
      %dma_start3A_58 = arith.constant 0 : i32
      %dma_start3A_59 = tpu.memref_slice %arg11[%add3A_12, %dma_start3A_58] : memref<10240x128xf32, #tpu.memory_space<vmem_shared>> -> memref<128x128xf32, #tpu.memory_space<vmem_shared>>
      %dma_start3A_60 = arith.constant 0 : i32
      %dma_start3A_61 = tpu.memref_slice %arg11[%add3A_12, %dma_start3A_60] : memref<10240x128xf32, #tpu.memory_space<vmem_shared>> -> memref<128x128xf32, #tpu.memory_space<vmem_shared>>
      tpu.enqueue_dma source(%arg9 : memref<128x128xf32, #tpu.memory_space<vmem>>) target(%dma_start3A_61 : memref<128x128xf32, #tpu.memory_space<vmem_shared>>) target_semaphore(%run_scoped3A : memref<!tpu.dma_semaphore, #tpu.memory_space<semaphore_mem>>)
      %dma_wait3A = arith.constant 0 : i32
      %dma_wait3A_62 = tpu.memref_slice %arg11[%add3A_12, %dma_wait3A] : memref<10240x128xf32, #tpu.memory_space<vmem_shared>> -> memref<128x128xf32, #tpu.memory_space<vmem_shared>>
      %dma_wait3A_63 = arith.constant 0 : i32
      %dma_wait3A_64 = tpu.memref_slice %arg11[%add3A_12, %dma_wait3A_63] : memref<10240x128xf32, #tpu.memory_space<vmem_shared>> -> memref<128x128xf32, #tpu.memory_space<vmem_shared>>
      tpu.wait_dma2 semaphore(%run_scoped3A : memref<!tpu.dma_semaphore, #tpu.memory_space<semaphore_mem>>) src(%arg9 : memref<128x128xf32, #tpu.memory_space<vmem>>) dst(%dma_wait3A_64 : memref<128x128xf32, #tpu.memory_space<vmem_shared>>)
      tpu.yield
    }) : () -> ()
    %add3A_13 = arith.constant 256 : i32
    %add3A_14 = arith.addi %mul3A_8, %add3A_13 : i32
    "tpu.region"() ({
      %run_scoped3A = tpu.sem_alloc : memref<!tpu.dma_semaphore, #tpu.memory_space<semaphore_mem>>
      %dma_start3A_58 = arith.constant 0 : i32
      %dma_start3A_59 = tpu.memref_slice %arg11[%add3A_14, %dma_start3A_58] : memref<10240x128xf32, #tpu.memory_space<vmem_shared>> -> memref<128x128xf32, #tpu.memory_space<vmem_shared>>
      %dma_start3A_60 = arith.constant 0 : i32
      %dma_start3A_61 = tpu.memref_slice %arg11[%add3A_14, %dma_start3A_60] : memref<10240x128xf32, #tpu.memory_space<vmem_shared>> -> memref<128x128xf32, #tpu.memory_space<vmem_shared>>
      tpu.enqueue_dma source(%arg9 : memref<128x128xf32, #tpu.memory_space<vmem>>) target(%dma_start3A_61 : memref<128x128xf32, #tpu.memory_space<vmem_shared>>) target_semaphore(%run_scoped3A : memref<!tpu.dma_semaphore, #tpu.memory_space<semaphore_mem>>)
      %dma_wait3A = arith.constant 0 : i32
      %dma_wait3A_62 = tpu.memref_slice %arg11[%add3A_14, %dma_wait3A] : memref<10240x128xf32, #tpu.memory_space<vmem_shared>> -> memref<128x128xf32, #tpu.memory_space<vmem_shared>>
      %dma_wait3A_63 = arith.constant 0 : i32
      %dma_wait3A_64 = tpu.memref_slice %arg11[%add3A_14, %dma_wait3A_63] : memref<10240x128xf32, #tpu.memory_space<vmem_shared>> -> memref<128x128xf32, #tpu.memory_space<vmem_shared>>
      tpu.wait_dma2 semaphore(%run_scoped3A : memref<!tpu.dma_semaphore, #tpu.memory_space<semaphore_mem>>) src(%arg9 : memref<128x128xf32, #tpu.memory_space<vmem>>) dst(%dma_wait3A_64 : memref<128x128xf32, #tpu.memory_space<vmem_shared>>)
      tpu.yield
    }) : () -> ()
    %add3A_15 = arith.constant 384 : i32
    %add3A_16 = arith.addi %mul3A_8, %add3A_15 : i32
    "tpu.region"() ({
      %run_scoped3A = tpu.sem_alloc : memref<!tpu.dma_semaphore, #tpu.memory_space<semaphore_mem>>
      %dma_start3A_58 = arith.constant 0 : i32
      %dma_start3A_59 = tpu.memref_slice %arg11[%add3A_16, %dma_start3A_58] : memref<10240x128xf32, #tpu.memory_space<vmem_shared>> -> memref<128x128xf32, #tpu.memory_space<vmem_shared>>
      %dma_start3A_60 = arith.constant 0 : i32
      %dma_start3A_61 = tpu.memref_slice %arg11[%add3A_16, %dma_start3A_60] : memref<10240x128xf32, #tpu.memory_space<vmem_shared>> -> memref<128x128xf32, #tpu.memory_space<vmem_shared>>
      tpu.enqueue_dma source(%arg9 : memref<128x128xf32, #tpu.memory_space<vmem>>) target(%dma_start3A_61 : memref<128x128xf32, #tpu.memory_space<vmem_shared>>) target_semaphore(%run_scoped3A : memref<!tpu.dma_semaphore, #tpu.memory_space<semaphore_mem>>)
      %dma_wait3A = arith.constant 0 : i32
      %dma_wait3A_62 = tpu.memref_slice %arg11[%add3A_16, %dma_wait3A] : memref<10240x128xf32, #tpu.memory_space<vmem_shared>> -> memref<128x128xf32, #tpu.memory_space<vmem_shared>>
      %dma_wait3A_63 = arith.constant 0 : i32
      %dma_wait3A_64 = tpu.memref_slice %arg11[%add3A_16, %dma_wait3A_63] : memref<10240x128xf32, #tpu.memory_space<vmem_shared>> -> memref<128x128xf32, #tpu.memory_space<vmem_shared>>
      tpu.wait_dma2 semaphore(%run_scoped3A : memref<!tpu.dma_semaphore, #tpu.memory_space<semaphore_mem>>) src(%arg9 : memref<128x128xf32, #tpu.memory_space<vmem>>) dst(%dma_wait3A_64 : memref<128x128xf32, #tpu.memory_space<vmem_shared>>)
      tpu.yield
    }) : () -> ()
    %add3A_17 = arith.constant 512 : i32
    %add3A_18 = arith.addi %mul3A_8, %add3A_17 : i32
    "tpu.region"() ({
      %run_scoped3A = tpu.sem_alloc : memref<!tpu.dma_semaphore, #tpu.memory_space<semaphore_mem>>
      %dma_start3A_58 = arith.constant 0 : i32
      %dma_start3A_59 = tpu.memref_slice %arg11[%add3A_18, %dma_start3A_58] : memref<10240x128xf32, #tpu.memory_space<vmem_shared>> -> memref<128x128xf32, #tpu.memory_space<vmem_shared>>
      %dma_start3A_60 = arith.constant 0 : i32
      %dma_start3A_61 = tpu.memref_slice %arg11[%add3A_18, %dma_start3A_60] : memref<10240x128xf32, #tpu.memory_space<vmem_shared>> -> memref<128x128xf32, #tpu.memory_space<vmem_shared>>
      tpu.enqueue_dma source(%arg9 : memref<128x128xf32, #tpu.memory_space<vmem>>) target(%dma_start3A_61 : memref<128x128xf32, #tpu.memory_space<vmem_shared>>) target_semaphore(%run_scoped3A : memref<!tpu.dma_semaphore, #tpu.memory_space<semaphore_mem>>)
      %dma_wait3A = arith.constant 0 : i32
      %dma_wait3A_62 = tpu.memref_slice %arg11[%add3A_18, %dma_wait3A] : memref<10240x128xf32, #tpu.memory_space<vmem_shared>> -> memref<128x128xf32, #tpu.memory_space<vmem_shared>>
      %dma_wait3A_63 = arith.constant 0 : i32
      %dma_wait3A_64 = tpu.memref_slice %arg11[%add3A_18, %dma_wait3A_63] : memref<10240x128xf32, #tpu.memory_space<vmem_shared>> -> memref<128x128xf32, #tpu.memory_space<vmem_shared>>
      tpu.wait_dma2 semaphore(%run_scoped3A : memref<!tpu.dma_semaphore, #tpu.memory_space<semaphore_mem>>) src(%arg9 : memref<128x128xf32, #tpu.memory_space<vmem>>) dst(%dma_wait3A_64 : memref<128x128xf32, #tpu.memory_space<vmem_shared>>)
      tpu.yield
    }) : () -> ()
    %dma_start3A_19 = arith.constant 0 : i32
    %dma_start3A_20 = arith.constant 0 : i32
    %dma_start3A_21 = tpu.memref_slice %arg7[%dma_start3A_19, %dma_start3A_20] : memref<40x128xi32, #tpu.memory_space<vmem>> -> memref<1x128xi32, #tpu.memory_space<vmem>>
    %dma_start3A_22 = tpu.memref_squeeze %dma_start3A_21 : memref<1x128xi32, #tpu.memory_space<vmem>> -> memref<128xi32, #tpu.memory_space<vmem>>
    %dma_start3A_23 = arith.constant 0 : i32
    %dma_start3A_24 = arith.constant 0 : i32
    %dma_start3A_25 = tpu.memref_slice %arg2[%dma_start3A_23, %dma_start3A_24] : memref<10000x128xf32, #tpu.memory_space<hbm>> -> memref<10000x128xf32, #tpu.memory_space<hbm>>
    tpu.enqueue_indirect_dma source(%dma_start3A_25 : memref<10000x128xf32, #tpu.memory_space<hbm>>) target(%arg9 : memref<128x128xf32, #tpu.memory_space<vmem>>) offsets(%dma_start3A_22 : memref<128xi32, #tpu.memory_space<vmem>>) semaphore(%arg12 : memref<!tpu.dma_semaphore, #tpu.memory_space<semaphore_mem>>)
    %barrier3A = arith.constant 0 : index
    tpu.barrier barrier_id(%barrier3A)
    %scan3A = arith.constant 0 : i32
    %scan3A_26 = arith.constant 0 : i32
    %scan3A_27 = arith.constant 20 : i32
    %scan3A_28 = arith.addi %scan3A_26, %scan3A_27 : i32
    %scan3A_29 = arith.constant 1 : i32
    scf.for %scan3A_58 = %scan3A_26 to %scan3A_28 step %scan3A_29  : i32 {
      %mul3A_59 = arith.constant 2 : i32
      %mul3A_60 = arith.muli %scan3A_58, %mul3A_59 : i32
      %add3A_61 = arith.constant 0 : i32
      %add3A_62 = arith.addi %mul3A_60, %add3A_61 : i32
      %dma_wait3A = arith.constant 0 : i32
      %dma_wait3A_63 = tpu.memref_slice %arg7[%add3A_62, %dma_wait3A] : memref<40x128xi32, #tpu.memory_space<vmem>> -> memref<1x128xi32, #tpu.memory_space<vmem>>
      %dma_wait3A_64 = tpu.memref_squeeze %dma_wait3A_63 : memref<1x128xi32, #tpu.memory_space<vmem>> -> memref<128xi32, #tpu.memory_space<vmem>>
      %dma_wait3A_65 = arith.constant 0 : i32
      %dma_wait3A_66 = arith.constant 0 : i32
      %dma_wait3A_67 = tpu.memref_slice %arg2[%dma_wait3A_65, %dma_wait3A_66] : memref<10000x128xf32, #tpu.memory_space<hbm>> -> memref<10000x128xf32, #tpu.memory_space<hbm>>
      tpu.wait_indirect_dma semaphore(%arg12 : memref<!tpu.dma_semaphore, #tpu.memory_space<semaphore_mem>>) src(%dma_wait3A_67 : memref<10000x128xf32, #tpu.memory_space<hbm>>) dst(%arg9 : memref<128x128xf32, #tpu.memory_space<vmem>>)
      "tpu.region"() ({
        %run_scoped3A = tpu.sem_alloc : memref<!tpu.dma_semaphore, #tpu.memory_space<semaphore_mem>>
        %dma_start3A_89 = arith.constant 0 : i32
        %dma_start3A_90 = tpu.memref_slice %arg8[%add3A_62, %dma_start3A_89] : memref<40x128xi32, #tpu.memory_space<vmem>> -> memref<1x128xi32, #tpu.memory_space<vmem>>
        %dma_start3A_91 = tpu.memref_squeeze %dma_start3A_90 : memref<1x128xi32, #tpu.memory_space<vmem>> -> memref<128xi32, #tpu.memory_space<vmem>>
        %dma_start3A_92 = arith.constant 0 : i32
        %dma_start3A_93 = arith.constant 0 : i32
        %dma_start3A_94 = tpu.memref_slice %arg11[%dma_start3A_92, %dma_start3A_93] : memref<10240x128xf32, #tpu.memory_space<vmem_shared>> -> memref<10240x128xf32, #tpu.memory_space<vmem_shared>>
        tpu.enqueue_indirect_dma source(%arg9 : memref<128x128xf32, #tpu.memory_space<vmem>>) target(%dma_start3A_94 : memref<10240x128xf32, #tpu.memory_space<vmem_shared>>) offsets(%dma_start3A_91 : memref<128xi32, #tpu.memory_space<vmem>>) semaphore(%run_scoped3A : memref<!tpu.dma_semaphore, #tpu.memory_space<semaphore_mem>>) {add = true}
        %dma_wait3A_95 = arith.constant 0 : i32
        %dma_wait3A_96 = tpu.memref_slice %arg8[%add3A_62, %dma_wait3A_95] : memref<40x128xi32, #tpu.memory_space<vmem>> -> memref<1x128xi32, #tpu.memory_space<vmem>>
        %dma_wait3A_97 = tpu.memref_squeeze %dma_wait3A_96 : memref<1x128xi32, #tpu.memory_space<vmem>> -> memref<128xi32, #tpu.memory_space<vmem>>
        %dma_wait3A_98 = arith.constant 0 : i32
        %dma_wait3A_99 = arith.constant 0 : i32
        %dma_wait3A_100 = tpu.memref_slice %arg11[%dma_wait3A_98, %dma_wait3A_99] : memref<10240x128xf32, #tpu.memory_space<vmem_shared>> -> memref<10240x128xf32, #tpu.memory_space<vmem_shared>>
        tpu.wait_indirect_dma semaphore(%run_scoped3A : memref<!tpu.dma_semaphore, #tpu.memory_space<semaphore_mem>>) src(%arg9 : memref<128x128xf32, #tpu.memory_space<vmem>>) dst(%dma_wait3A_100 : memref<10240x128xf32, #tpu.memory_space<vmem_shared>>)
        tpu.yield
      }) : () -> ()
      %add3A_68 = arith.constant 2 : i32
      %add3A_69 = arith.addi %add3A_62, %add3A_68 : i32
      %lt3A = arith.constant 40 : i32
      %lt3A_70 = arith.cmpi slt, %add3A_69, %lt3A : i32
      %convert_element_type3A_71 = arith.extui %lt3A_70 : i1 to i32
      %cond3A_72 = arith.constant 0 : i32
      %cond3A_73 = arith.cmpi ne, %convert_element_type3A_71, %cond3A_72 : i32
      scf.if %cond3A_73 {
        %dma_start3A_89 = arith.constant 0 : i32
        %dma_start3A_90 = tpu.memref_slice %arg7[%add3A_69, %dma_start3A_89] : memref<40x128xi32, #tpu.memory_space<vmem>> -> memref<1x128xi32, #tpu.memory_space<vmem>>
        %dma_start3A_91 = tpu.memref_squeeze %dma_start3A_90 : memref<1x128xi32, #tpu.memory_space<vmem>> -> memref<128xi32, #tpu.memory_space<vmem>>
        %dma_start3A_92 = arith.constant 0 : i32
        %dma_start3A_93 = arith.constant 0 : i32
        %dma_start3A_94 = tpu.memref_slice %arg2[%dma_start3A_92, %dma_start3A_93] : memref<10000x128xf32, #tpu.memory_space<hbm>> -> memref<10000x128xf32, #tpu.memory_space<hbm>>
        tpu.enqueue_indirect_dma source(%dma_start3A_94 : memref<10000x128xf32, #tpu.memory_space<hbm>>) target(%arg9 : memref<128x128xf32, #tpu.memory_space<vmem>>) offsets(%dma_start3A_91 : memref<128xi32, #tpu.memory_space<vmem>>) semaphore(%arg12 : memref<!tpu.dma_semaphore, #tpu.memory_space<semaphore_mem>>)
      } else {
      }
      %add3A_74 = arith.constant 1 : i32
      %add3A_75 = arith.addi %mul3A_60, %add3A_74 : i32
      %dma_wait3A_76 = arith.constant 0 : i32
      %dma_wait3A_77 = tpu.memref_slice %arg7[%add3A_75, %dma_wait3A_76] : memref<40x128xi32, #tpu.memory_space<vmem>> -> memref<1x128xi32, #tpu.memory_space<vmem>>
      %dma_wait3A_78 = tpu.memref_squeeze %dma_wait3A_77 : memref<1x128xi32, #tpu.memory_space<vmem>> -> memref<128xi32, #tpu.memory_space<vmem>>
      %dma_wait3A_79 = arith.constant 0 : i32
      %dma_wait3A_80 = arith.constant 0 : i32
      %dma_wait3A_81 = tpu.memref_slice %arg2[%dma_wait3A_79, %dma_wait3A_80] : memref<10000x128xf32, #tpu.memory_space<hbm>> -> memref<10000x128xf32, #tpu.memory_space<hbm>>
      tpu.wait_indirect_dma semaphore(%arg13 : memref<!tpu.dma_semaphore, #tpu.memory_space<semaphore_mem>>) src(%dma_wait3A_81 : memref<10000x128xf32, #tpu.memory_space<hbm>>) dst(%arg10 : memref<128x128xf32, #tpu.memory_space<vmem>>)
      "tpu.region"() ({
        %run_scoped3A = tpu.sem_alloc : memref<!tpu.dma_semaphore, #tpu.memory_space<semaphore_mem>>
        %dma_start3A_89 = arith.constant 0 : i32
        %dma_start3A_90 = tpu.memref_slice %arg8[%add3A_75, %dma_start3A_89] : memref<40x128xi32, #tpu.memory_space<vmem>> -> memref<1x128xi32, #tpu.memory_space<vmem>>
        %dma_start3A_91 = tpu.memref_squeeze %dma_start3A_90 : memref<1x128xi32, #tpu.memory_space<vmem>> -> memref<128xi32, #tpu.memory_space<vmem>>
        %dma_start3A_92 = arith.constant 0 : i32
        %dma_start3A_93 = arith.constant 0 : i32
        %dma_start3A_94 = tpu.memref_slice %arg11[%dma_start3A_92, %dma_start3A_93] : memref<10240x128xf32, #tpu.memory_space<vmem_shared>> -> memref<10240x128xf32, #tpu.memory_space<vmem_shared>>
        tpu.enqueue_indirect_dma source(%arg10 : memref<128x128xf32, #tpu.memory_space<vmem>>) target(%dma_start3A_94 : memref<10240x128xf32, #tpu.memory_space<vmem_shared>>) offsets(%dma_start3A_91 : memref<128xi32, #tpu.memory_space<vmem>>) semaphore(%run_scoped3A : memref<!tpu.dma_semaphore, #tpu.memory_space<semaphore_mem>>) {add = true}
        %dma_wait3A_95 = arith.constant 0 : i32
        %dma_wait3A_96 = tpu.memref_slice %arg8[%add3A_75, %dma_wait3A_95] : memref<40x128xi32, #tpu.memory_space<vmem>> -> memref<1x128xi32, #tpu.memory_space<vmem>>
        %dma_wait3A_97 = tpu.memref_squeeze %dma_wait3A_96 : memref<1x128xi32, #tpu.memory_space<vmem>> -> memref<128xi32, #tpu.memory_space<vmem>>
        %dma_wait3A_98 = arith.constant 0 : i32
        %dma_wait3A_99 = arith.constant 0 : i32
        %dma_wait3A_100 = tpu.memref_slice %arg11[%dma_wait3A_98, %dma_wait3A_99] : memref<10240x128xf32, #tpu.memory_space<vmem_shared>> -> memref<10240x128xf32, #tpu.memory_space<vmem_shared>>
        tpu.wait_indirect_dma semaphore(%run_scoped3A : memref<!tpu.dma_semaphore, #tpu.memory_space<semaphore_mem>>) src(%arg10 : memref<128x128xf32, #tpu.memory_space<vmem>>) dst(%dma_wait3A_100 : memref<10240x128xf32, #tpu.memory_space<vmem_shared>>)
        tpu.yield
      }) : () -> ()
      %add3A_82 = arith.constant 2 : i32
      %add3A_83 = arith.addi %add3A_75, %add3A_82 : i32
      %lt3A_84 = arith.constant 40 : i32
      %lt3A_85 = arith.cmpi slt, %add3A_83, %lt3A_84 : i32
      %convert_element_type3A_86 = arith.extui %lt3A_85 : i1 to i32
      %cond3A_87 = arith.constant 0 : i32
      %cond3A_88 = arith.cmpi ne, %convert_element_type3A_86, %cond3A_87 : i32
      scf.if %cond3A_88 {
        %dma_start3A_89 = arith.constant 0 : i32
        %dma_start3A_90 = tpu.memref_slice %arg7[%add3A_83, %dma_start3A_89] : memref<40x128xi32, #tpu.memory_space<vmem>> -> memref<1x128xi32, #tpu.memory_space<vmem>>
        %dma_start3A_91 = tpu.memref_squeeze %dma_start3A_90 : memref<1x128xi32, #tpu.memory_space<vmem>> -> memref<128xi32, #tpu.memory_space<vmem>>
        %dma_start3A_92 = arith.constant 0 : i32
        %dma_start3A_93 = arith.constant 0 : i32
        %dma_start3A_94 = tpu.memref_slice %arg2[%dma_start3A_92, %dma_start3A_93] : memref<10000x128xf32, #tpu.memory_space<hbm>> -> memref<10000x128xf32, #tpu.memory_space<hbm>>
        tpu.enqueue_indirect_dma source(%dma_start3A_94 : memref<10000x128xf32, #tpu.memory_space<hbm>>) target(%arg10 : memref<128x128xf32, #tpu.memory_space<vmem>>) offsets(%dma_start3A_91 : memref<128xi32, #tpu.memory_space<vmem>>) semaphore(%arg13 : memref<!tpu.dma_semaphore, #tpu.memory_space<semaphore_mem>>)
      } else {
      }
    }
    %scan3A_30 = arith.constant 20 : i32
    "tpu.region"() ({
      %run_scoped3A = tpu.sem_alloc : memref<!tpu.dma_semaphore, #tpu.memory_space<semaphore_mem>>
      %dma_start3A_58 = arith.constant 40 : i32
      %dma_start3A_59 = arith.constant 0 : i32
      %dma_start3A_60 = tpu.memref_slice %arg3[%add3A, %dma_start3A_58, %dma_start3A_59] : memref<32x80x128xi32, #tpu.memory_space<hbm>> -> memref<1x40x128xi32, #tpu.memory_space<hbm>>
      %dma_start3A_61 = tpu.memref_squeeze %dma_start3A_60 : memref<1x40x128xi32, #tpu.memory_space<hbm>> -> memref<40x128xi32, #tpu.memory_space<hbm>>
      %dma_start3A_62 = arith.constant 40 : i32
      %dma_start3A_63 = arith.constant 0 : i32
      %dma_start3A_64 = tpu.memref_slice %arg3[%add3A, %dma_start3A_62, %dma_start3A_63] : memref<32x80x128xi32, #tpu.memory_space<hbm>> -> memref<1x40x128xi32, #tpu.memory_space<hbm>>
      %dma_start3A_65 = tpu.memref_squeeze %dma_start3A_64 : memref<1x40x128xi32, #tpu.memory_space<hbm>> -> memref<40x128xi32, #tpu.memory_space<hbm>>
      tpu.enqueue_dma source(%dma_start3A_65 : memref<40x128xi32, #tpu.memory_space<hbm>>) target(%arg7 : memref<40x128xi32, #tpu.memory_space<vmem>>) target_semaphore(%run_scoped3A : memref<!tpu.dma_semaphore, #tpu.memory_space<semaphore_mem>>)
      %dma_wait3A = arith.constant 40 : i32
      %dma_wait3A_66 = arith.constant 0 : i32
      %dma_wait3A_67 = tpu.memref_slice %arg3[%add3A, %dma_wait3A, %dma_wait3A_66] : memref<32x80x128xi32, #tpu.memory_space<hbm>> -> memref<1x40x128xi32, #tpu.memory_space<hbm>>
      %dma_wait3A_68 = tpu.memref_squeeze %dma_wait3A_67 : memref<1x40x128xi32, #tpu.memory_space<hbm>> -> memref<40x128xi32, #tpu.memory_space<hbm>>
      %dma_wait3A_69 = arith.constant 40 : i32
      %dma_wait3A_70 = arith.constant 0 : i32
      %dma_wait3A_71 = tpu.memref_slice %arg3[%add3A, %dma_wait3A_69, %dma_wait3A_70] : memref<32x80x128xi32, #tpu.memory_space<hbm>> -> memref<1x40x128xi32, #tpu.memory_space<hbm>>
      %dma_wait3A_72 = tpu.memref_squeeze %dma_wait3A_71 : memref<1x40x128xi32, #tpu.memory_space<hbm>> -> memref<40x128xi32, #tpu.memory_space<hbm>>
      tpu.wait_dma2 semaphore(%run_scoped3A : memref<!tpu.dma_semaphore, #tpu.memory_space<semaphore_mem>>) src(%dma_wait3A_72 : memref<40x128xi32, #tpu.memory_space<hbm>>) dst(%arg7 : memref<40x128xi32, #tpu.memory_space<vmem>>)
      tpu.yield
    }) : () -> ()
    "tpu.region"() ({
      %run_scoped3A = tpu.sem_alloc : memref<!tpu.dma_semaphore, #tpu.memory_space<semaphore_mem>>
      %dma_start3A_58 = arith.constant 40 : i32
      %dma_start3A_59 = arith.constant 0 : i32
      %dma_start3A_60 = tpu.memref_slice %arg4[%add3A, %dma_start3A_58, %dma_start3A_59] : memref<32x80x128xi32, #tpu.memory_space<hbm>> -> memref<1x40x128xi32, #tpu.memory_space<hbm>>
      %dma_start3A_61 = tpu.memref_squeeze %dma_start3A_60 : memref<1x40x128xi32, #tpu.memory_space<hbm>> -> memref<40x128xi32, #tpu.memory_space<hbm>>
      %dma_start3A_62 = arith.constant 40 : i32
      %dma_start3A_63 = arith.constant 0 : i32
      %dma_start3A_64 = tpu.memref_slice %arg4[%add3A, %dma_start3A_62, %dma_start3A_63] : memref<32x80x128xi32, #tpu.memory_space<hbm>> -> memref<1x40x128xi32, #tpu.memory_space<hbm>>
      %dma_start3A_65 = tpu.memref_squeeze %dma_start3A_64 : memref<1x40x128xi32, #tpu.memory_space<hbm>> -> memref<40x128xi32, #tpu.memory_space<hbm>>
      tpu.enqueue_dma source(%dma_start3A_65 : memref<40x128xi32, #tpu.memory_space<hbm>>) target(%arg8 : memref<40x128xi32, #tpu.memory_space<vmem>>) target_semaphore(%run_scoped3A : memref<!tpu.dma_semaphore, #tpu.memory_space<semaphore_mem>>)
      %dma_wait3A = arith.constant 40 : i32
      %dma_wait3A_66 = arith.constant 0 : i32
      %dma_wait3A_67 = tpu.memref_slice %arg4[%add3A, %dma_wait3A, %dma_wait3A_66] : memref<32x80x128xi32, #tpu.memory_space<hbm>> -> memref<1x40x128xi32, #tpu.memory_space<hbm>>
      %dma_wait3A_68 = tpu.memref_squeeze %dma_wait3A_67 : memref<1x40x128xi32, #tpu.memory_space<hbm>> -> memref<40x128xi32, #tpu.memory_space<hbm>>
      %dma_wait3A_69 = arith.constant 40 : i32
      %dma_wait3A_70 = arith.constant 0 : i32
      %dma_wait3A_71 = tpu.memref_slice %arg4[%add3A, %dma_wait3A_69, %dma_wait3A_70] : memref<32x80x128xi32, #tpu.memory_space<hbm>> -> memref<1x40x128xi32, #tpu.memory_space<hbm>>
      %dma_wait3A_72 = tpu.memref_squeeze %dma_wait3A_71 : memref<1x40x128xi32, #tpu.memory_space<hbm>> -> memref<40x128xi32, #tpu.memory_space<hbm>>
      tpu.wait_dma2 semaphore(%run_scoped3A : memref<!tpu.dma_semaphore, #tpu.memory_space<semaphore_mem>>) src(%dma_wait3A_72 : memref<40x128xi32, #tpu.memory_space<hbm>>) dst(%arg8 : memref<40x128xi32, #tpu.memory_space<vmem>>)
      tpu.yield
    }) : () -> ()
    %dma_start3A_31 = arith.constant 0 : i32
    %dma_start3A_32 = arith.constant 0 : i32
    %dma_start3A_33 = tpu.memref_slice %arg7[%dma_start3A_31, %dma_start3A_32] : memref<40x128xi32, #tpu.memory_space<vmem>> -> memref<1x128xi32, #tpu.memory_space<vmem>>
    %dma_start3A_34 = tpu.memref_squeeze %dma_start3A_33 : memref<1x128xi32, #tpu.memory_space<vmem>> -> memref<128xi32, #tpu.memory_space<vmem>>
    %dma_start3A_35 = arith.constant 0 : i32
    %dma_start3A_36 = arith.constant 0 : i32
    %dma_start3A_37 = tpu.memref_slice %arg2[%dma_start3A_35, %dma_start3A_36] : memref<10000x128xf32, #tpu.memory_space<hbm>> -> memref<10000x128xf32, #tpu.memory_space<hbm>>
    tpu.enqueue_indirect_dma source(%dma_start3A_37 : memref<10000x128xf32, #tpu.memory_space<hbm>>) target(%arg9 : memref<128x128xf32, #tpu.memory_space<vmem>>) offsets(%dma_start3A_34 : memref<128xi32, #tpu.memory_space<vmem>>) semaphore(%arg12 : memref<!tpu.dma_semaphore, #tpu.memory_space<semaphore_mem>>)
    %dma_start3A_38 = arith.constant 1 : i32
    %dma_start3A_39 = arith.constant 0 : i32
    %dma_start3A_40 = tpu.memref_slice %arg7[%dma_start3A_38, %dma_start3A_39] : memref<40x128xi32, #tpu.memory_space<vmem>> -> memref<1x128xi32, #tpu.memory_space<vmem>>
    %dma_start3A_41 = tpu.memref_squeeze %dma_start3A_40 : memref<1x128xi32, #tpu.memory_space<vmem>> -> memref<128xi32, #tpu.memory_space<vmem>>
    %dma_start3A_42 = arith.constant 0 : i32
    %dma_start3A_43 = arith.constant 0 : i32
    %dma_start3A_44 = tpu.memref_slice %arg2[%dma_start3A_42, %dma_start3A_43] : memref<10000x128xf32, #tpu.memory_space<hbm>> -> memref<10000x128xf32, #tpu.memory_space<hbm>>
    tpu.enqueue_indirect_dma source(%dma_start3A_44 : memref<10000x128xf32, #tpu.memory_space<hbm>>) target(%arg10 : memref<128x128xf32, #tpu.memory_space<vmem>>) offsets(%dma_start3A_41 : memref<128xi32, #tpu.memory_space<vmem>>) semaphore(%arg13 : memref<!tpu.dma_semaphore, #tpu.memory_space<semaphore_mem>>)
    %scan3A_45 = arith.constant 0 : i32
    %scan3A_46 = arith.constant 0 : i32
    %scan3A_47 = arith.constant 20 : i32
    %scan3A_48 = arith.addi %scan3A_46, %scan3A_47 : i32
    %scan3A_49 = arith.constant 1 : i32
    scf.for %scan3A_58 = %scan3A_46 to %scan3A_48 step %scan3A_49  : i32 {
      %mul3A_59 = arith.constant 2 : i32
      %mul3A_60 = arith.muli %scan3A_58, %mul3A_59 : i32
      %add3A_61 = arith.constant 0 : i32
      %add3A_62 = arith.addi %mul3A_60, %add3A_61 : i32
      %dma_wait3A = arith.constant 0 : i32
      %dma_wait3A_63 = tpu.memref_slice %arg7[%add3A_62, %dma_wait3A] : memref<40x128xi32, #tpu.memory_space<vmem>> -> memref<1x128xi32, #tpu.memory_space<vmem>>
      %dma_wait3A_64 = tpu.memref_squeeze %dma_wait3A_63 : memref<1x128xi32, #tpu.memory_space<vmem>> -> memref<128xi32, #tpu.memory_space<vmem>>
      %dma_wait3A_65 = arith.constant 0 : i32
      %dma_wait3A_66 = arith.constant 0 : i32
      %dma_wait3A_67 = tpu.memref_slice %arg2[%dma_wait3A_65, %dma_wait3A_66] : memref<10000x128xf32, #tpu.memory_space<hbm>> -> memref<10000x128xf32, #tpu.memory_space<hbm>>
      tpu.wait_indirect_dma semaphore(%arg12 : memref<!tpu.dma_semaphore, #tpu.memory_space<semaphore_mem>>) src(%dma_wait3A_67 : memref<10000x128xf32, #tpu.memory_space<hbm>>) dst(%arg9 : memref<128x128xf32, #tpu.memory_space<vmem>>)
      "tpu.region"() ({
        %run_scoped3A = tpu.sem_alloc : memref<!tpu.dma_semaphore, #tpu.memory_space<semaphore_mem>>
        %dma_start3A_89 = arith.constant 0 : i32
        %dma_start3A_90 = tpu.memref_slice %arg8[%add3A_62, %dma_start3A_89] : memref<40x128xi32, #tpu.memory_space<vmem>> -> memref<1x128xi32, #tpu.memory_space<vmem>>
        %dma_start3A_91 = tpu.memref_squeeze %dma_start3A_90 : memref<1x128xi32, #tpu.memory_space<vmem>> -> memref<128xi32, #tpu.memory_space<vmem>>
        %dma_start3A_92 = arith.constant 0 : i32
        %dma_start3A_93 = arith.constant 0 : i32
        %dma_start3A_94 = tpu.memref_slice %arg11[%dma_start3A_92, %dma_start3A_93] : memref<10240x128xf32, #tpu.memory_space<vmem_shared>> -> memref<10240x128xf32, #tpu.memory_space<vmem_shared>>
        tpu.enqueue_indirect_dma source(%arg9 : memref<128x128xf32, #tpu.memory_space<vmem>>) target(%dma_start3A_94 : memref<10240x128xf32, #tpu.memory_space<vmem_shared>>) offsets(%dma_start3A_91 : memref<128xi32, #tpu.memory_space<vmem>>) semaphore(%run_scoped3A : memref<!tpu.dma_semaphore, #tpu.memory_space<semaphore_mem>>) {add = true}
        %dma_wait3A_95 = arith.constant 0 : i32
        %dma_wait3A_96 = tpu.memref_slice %arg8[%add3A_62, %dma_wait3A_95] : memref<40x128xi32, #tpu.memory_space<vmem>> -> memref<1x128xi32, #tpu.memory_space<vmem>>
        %dma_wait3A_97 = tpu.memref_squeeze %dma_wait3A_96 : memref<1x128xi32, #tpu.memory_space<vmem>> -> memref<128xi32, #tpu.memory_space<vmem>>
        %dma_wait3A_98 = arith.constant 0 : i32
        %dma_wait3A_99 = arith.constant 0 : i32
        %dma_wait3A_100 = tpu.memref_slice %arg11[%dma_wait3A_98, %dma_wait3A_99] : memref<10240x128xf32, #tpu.memory_space<vmem_shared>> -> memref<10240x128xf32, #tpu.memory_space<vmem_shared>>
        tpu.wait_indirect_dma semaphore(%run_scoped3A : memref<!tpu.dma_semaphore, #tpu.memory_space<semaphore_mem>>) src(%arg9 : memref<128x128xf32, #tpu.memory_space<vmem>>) dst(%dma_wait3A_100 : memref<10240x128xf32, #tpu.memory_space<vmem_shared>>)
        tpu.yield
      }) : () -> ()
      %add3A_68 = arith.constant 2 : i32
      %add3A_69 = arith.addi %add3A_62, %add3A_68 : i32
      %lt3A = arith.constant 40 : i32
      %lt3A_70 = arith.cmpi slt, %add3A_69, %lt3A : i32
      %convert_element_type3A_71 = arith.extui %lt3A_70 : i1 to i32
      %cond3A_72 = arith.constant 0 : i32
      %cond3A_73 = arith.cmpi ne, %convert_element_type3A_71, %cond3A_72 : i32
      scf.if %cond3A_73 {
        %dma_start3A_89 = arith.constant 0 : i32
        %dma_start3A_90 = tpu.memref_slice %arg7[%add3A_69, %dma_start3A_89] : memref<40x128xi32, #tpu.memory_space<vmem>> -> memref<1x128xi32, #tpu.memory_space<vmem>>
        %dma_start3A_91 = tpu.memref_squeeze %dma_start3A_90 : memref<1x128xi32, #tpu.memory_space<vmem>> -> memref<128xi32, #tpu.memory_space<vmem>>
        %dma_start3A_92 = arith.constant 0 : i32
        %dma_start3A_93 = arith.constant 0 : i32
        %dma_start3A_94 = tpu.memref_slice %arg2[%dma_start3A_92, %dma_start3A_93] : memref<10000x128xf32, #tpu.memory_space<hbm>> -> memref<10000x128xf32, #tpu.memory_space<hbm>>
        tpu.enqueue_indirect_dma source(%dma_start3A_94 : memref<10000x128xf32, #tpu.memory_space<hbm>>) target(%arg9 : memref<128x128xf32, #tpu.memory_space<vmem>>) offsets(%dma_start3A_91 : memref<128xi32, #tpu.memory_space<vmem>>) semaphore(%arg12 : memref<!tpu.dma_semaphore, #tpu.memory_space<semaphore_mem>>)
      } else {
      }
      %add3A_74 = arith.constant 1 : i32
      %add3A_75 = arith.addi %mul3A_60, %add3A_74 : i32
      %dma_wait3A_76 = arith.constant 0 : i32
      %dma_wait3A_77 = tpu.memref_slice %arg7[%add3A_75, %dma_wait3A_76] : memref<40x128xi32, #tpu.memory_space<vmem>> -> memref<1x128xi32, #tpu.memory_space<vmem>>
      %dma_wait3A_78 = tpu.memref_squeeze %dma_wait3A_77 : memref<1x128xi32, #tpu.memory_space<vmem>> -> memref<128xi32, #tpu.memory_space<vmem>>
      %dma_wait3A_79 = arith.constant 0 : i32
      %dma_wait3A_80 = arith.constant 0 : i32
      %dma_wait3A_81 = tpu.memref_slice %arg2[%dma_wait3A_79, %dma_wait3A_80] : memref<10000x128xf32, #tpu.memory_space<hbm>> -> memref<10000x128xf32, #tpu.memory_space<hbm>>
      tpu.wait_indirect_dma semaphore(%arg13 : memref<!tpu.dma_semaphore, #tpu.memory_space<semaphore_mem>>) src(%dma_wait3A_81 : memref<10000x128xf32, #tpu.memory_space<hbm>>) dst(%arg10 : memref<128x128xf32, #tpu.memory_space<vmem>>)
      "tpu.region"() ({
        %run_scoped3A = tpu.sem_alloc : memref<!tpu.dma_semaphore, #tpu.memory_space<semaphore_mem>>
        %dma_start3A_89 = arith.constant 0 : i32
        %dma_start3A_90 = tpu.memref_slice %arg8[%add3A_75, %dma_start3A_89] : memref<40x128xi32, #tpu.memory_space<vmem>> -> memref<1x128xi32, #tpu.memory_space<vmem>>
        %dma_start3A_91 = tpu.memref_squeeze %dma_start3A_90 : memref<1x128xi32, #tpu.memory_space<vmem>> -> memref<128xi32, #tpu.memory_space<vmem>>
        %dma_start3A_92 = arith.constant 0 : i32
        %dma_start3A_93 = arith.constant 0 : i32
        %dma_start3A_94 = tpu.memref_slice %arg11[%dma_start3A_92, %dma_start3A_93] : memref<10240x128xf32, #tpu.memory_space<vmem_shared>> -> memref<10240x128xf32, #tpu.memory_space<vmem_shared>>
        tpu.enqueue_indirect_dma source(%arg10 : memref<128x128xf32, #tpu.memory_space<vmem>>) target(%dma_start3A_94 : memref<10240x128xf32, #tpu.memory_space<vmem_shared>>) offsets(%dma_start3A_91 : memref<128xi32, #tpu.memory_space<vmem>>) semaphore(%run_scoped3A : memref<!tpu.dma_semaphore, #tpu.memory_space<semaphore_mem>>) {add = true}
        %dma_wait3A_95 = arith.constant 0 : i32
        %dma_wait3A_96 = tpu.memref_slice %arg8[%add3A_75, %dma_wait3A_95] : memref<40x128xi32, #tpu.memory_space<vmem>> -> memref<1x128xi32, #tpu.memory_space<vmem>>
        %dma_wait3A_97 = tpu.memref_squeeze %dma_wait3A_96 : memref<1x128xi32, #tpu.memory_space<vmem>> -> memref<128xi32, #tpu.memory_space<vmem>>
        %dma_wait3A_98 = arith.constant 0 : i32
        %dma_wait3A_99 = arith.constant 0 : i32
        %dma_wait3A_100 = tpu.memref_slice %arg11[%dma_wait3A_98, %dma_wait3A_99] : memref<10240x128xf32, #tpu.memory_space<vmem_shared>> -> memref<10240x128xf32, #tpu.memory_space<vmem_shared>>
        tpu.wait_indirect_dma semaphore(%run_scoped3A : memref<!tpu.dma_semaphore, #tpu.memory_space<semaphore_mem>>) src(%arg10 : memref<128x128xf32, #tpu.memory_space<vmem>>) dst(%dma_wait3A_100 : memref<10240x128xf32, #tpu.memory_space<vmem_shared>>)
        tpu.yield
      }) : () -> ()
      %add3A_82 = arith.constant 2 : i32
      %add3A_83 = arith.addi %add3A_75, %add3A_82 : i32
      %lt3A_84 = arith.constant 40 : i32
      %lt3A_85 = arith.cmpi slt, %add3A_83, %lt3A_84 : i32
      %convert_element_type3A_86 = arith.extui %lt3A_85 : i1 to i32
      %cond3A_87 = arith.constant 0 : i32
      %cond3A_88 = arith.cmpi ne, %convert_element_type3A_86, %cond3A_87 : i32
      scf.if %cond3A_88 {
        %dma_start3A_89 = arith.constant 0 : i32
        %dma_start3A_90 = tpu.memref_slice %arg7[%add3A_83, %dma_start3A_89] : memref<40x128xi32, #tpu.memory_space<vmem>> -> memref<1x128xi32, #tpu.memory_space<vmem>>
        %dma_start3A_91 = tpu.memref_squeeze %dma_start3A_90 : memref<1x128xi32, #tpu.memory_space<vmem>> -> memref<128xi32, #tpu.memory_space<vmem>>
        %dma_start3A_92 = arith.constant 0 : i32
        %dma_start3A_93 = arith.constant 0 : i32
        %dma_start3A_94 = tpu.memref_slice %arg2[%dma_start3A_92, %dma_start3A_93] : memref<10000x128xf32, #tpu.memory_space<hbm>> -> memref<10000x128xf32, #tpu.memory_space<hbm>>
        tpu.enqueue_indirect_dma source(%dma_start3A_94 : memref<10000x128xf32, #tpu.memory_space<hbm>>) target(%arg10 : memref<128x128xf32, #tpu.memory_space<vmem>>) offsets(%dma_start3A_91 : memref<128xi32, #tpu.memory_space<vmem>>) semaphore(%arg13 : memref<!tpu.dma_semaphore, #tpu.memory_space<semaphore_mem>>)
      } else {
      }
    }
    %scan3A_50 = arith.constant 20 : i32
    %barrier3A_51 = arith.constant 0 : index
    tpu.barrier barrier_id(%barrier3A_51)
    %mul3A_52 = arith.constant 624 : i32
    %mul3A_53 = arith.muli %arg1, %mul3A_52 : i32
    %mul3A_54 = arith.constant 624 : i32
    %mul3A_55 = arith.muli %arg1, %mul3A_54 : i32
    "tpu.region"() ({
      %run_scoped3A = tpu.sem_alloc : memref<!tpu.dma_semaphore, #tpu.memory_space<semaphore_mem>>
      %dma_start3A_58 = arith.constant 0 : i32
      %dma_start3A_59 = tpu.memref_slice %arg6[%arg0, %mul3A_55, %dma_start3A_58] : memref<2x10000x128xf32, #tpu.memory_space<hbm>> -> memref<1x624x128xf32, #tpu.memory_space<hbm>>
      %dma_start3A_60 = tpu.memref_squeeze %dma_start3A_59 : memref<1x624x128xf32, #tpu.memory_space<hbm>> -> memref<624x128xf32, #tpu.memory_space<hbm>>
      %dma_start3A_61 = arith.constant 0 : i32
      %dma_start3A_62 = tpu.memref_slice %arg11[%mul3A_53, %dma_start3A_61] : memref<10240x128xf32, #tpu.memory_space<vmem_shared>> -> memref<624x128xf32, #tpu.memory_space<vmem_shared>>
      tpu.enqueue_dma source(%dma_start3A_62 : memref<624x128xf32, #tpu.memory_space<vmem_shared>>) target(%dma_start3A_60 : memref<624x128xf32, #tpu.memory_space<hbm>>) target_semaphore(%run_scoped3A : memref<!tpu.dma_semaphore, #tpu.memory_space<semaphore_mem>>)
      %dma_wait3A = arith.constant 0 : i32
      %dma_wait3A_63 = tpu.memref_slice %arg6[%arg0, %mul3A_55, %dma_wait3A] : memref<2x10000x128xf32, #tpu.memory_space<hbm>> -> memref<1x624x128xf32, #tpu.memory_space<hbm>>
      %dma_wait3A_64 = tpu.memref_squeeze %dma_wait3A_63 : memref<1x624x128xf32, #tpu.memory_space<hbm>> -> memref<624x128xf32, #tpu.memory_space<hbm>>
      %dma_wait3A_65 = arith.constant 0 : i32
      %dma_wait3A_66 = tpu.memref_slice %arg11[%mul3A_53, %dma_wait3A_65] : memref<10240x128xf32, #tpu.memory_space<vmem_shared>> -> memref<624x128xf32, #tpu.memory_space<vmem_shared>>
      tpu.wait_dma2 semaphore(%run_scoped3A : memref<!tpu.dma_semaphore, #tpu.memory_space<semaphore_mem>>) src(%dma_wait3A_66 : memref<624x128xf32, #tpu.memory_space<vmem_shared>>) dst(%dma_wait3A_64 : memref<624x128xf32, #tpu.memory_space<hbm>>)
      tpu.yield
    }) : () -> ()
    %eq3A = arith.constant 0 : i32
    %eq3A_56 = arith.cmpi eq, %arg1, %eq3A : i32
    %convert_element_type3A = arith.extui %eq3A_56 : i1 to i32
    %cond3A = arith.constant 0 : i32
    %cond3A_57 = arith.cmpi ne, %convert_element_type3A, %cond3A : i32
    scf.if %cond3A_57 {
      "tpu.region"() ({
        %run_scoped3A = tpu.sem_alloc : memref<!tpu.dma_semaphore, #tpu.memory_space<semaphore_mem>>
        %dma_start3A_58 = arith.constant 9984 : i32
        %dma_start3A_59 = arith.constant 0 : i32
        %dma_start3A_60 = tpu.memref_slice %arg6[%arg0, %dma_start3A_58, %dma_start3A_59] : memref<2x10000x128xf32, #tpu.memory_space<hbm>> -> memref<1x16x128xf32, #tpu.memory_space<hbm>>
        %dma_start3A_61 = tpu.memref_squeeze %dma_start3A_60 : memref<1x16x128xf32, #tpu.memory_space<hbm>> -> memref<16x128xf32, #tpu.memory_space<hbm>>
        %dma_start3A_62 = arith.constant 9984 : i32
        %dma_start3A_63 = arith.constant 0 : i32
        %dma_start3A_64 = tpu.memref_slice %arg11[%dma_start3A_62, %dma_start3A_63] : memref<10240x128xf32, #tpu.memory_space<vmem_shared>> -> memref<16x128xf32, #tpu.memory_space<vmem_shared>>
        tpu.enqueue_dma source(%dma_start3A_64 : memref<16x128xf32, #tpu.memory_space<vmem_shared>>) target(%dma_start3A_61 : memref<16x128xf32, #tpu.memory_space<hbm>>) target_semaphore(%run_scoped3A : memref<!tpu.dma_semaphore, #tpu.memory_space<semaphore_mem>>)
        %dma_wait3A = arith.constant 9984 : i32
        %dma_wait3A_65 = arith.constant 0 : i32
        %dma_wait3A_66 = tpu.memref_slice %arg6[%arg0, %dma_wait3A, %dma_wait3A_65] : memref<2x10000x128xf32, #tpu.memory_space<hbm>> -> memref<1x16x128xf32, #tpu.memory_space<hbm>>
        %dma_wait3A_67 = tpu.memref_squeeze %dma_wait3A_66 : memref<1x16x128xf32, #tpu.memory_space<hbm>> -> memref<16x128xf32, #tpu.memory_space<hbm>>
        %dma_wait3A_68 = arith.constant 9984 : i32
        %dma_wait3A_69 = arith.constant 0 : i32
        %dma_wait3A_70 = tpu.memref_slice %arg11[%dma_wait3A_68, %dma_wait3A_69] : memref<10240x128xf32, #tpu.memory_space<vmem_shared>> -> memref<16x128xf32, #tpu.memory_space<vmem_shared>>
        tpu.wait_dma2 semaphore(%run_scoped3A : memref<!tpu.dma_semaphore, #tpu.memory_space<semaphore_mem>>) src(%dma_wait3A_70 : memref<16x128xf32, #tpu.memory_space<vmem_shared>>) dst(%dma_wait3A_67 : memref<16x128xf32, #tpu.memory_space<hbm>>)
        tpu.yield
      }) : () -> ()
    } else {
    }
    return
  }
}

#map = affine_map<(d0, d1) -> (0, 0, 0)>
module attributes {stable_mosaic.version = 14 : i64} {
  func.func @k(%arg0: i32, %arg1: i32, %arg2: memref<32x80x128xi32, #tpu.memory_space<hbm>>, %arg3: memref<2x128x16xf32, #tpu.memory_space<hbm>>, %arg4: memref<2x10000x16xf32, #tpu.memory_space<hbm>>, %arg5: memref<80x128xi32, #tpu.memory_space<vmem>>, %arg6: memref<2x128x16xf32, #tpu.memory_space<vmem>>, %arg7: memref<10240x16xf32, #tpu.memory_space<vmem_shared>>) attributes {dimension_semantics = [#tpu.dimension_semantics<core_parallel>, #tpu.dimension_semantics<subcore_parallel>], iteration_bounds = array<i64: 2, 16>, scalar_prefetch = 0 : i64, scratch_operands = 3 : i64, tpu.core_type = #tpu.core_type<sc_vector_subcore>, window_params = [{transform_indices = #map}, {transform_indices = #map}, {transform_indices = #map}]} {
    %mul3A = arith.constant 2 : i32
    %mul3A_0 = arith.muli %arg1, %mul3A : i32
    %add3A = arith.addi %mul3A_0, %arg0 : i32
    "tpu.region"() ({
      %run_scoped3A_29 = tpu.sem_alloc : memref<!tpu.dma_semaphore, #tpu.memory_space<semaphore_mem>>
      tpu.enqueue_dma source(%arg3 : memref<2x128x16xf32, #tpu.memory_space<hbm>>) target(%arg6 : memref<2x128x16xf32, #tpu.memory_space<vmem>>) target_semaphore(%run_scoped3A_29 : memref<!tpu.dma_semaphore, #tpu.memory_space<semaphore_mem>>)
      tpu.wait_dma2 semaphore(%run_scoped3A_29 : memref<!tpu.dma_semaphore, #tpu.memory_space<semaphore_mem>>) src(%arg3 : memref<2x128x16xf32, #tpu.memory_space<hbm>>) dst(%arg6 : memref<2x128x16xf32, #tpu.memory_space<vmem>>)
      tpu.yield
    }) : () -> ()
    "tpu.region"() ({
      %run_scoped3A_29 = tpu.sem_alloc : memref<!tpu.dma_semaphore, #tpu.memory_space<semaphore_mem>>
      %dma_start3A = arith.constant 0 : i32
      %dma_start3A_30 = arith.constant 0 : i32
      %dma_start3A_31 = tpu.memref_slice %arg2[%add3A, %dma_start3A, %dma_start3A_30] : memref<32x80x128xi32, #tpu.memory_space<hbm>> -> memref<1x80x128xi32, #tpu.memory_space<hbm>>
      %dma_start3A_32 = tpu.memref_squeeze %dma_start3A_31 : memref<1x80x128xi32, #tpu.memory_space<hbm>> -> memref<80x128xi32, #tpu.memory_space<hbm>>
      %dma_start3A_33 = arith.constant 0 : i32
      %dma_start3A_34 = arith.constant 0 : i32
      %dma_start3A_35 = tpu.memref_slice %arg2[%add3A, %dma_start3A_33, %dma_start3A_34] : memref<32x80x128xi32, #tpu.memory_space<hbm>> -> memref<1x80x128xi32, #tpu.memory_space<hbm>>
      %dma_start3A_36 = tpu.memref_squeeze %dma_start3A_35 : memref<1x80x128xi32, #tpu.memory_space<hbm>> -> memref<80x128xi32, #tpu.memory_space<hbm>>
      tpu.enqueue_dma source(%dma_start3A_36 : memref<80x128xi32, #tpu.memory_space<hbm>>) target(%arg5 : memref<80x128xi32, #tpu.memory_space<vmem>>) target_semaphore(%run_scoped3A_29 : memref<!tpu.dma_semaphore, #tpu.memory_space<semaphore_mem>>)
      %dma_wait3A = arith.constant 0 : i32
      %dma_wait3A_37 = arith.constant 0 : i32
      %dma_wait3A_38 = tpu.memref_slice %arg2[%add3A, %dma_wait3A, %dma_wait3A_37] : memref<32x80x128xi32, #tpu.memory_space<hbm>> -> memref<1x80x128xi32, #tpu.memory_space<hbm>>
      %dma_wait3A_39 = tpu.memref_squeeze %dma_wait3A_38 : memref<1x80x128xi32, #tpu.memory_space<hbm>> -> memref<80x128xi32, #tpu.memory_space<hbm>>
      %dma_wait3A_40 = arith.constant 0 : i32
      %dma_wait3A_41 = arith.constant 0 : i32
      %dma_wait3A_42 = tpu.memref_slice %arg2[%add3A, %dma_wait3A_40, %dma_wait3A_41] : memref<32x80x128xi32, #tpu.memory_space<hbm>> -> memref<1x80x128xi32, #tpu.memory_space<hbm>>
      %dma_wait3A_43 = tpu.memref_squeeze %dma_wait3A_42 : memref<1x80x128xi32, #tpu.memory_space<hbm>> -> memref<80x128xi32, #tpu.memory_space<hbm>>
      tpu.wait_dma2 semaphore(%run_scoped3A_29 : memref<!tpu.dma_semaphore, #tpu.memory_space<semaphore_mem>>) src(%dma_wait3A_43 : memref<80x128xi32, #tpu.memory_space<hbm>>) dst(%arg5 : memref<80x128xi32, #tpu.memory_space<vmem>>)
      tpu.yield
    }) : () -> ()
    %mul3A_1 = arith.constant 640 : i32
    %mul3A_2 = arith.muli %arg1, %mul3A_1 : i32
    %add3A_3 = arith.constant 0 : i32
    %add3A_4 = arith.addi %mul3A_2, %add3A_3 : i32
    %run_scoped3A = arith.constant 0 : i32
    "tpu.region"() ({
      %run_scoped3A_29 = tpu.sem_alloc : memref<!tpu.dma_semaphore, #tpu.memory_space<semaphore_mem>>
      %dma_start3A = arith.constant 0 : i32
      %dma_start3A_30 = arith.constant 0 : i32
      %dma_start3A_31 = tpu.memref_slice %arg6[%run_scoped3A, %dma_start3A, %dma_start3A_30] : memref<2x128x16xf32, #tpu.memory_space<vmem>> -> memref<1x128x16xf32, #tpu.memory_space<vmem>>
      %dma_start3A_32 = tpu.memref_squeeze %dma_start3A_31 : memref<1x128x16xf32, #tpu.memory_space<vmem>> -> memref<128x16xf32, #tpu.memory_space<vmem>>
      %dma_start3A_33 = arith.constant 0 : i32
      %dma_start3A_34 = tpu.memref_slice %arg7[%add3A_4, %dma_start3A_33] : memref<10240x16xf32, #tpu.memory_space<vmem_shared>> -> memref<128x16xf32, #tpu.memory_space<vmem_shared>>
      %dma_start3A_35 = arith.constant 0 : i32
      %dma_start3A_36 = tpu.memref_slice %arg7[%add3A_4, %dma_start3A_35] : memref<10240x16xf32, #tpu.memory_space<vmem_shared>> -> memref<128x16xf32, #tpu.memory_space<vmem_shared>>
      %dma_start3A_37 = arith.constant 0 : i32
      %dma_start3A_38 = arith.constant 0 : i32
      %dma_start3A_39 = tpu.memref_slice %arg6[%run_scoped3A, %dma_start3A_37, %dma_start3A_38] : memref<2x128x16xf32, #tpu.memory_space<vmem>> -> memref<1x128x16xf32, #tpu.memory_space<vmem>>
      %dma_start3A_40 = tpu.memref_squeeze %dma_start3A_39 : memref<1x128x16xf32, #tpu.memory_space<vmem>> -> memref<128x16xf32, #tpu.memory_space<vmem>>
      tpu.enqueue_dma source(%dma_start3A_40 : memref<128x16xf32, #tpu.memory_space<vmem>>) target(%dma_start3A_36 : memref<128x16xf32, #tpu.memory_space<vmem_shared>>) target_semaphore(%run_scoped3A_29 : memref<!tpu.dma_semaphore, #tpu.memory_space<semaphore_mem>>)
      %dma_wait3A = arith.constant 0 : i32
      %dma_wait3A_41 = arith.constant 0 : i32
      %dma_wait3A_42 = tpu.memref_slice %arg6[%run_scoped3A, %dma_wait3A, %dma_wait3A_41] : memref<2x128x16xf32, #tpu.memory_space<vmem>> -> memref<1x128x16xf32, #tpu.memory_space<vmem>>
      %dma_wait3A_43 = tpu.memref_squeeze %dma_wait3A_42 : memref<1x128x16xf32, #tpu.memory_space<vmem>> -> memref<128x16xf32, #tpu.memory_space<vmem>>
      %dma_wait3A_44 = arith.constant 0 : i32
      %dma_wait3A_45 = tpu.memref_slice %arg7[%add3A_4, %dma_wait3A_44] : memref<10240x16xf32, #tpu.memory_space<vmem_shared>> -> memref<128x16xf32, #tpu.memory_space<vmem_shared>>
      %dma_wait3A_46 = arith.constant 0 : i32
      %dma_wait3A_47 = tpu.memref_slice %arg7[%add3A_4, %dma_wait3A_46] : memref<10240x16xf32, #tpu.memory_space<vmem_shared>> -> memref<128x16xf32, #tpu.memory_space<vmem_shared>>
      %dma_wait3A_48 = arith.constant 0 : i32
      %dma_wait3A_49 = arith.constant 0 : i32
      %dma_wait3A_50 = tpu.memref_slice %arg6[%run_scoped3A, %dma_wait3A_48, %dma_wait3A_49] : memref<2x128x16xf32, #tpu.memory_space<vmem>> -> memref<1x128x16xf32, #tpu.memory_space<vmem>>
      %dma_wait3A_51 = tpu.memref_squeeze %dma_wait3A_50 : memref<1x128x16xf32, #tpu.memory_space<vmem>> -> memref<128x16xf32, #tpu.memory_space<vmem>>
      tpu.wait_dma2 semaphore(%run_scoped3A_29 : memref<!tpu.dma_semaphore, #tpu.memory_space<semaphore_mem>>) src(%dma_wait3A_51 : memref<128x16xf32, #tpu.memory_space<vmem>>) dst(%dma_wait3A_47 : memref<128x16xf32, #tpu.memory_space<vmem_shared>>)
      tpu.yield
    }) : () -> ()
    %add3A_5 = arith.constant 128 : i32
    %add3A_6 = arith.addi %mul3A_2, %add3A_5 : i32
    %run_scoped3A_7 = arith.constant 0 : i32
    "tpu.region"() ({
      %run_scoped3A_29 = tpu.sem_alloc : memref<!tpu.dma_semaphore, #tpu.memory_space<semaphore_mem>>
      %dma_start3A = arith.constant 0 : i32
      %dma_start3A_30 = arith.constant 0 : i32
      %dma_start3A_31 = tpu.memref_slice %arg6[%run_scoped3A_7, %dma_start3A, %dma_start3A_30] : memref<2x128x16xf32, #tpu.memory_space<vmem>> -> memref<1x128x16xf32, #tpu.memory_space<vmem>>
      %dma_start3A_32 = tpu.memref_squeeze %dma_start3A_31 : memref<1x128x16xf32, #tpu.memory_space<vmem>> -> memref<128x16xf32, #tpu.memory_space<vmem>>
      %dma_start3A_33 = arith.constant 0 : i32
      %dma_start3A_34 = tpu.memref_slice %arg7[%add3A_6, %dma_start3A_33] : memref<10240x16xf32, #tpu.memory_space<vmem_shared>> -> memref<128x16xf32, #tpu.memory_space<vmem_shared>>
      %dma_start3A_35 = arith.constant 0 : i32
      %dma_start3A_36 = tpu.memref_slice %arg7[%add3A_6, %dma_start3A_35] : memref<10240x16xf32, #tpu.memory_space<vmem_shared>> -> memref<128x16xf32, #tpu.memory_space<vmem_shared>>
      %dma_start3A_37 = arith.constant 0 : i32
      %dma_start3A_38 = arith.constant 0 : i32
      %dma_start3A_39 = tpu.memref_slice %arg6[%run_scoped3A_7, %dma_start3A_37, %dma_start3A_38] : memref<2x128x16xf32, #tpu.memory_space<vmem>> -> memref<1x128x16xf32, #tpu.memory_space<vmem>>
      %dma_start3A_40 = tpu.memref_squeeze %dma_start3A_39 : memref<1x128x16xf32, #tpu.memory_space<vmem>> -> memref<128x16xf32, #tpu.memory_space<vmem>>
      tpu.enqueue_dma source(%dma_start3A_40 : memref<128x16xf32, #tpu.memory_space<vmem>>) target(%dma_start3A_36 : memref<128x16xf32, #tpu.memory_space<vmem_shared>>) target_semaphore(%run_scoped3A_29 : memref<!tpu.dma_semaphore, #tpu.memory_space<semaphore_mem>>)
      %dma_wait3A = arith.constant 0 : i32
      %dma_wait3A_41 = arith.constant 0 : i32
      %dma_wait3A_42 = tpu.memref_slice %arg6[%run_scoped3A_7, %dma_wait3A, %dma_wait3A_41] : memref<2x128x16xf32, #tpu.memory_space<vmem>> -> memref<1x128x16xf32, #tpu.memory_space<vmem>>
      %dma_wait3A_43 = tpu.memref_squeeze %dma_wait3A_42 : memref<1x128x16xf32, #tpu.memory_space<vmem>> -> memref<128x16xf32, #tpu.memory_space<vmem>>
      %dma_wait3A_44 = arith.constant 0 : i32
      %dma_wait3A_45 = tpu.memref_slice %arg7[%add3A_6, %dma_wait3A_44] : memref<10240x16xf32, #tpu.memory_space<vmem_shared>> -> memref<128x16xf32, #tpu.memory_space<vmem_shared>>
      %dma_wait3A_46 = arith.constant 0 : i32
      %dma_wait3A_47 = tpu.memref_slice %arg7[%add3A_6, %dma_wait3A_46] : memref<10240x16xf32, #tpu.memory_space<vmem_shared>> -> memref<128x16xf32, #tpu.memory_space<vmem_shared>>
      %dma_wait3A_48 = arith.constant 0 : i32
      %dma_wait3A_49 = arith.constant 0 : i32
      %dma_wait3A_50 = tpu.memref_slice %arg6[%run_scoped3A_7, %dma_wait3A_48, %dma_wait3A_49] : memref<2x128x16xf32, #tpu.memory_space<vmem>> -> memref<1x128x16xf32, #tpu.memory_space<vmem>>
      %dma_wait3A_51 = tpu.memref_squeeze %dma_wait3A_50 : memref<1x128x16xf32, #tpu.memory_space<vmem>> -> memref<128x16xf32, #tpu.memory_space<vmem>>
      tpu.wait_dma2 semaphore(%run_scoped3A_29 : memref<!tpu.dma_semaphore, #tpu.memory_space<semaphore_mem>>) src(%dma_wait3A_51 : memref<128x16xf32, #tpu.memory_space<vmem>>) dst(%dma_wait3A_47 : memref<128x16xf32, #tpu.memory_space<vmem_shared>>)
      tpu.yield
    }) : () -> ()
    %add3A_8 = arith.constant 256 : i32
    %add3A_9 = arith.addi %mul3A_2, %add3A_8 : i32
    %run_scoped3A_10 = arith.constant 0 : i32
    "tpu.region"() ({
      %run_scoped3A_29 = tpu.sem_alloc : memref<!tpu.dma_semaphore, #tpu.memory_space<semaphore_mem>>
      %dma_start3A = arith.constant 0 : i32
      %dma_start3A_30 = arith.constant 0 : i32
      %dma_start3A_31 = tpu.memref_slice %arg6[%run_scoped3A_10, %dma_start3A, %dma_start3A_30] : memref<2x128x16xf32, #tpu.memory_space<vmem>> -> memref<1x128x16xf32, #tpu.memory_space<vmem>>
      %dma_start3A_32 = tpu.memref_squeeze %dma_start3A_31 : memref<1x128x16xf32, #tpu.memory_space<vmem>> -> memref<128x16xf32, #tpu.memory_space<vmem>>
      %dma_start3A_33 = arith.constant 0 : i32
      %dma_start3A_34 = tpu.memref_slice %arg7[%add3A_9, %dma_start3A_33] : memref<10240x16xf32, #tpu.memory_space<vmem_shared>> -> memref<128x16xf32, #tpu.memory_space<vmem_shared>>
      %dma_start3A_35 = arith.constant 0 : i32
      %dma_start3A_36 = tpu.memref_slice %arg7[%add3A_9, %dma_start3A_35] : memref<10240x16xf32, #tpu.memory_space<vmem_shared>> -> memref<128x16xf32, #tpu.memory_space<vmem_shared>>
      %dma_start3A_37 = arith.constant 0 : i32
      %dma_start3A_38 = arith.constant 0 : i32
      %dma_start3A_39 = tpu.memref_slice %arg6[%run_scoped3A_10, %dma_start3A_37, %dma_start3A_38] : memref<2x128x16xf32, #tpu.memory_space<vmem>> -> memref<1x128x16xf32, #tpu.memory_space<vmem>>
      %dma_start3A_40 = tpu.memref_squeeze %dma_start3A_39 : memref<1x128x16xf32, #tpu.memory_space<vmem>> -> memref<128x16xf32, #tpu.memory_space<vmem>>
      tpu.enqueue_dma source(%dma_start3A_40 : memref<128x16xf32, #tpu.memory_space<vmem>>) target(%dma_start3A_36 : memref<128x16xf32, #tpu.memory_space<vmem_shared>>) target_semaphore(%run_scoped3A_29 : memref<!tpu.dma_semaphore, #tpu.memory_space<semaphore_mem>>)
      %dma_wait3A = arith.constant 0 : i32
      %dma_wait3A_41 = arith.constant 0 : i32
      %dma_wait3A_42 = tpu.memref_slice %arg6[%run_scoped3A_10, %dma_wait3A, %dma_wait3A_41] : memref<2x128x16xf32, #tpu.memory_space<vmem>> -> memref<1x128x16xf32, #tpu.memory_space<vmem>>
      %dma_wait3A_43 = tpu.memref_squeeze %dma_wait3A_42 : memref<1x128x16xf32, #tpu.memory_space<vmem>> -> memref<128x16xf32, #tpu.memory_space<vmem>>
      %dma_wait3A_44 = arith.constant 0 : i32
      %dma_wait3A_45 = tpu.memref_slice %arg7[%add3A_9, %dma_wait3A_44] : memref<10240x16xf32, #tpu.memory_space<vmem_shared>> -> memref<128x16xf32, #tpu.memory_space<vmem_shared>>
      %dma_wait3A_46 = arith.constant 0 : i32
      %dma_wait3A_47 = tpu.memref_slice %arg7[%add3A_9, %dma_wait3A_46] : memref<10240x16xf32, #tpu.memory_space<vmem_shared>> -> memref<128x16xf32, #tpu.memory_space<vmem_shared>>
      %dma_wait3A_48 = arith.constant 0 : i32
      %dma_wait3A_49 = arith.constant 0 : i32
      %dma_wait3A_50 = tpu.memref_slice %arg6[%run_scoped3A_10, %dma_wait3A_48, %dma_wait3A_49] : memref<2x128x16xf32, #tpu.memory_space<vmem>> -> memref<1x128x16xf32, #tpu.memory_space<vmem>>
      %dma_wait3A_51 = tpu.memref_squeeze %dma_wait3A_50 : memref<1x128x16xf32, #tpu.memory_space<vmem>> -> memref<128x16xf32, #tpu.memory_space<vmem>>
      tpu.wait_dma2 semaphore(%run_scoped3A_29 : memref<!tpu.dma_semaphore, #tpu.memory_space<semaphore_mem>>) src(%dma_wait3A_51 : memref<128x16xf32, #tpu.memory_space<vmem>>) dst(%dma_wait3A_47 : memref<128x16xf32, #tpu.memory_space<vmem_shared>>)
      tpu.yield
    }) : () -> ()
    %add3A_11 = arith.constant 384 : i32
    %add3A_12 = arith.addi %mul3A_2, %add3A_11 : i32
    %run_scoped3A_13 = arith.constant 0 : i32
    "tpu.region"() ({
      %run_scoped3A_29 = tpu.sem_alloc : memref<!tpu.dma_semaphore, #tpu.memory_space<semaphore_mem>>
      %dma_start3A = arith.constant 0 : i32
      %dma_start3A_30 = arith.constant 0 : i32
      %dma_start3A_31 = tpu.memref_slice %arg6[%run_scoped3A_13, %dma_start3A, %dma_start3A_30] : memref<2x128x16xf32, #tpu.memory_space<vmem>> -> memref<1x128x16xf32, #tpu.memory_space<vmem>>
      %dma_start3A_32 = tpu.memref_squeeze %dma_start3A_31 : memref<1x128x16xf32, #tpu.memory_space<vmem>> -> memref<128x16xf32, #tpu.memory_space<vmem>>
      %dma_start3A_33 = arith.constant 0 : i32
      %dma_start3A_34 = tpu.memref_slice %arg7[%add3A_12, %dma_start3A_33] : memref<10240x16xf32, #tpu.memory_space<vmem_shared>> -> memref<128x16xf32, #tpu.memory_space<vmem_shared>>
      %dma_start3A_35 = arith.constant 0 : i32
      %dma_start3A_36 = tpu.memref_slice %arg7[%add3A_12, %dma_start3A_35] : memref<10240x16xf32, #tpu.memory_space<vmem_shared>> -> memref<128x16xf32, #tpu.memory_space<vmem_shared>>
      %dma_start3A_37 = arith.constant 0 : i32
      %dma_start3A_38 = arith.constant 0 : i32
      %dma_start3A_39 = tpu.memref_slice %arg6[%run_scoped3A_13, %dma_start3A_37, %dma_start3A_38] : memref<2x128x16xf32, #tpu.memory_space<vmem>> -> memref<1x128x16xf32, #tpu.memory_space<vmem>>
      %dma_start3A_40 = tpu.memref_squeeze %dma_start3A_39 : memref<1x128x16xf32, #tpu.memory_space<vmem>> -> memref<128x16xf32, #tpu.memory_space<vmem>>
      tpu.enqueue_dma source(%dma_start3A_40 : memref<128x16xf32, #tpu.memory_space<vmem>>) target(%dma_start3A_36 : memref<128x16xf32, #tpu.memory_space<vmem_shared>>) target_semaphore(%run_scoped3A_29 : memref<!tpu.dma_semaphore, #tpu.memory_space<semaphore_mem>>)
      %dma_wait3A = arith.constant 0 : i32
      %dma_wait3A_41 = arith.constant 0 : i32
      %dma_wait3A_42 = tpu.memref_slice %arg6[%run_scoped3A_13, %dma_wait3A, %dma_wait3A_41] : memref<2x128x16xf32, #tpu.memory_space<vmem>> -> memref<1x128x16xf32, #tpu.memory_space<vmem>>
      %dma_wait3A_43 = tpu.memref_squeeze %dma_wait3A_42 : memref<1x128x16xf32, #tpu.memory_space<vmem>> -> memref<128x16xf32, #tpu.memory_space<vmem>>
      %dma_wait3A_44 = arith.constant 0 : i32
      %dma_wait3A_45 = tpu.memref_slice %arg7[%add3A_12, %dma_wait3A_44] : memref<10240x16xf32, #tpu.memory_space<vmem_shared>> -> memref<128x16xf32, #tpu.memory_space<vmem_shared>>
      %dma_wait3A_46 = arith.constant 0 : i32
      %dma_wait3A_47 = tpu.memref_slice %arg7[%add3A_12, %dma_wait3A_46] : memref<10240x16xf32, #tpu.memory_space<vmem_shared>> -> memref<128x16xf32, #tpu.memory_space<vmem_shared>>
      %dma_wait3A_48 = arith.constant 0 : i32
      %dma_wait3A_49 = arith.constant 0 : i32
      %dma_wait3A_50 = tpu.memref_slice %arg6[%run_scoped3A_13, %dma_wait3A_48, %dma_wait3A_49] : memref<2x128x16xf32, #tpu.memory_space<vmem>> -> memref<1x128x16xf32, #tpu.memory_space<vmem>>
      %dma_wait3A_51 = tpu.memref_squeeze %dma_wait3A_50 : memref<1x128x16xf32, #tpu.memory_space<vmem>> -> memref<128x16xf32, #tpu.memory_space<vmem>>
      tpu.wait_dma2 semaphore(%run_scoped3A_29 : memref<!tpu.dma_semaphore, #tpu.memory_space<semaphore_mem>>) src(%dma_wait3A_51 : memref<128x16xf32, #tpu.memory_space<vmem>>) dst(%dma_wait3A_47 : memref<128x16xf32, #tpu.memory_space<vmem_shared>>)
      tpu.yield
    }) : () -> ()
    %add3A_14 = arith.constant 512 : i32
    %add3A_15 = arith.addi %mul3A_2, %add3A_14 : i32
    %run_scoped3A_16 = arith.constant 0 : i32
    "tpu.region"() ({
      %run_scoped3A_29 = tpu.sem_alloc : memref<!tpu.dma_semaphore, #tpu.memory_space<semaphore_mem>>
      %dma_start3A = arith.constant 0 : i32
      %dma_start3A_30 = arith.constant 0 : i32
      %dma_start3A_31 = tpu.memref_slice %arg6[%run_scoped3A_16, %dma_start3A, %dma_start3A_30] : memref<2x128x16xf32, #tpu.memory_space<vmem>> -> memref<1x128x16xf32, #tpu.memory_space<vmem>>
      %dma_start3A_32 = tpu.memref_squeeze %dma_start3A_31 : memref<1x128x16xf32, #tpu.memory_space<vmem>> -> memref<128x16xf32, #tpu.memory_space<vmem>>
      %dma_start3A_33 = arith.constant 0 : i32
      %dma_start3A_34 = tpu.memref_slice %arg7[%add3A_15, %dma_start3A_33] : memref<10240x16xf32, #tpu.memory_space<vmem_shared>> -> memref<128x16xf32, #tpu.memory_space<vmem_shared>>
      %dma_start3A_35 = arith.constant 0 : i32
      %dma_start3A_36 = tpu.memref_slice %arg7[%add3A_15, %dma_start3A_35] : memref<10240x16xf32, #tpu.memory_space<vmem_shared>> -> memref<128x16xf32, #tpu.memory_space<vmem_shared>>
      %dma_start3A_37 = arith.constant 0 : i32
      %dma_start3A_38 = arith.constant 0 : i32
      %dma_start3A_39 = tpu.memref_slice %arg6[%run_scoped3A_16, %dma_start3A_37, %dma_start3A_38] : memref<2x128x16xf32, #tpu.memory_space<vmem>> -> memref<1x128x16xf32, #tpu.memory_space<vmem>>
      %dma_start3A_40 = tpu.memref_squeeze %dma_start3A_39 : memref<1x128x16xf32, #tpu.memory_space<vmem>> -> memref<128x16xf32, #tpu.memory_space<vmem>>
      tpu.enqueue_dma source(%dma_start3A_40 : memref<128x16xf32, #tpu.memory_space<vmem>>) target(%dma_start3A_36 : memref<128x16xf32, #tpu.memory_space<vmem_shared>>) target_semaphore(%run_scoped3A_29 : memref<!tpu.dma_semaphore, #tpu.memory_space<semaphore_mem>>)
      %dma_wait3A = arith.constant 0 : i32
      %dma_wait3A_41 = arith.constant 0 : i32
      %dma_wait3A_42 = tpu.memref_slice %arg6[%run_scoped3A_16, %dma_wait3A, %dma_wait3A_41] : memref<2x128x16xf32, #tpu.memory_space<vmem>> -> memref<1x128x16xf32, #tpu.memory_space<vmem>>
      %dma_wait3A_43 = tpu.memref_squeeze %dma_wait3A_42 : memref<1x128x16xf32, #tpu.memory_space<vmem>> -> memref<128x16xf32, #tpu.memory_space<vmem>>
      %dma_wait3A_44 = arith.constant 0 : i32
      %dma_wait3A_45 = tpu.memref_slice %arg7[%add3A_15, %dma_wait3A_44] : memref<10240x16xf32, #tpu.memory_space<vmem_shared>> -> memref<128x16xf32, #tpu.memory_space<vmem_shared>>
      %dma_wait3A_46 = arith.constant 0 : i32
      %dma_wait3A_47 = tpu.memref_slice %arg7[%add3A_15, %dma_wait3A_46] : memref<10240x16xf32, #tpu.memory_space<vmem_shared>> -> memref<128x16xf32, #tpu.memory_space<vmem_shared>>
      %dma_wait3A_48 = arith.constant 0 : i32
      %dma_wait3A_49 = arith.constant 0 : i32
      %dma_wait3A_50 = tpu.memref_slice %arg6[%run_scoped3A_16, %dma_wait3A_48, %dma_wait3A_49] : memref<2x128x16xf32, #tpu.memory_space<vmem>> -> memref<1x128x16xf32, #tpu.memory_space<vmem>>
      %dma_wait3A_51 = tpu.memref_squeeze %dma_wait3A_50 : memref<1x128x16xf32, #tpu.memory_space<vmem>> -> memref<128x16xf32, #tpu.memory_space<vmem>>
      tpu.wait_dma2 semaphore(%run_scoped3A_29 : memref<!tpu.dma_semaphore, #tpu.memory_space<semaphore_mem>>) src(%dma_wait3A_51 : memref<128x16xf32, #tpu.memory_space<vmem>>) dst(%dma_wait3A_47 : memref<128x16xf32, #tpu.memory_space<vmem_shared>>)
      tpu.yield
    }) : () -> ()
    %barrier3A = arith.constant 0 : index
    tpu.barrier barrier_id(%barrier3A)
    %scan3A = arith.constant 0 : i32
    %scan3A_17 = arith.constant 0 : i32
    %scan3A_18 = arith.constant 80 : i32
    %scan3A_19 = arith.addi %scan3A_17, %scan3A_18 : i32
    %scan3A_20 = arith.constant 1 : i32
    scf.for %scan3A_29 = %scan3A_17 to %scan3A_19 step %scan3A_20  : i32 {
      %run_scoped3A_30 = arith.constant 1 : i32
      "tpu.region"() ({
        %run_scoped3A_31 = tpu.sem_alloc : memref<!tpu.dma_semaphore, #tpu.memory_space<semaphore_mem>>
        %dma_start3A = arith.constant 0 : i32
        %dma_start3A_32 = arith.constant 0 : i32
        %dma_start3A_33 = tpu.memref_slice %arg6[%run_scoped3A_30, %dma_start3A, %dma_start3A_32] : memref<2x128x16xf32, #tpu.memory_space<vmem>> -> memref<1x128x16xf32, #tpu.memory_space<vmem>>
        %dma_start3A_34 = tpu.memref_squeeze %dma_start3A_33 : memref<1x128x16xf32, #tpu.memory_space<vmem>> -> memref<128x16xf32, #tpu.memory_space<vmem>>
        %dma_start3A_35 = arith.constant 0 : i32
        %dma_start3A_36 = tpu.memref_slice %arg5[%scan3A_29, %dma_start3A_35] : memref<80x128xi32, #tpu.memory_space<vmem>> -> memref<1x128xi32, #tpu.memory_space<vmem>>
        %dma_start3A_37 = tpu.memref_squeeze %dma_start3A_36 : memref<1x128xi32, #tpu.memory_space<vmem>> -> memref<128xi32, #tpu.memory_space<vmem>>
        %dma_start3A_38 = arith.constant 0 : i32
        %dma_start3A_39 = arith.constant 0 : i32
        %dma_start3A_40 = tpu.memref_slice %arg7[%dma_start3A_38, %dma_start3A_39] : memref<10240x16xf32, #tpu.memory_space<vmem_shared>> -> memref<10240x16xf32, #tpu.memory_space<vmem_shared>>
        tpu.enqueue_indirect_dma source(%dma_start3A_34 : memref<128x16xf32, #tpu.memory_space<vmem>>) target(%dma_start3A_40 : memref<10240x16xf32, #tpu.memory_space<vmem_shared>>) offsets(%dma_start3A_37 : memref<128xi32, #tpu.memory_space<vmem>>) semaphore(%run_scoped3A_31 : memref<!tpu.dma_semaphore, #tpu.memory_space<semaphore_mem>>) {add = true}
        %dma_wait3A = arith.constant 0 : i32
        %dma_wait3A_41 = arith.constant 0 : i32
        %dma_wait3A_42 = tpu.memref_slice %arg6[%run_scoped3A_30, %dma_wait3A, %dma_wait3A_41] : memref<2x128x16xf32, #tpu.memory_space<vmem>> -> memref<1x128x16xf32, #tpu.memory_space<vmem>>
        %dma_wait3A_43 = tpu.memref_squeeze %dma_wait3A_42 : memref<1x128x16xf32, #tpu.memory_space<vmem>> -> memref<128x16xf32, #tpu.memory_space<vmem>>
        %dma_wait3A_44 = arith.constant 0 : i32
        %dma_wait3A_45 = tpu.memref_slice %arg5[%scan3A_29, %dma_wait3A_44] : memref<80x128xi32, #tpu.memory_space<vmem>> -> memref<1x128xi32, #tpu.memory_space<vmem>>
        %dma_wait3A_46 = tpu.memref_squeeze %dma_wait3A_45 : memref<1x128xi32, #tpu.memory_space<vmem>> -> memref<128xi32, #tpu.memory_space<vmem>>
        %dma_wait3A_47 = arith.constant 0 : i32
        %dma_wait3A_48 = arith.constant 0 : i32
        %dma_wait3A_49 = tpu.memref_slice %arg7[%dma_wait3A_47, %dma_wait3A_48] : memref<10240x16xf32, #tpu.memory_space<vmem_shared>> -> memref<10240x16xf32, #tpu.memory_space<vmem_shared>>
        tpu.wait_indirect_dma semaphore(%run_scoped3A_31 : memref<!tpu.dma_semaphore, #tpu.memory_space<semaphore_mem>>) src(%dma_wait3A_43 : memref<128x16xf32, #tpu.memory_space<vmem>>) dst(%dma_wait3A_49 : memref<10240x16xf32, #tpu.memory_space<vmem_shared>>)
        tpu.yield
      }) : () -> ()
    }
    %scan3A_21 = arith.constant 80 : i32
    %barrier3A_22 = arith.constant 0 : index
    tpu.barrier barrier_id(%barrier3A_22)
    %mul3A_23 = arith.constant 624 : i32
    %mul3A_24 = arith.muli %arg1, %mul3A_23 : i32
    %mul3A_25 = arith.constant 624 : i32
    %mul3A_26 = arith.muli %arg1, %mul3A_25 : i32
    "tpu.region"() ({
      %run_scoped3A_29 = tpu.sem_alloc : memref<!tpu.dma_semaphore, #tpu.memory_space<semaphore_mem>>
      %dma_start3A = arith.constant 0 : i32
      %dma_start3A_30 = tpu.memref_slice %arg4[%arg0, %mul3A_26, %dma_start3A] : memref<2x10000x16xf32, #tpu.memory_space<hbm>> -> memref<1x624x16xf32, #tpu.memory_space<hbm>>
      %dma_start3A_31 = tpu.memref_squeeze %dma_start3A_30 : memref<1x624x16xf32, #tpu.memory_space<hbm>> -> memref<624x16xf32, #tpu.memory_space<hbm>>
      %dma_start3A_32 = arith.constant 0 : i32
      %dma_start3A_33 = tpu.memref_slice %arg7[%mul3A_24, %dma_start3A_32] : memref<10240x16xf32, #tpu.memory_space<vmem_shared>> -> memref<624x16xf32, #tpu.memory_space<vmem_shared>>
      tpu.enqueue_dma source(%dma_start3A_33 : memref<624x16xf32, #tpu.memory_space<vmem_shared>>) target(%dma_start3A_31 : memref<624x16xf32, #tpu.memory_space<hbm>>) target_semaphore(%run_scoped3A_29 : memref<!tpu.dma_semaphore, #tpu.memory_space<semaphore_mem>>)
      %dma_wait3A = arith.constant 0 : i32
      %dma_wait3A_34 = tpu.memref_slice %arg4[%arg0, %mul3A_26, %dma_wait3A] : memref<2x10000x16xf32, #tpu.memory_space<hbm>> -> memref<1x624x16xf32, #tpu.memory_space<hbm>>
      %dma_wait3A_35 = tpu.memref_squeeze %dma_wait3A_34 : memref<1x624x16xf32, #tpu.memory_space<hbm>> -> memref<624x16xf32, #tpu.memory_space<hbm>>
      %dma_wait3A_36 = arith.constant 0 : i32
      %dma_wait3A_37 = tpu.memref_slice %arg7[%mul3A_24, %dma_wait3A_36] : memref<10240x16xf32, #tpu.memory_space<vmem_shared>> -> memref<624x16xf32, #tpu.memory_space<vmem_shared>>
      tpu.wait_dma2 semaphore(%run_scoped3A_29 : memref<!tpu.dma_semaphore, #tpu.memory_space<semaphore_mem>>) src(%dma_wait3A_37 : memref<624x16xf32, #tpu.memory_space<vmem_shared>>) dst(%dma_wait3A_35 : memref<624x16xf32, #tpu.memory_space<hbm>>)
      tpu.yield
    }) : () -> ()
    %eq3A = arith.constant 0 : i32
    %eq3A_27 = arith.cmpi eq, %arg1, %eq3A : i32
    %convert_element_type3A = arith.extui %eq3A_27 : i1 to i32
    %cond3A = arith.constant 0 : i32
    %cond3A_28 = arith.cmpi ne, %convert_element_type3A, %cond3A : i32
    scf.if %cond3A_28 {
      "tpu.region"() ({
        %run_scoped3A_29 = tpu.sem_alloc : memref<!tpu.dma_semaphore, #tpu.memory_space<semaphore_mem>>
        %dma_start3A = arith.constant 9984 : i32
        %dma_start3A_30 = arith.constant 0 : i32
        %dma_start3A_31 = tpu.memref_slice %arg4[%arg0, %dma_start3A, %dma_start3A_30] : memref<2x10000x16xf32, #tpu.memory_space<hbm>> -> memref<1x16x16xf32, #tpu.memory_space<hbm>>
        %dma_start3A_32 = tpu.memref_squeeze %dma_start3A_31 : memref<1x16x16xf32, #tpu.memory_space<hbm>> -> memref<16x16xf32, #tpu.memory_space<hbm>>
        %dma_start3A_33 = arith.constant 9984 : i32
        %dma_start3A_34 = arith.constant 0 : i32
        %dma_start3A_35 = tpu.memref_slice %arg7[%dma_start3A_33, %dma_start3A_34] : memref<10240x16xf32, #tpu.memory_space<vmem_shared>> -> memref<16x16xf32, #tpu.memory_space<vmem_shared>>
        tpu.enqueue_dma source(%dma_start3A_35 : memref<16x16xf32, #tpu.memory_space<vmem_shared>>) target(%dma_start3A_32 : memref<16x16xf32, #tpu.memory_space<hbm>>) target_semaphore(%run_scoped3A_29 : memref<!tpu.dma_semaphore, #tpu.memory_space<semaphore_mem>>)
        %dma_wait3A = arith.constant 9984 : i32
        %dma_wait3A_36 = arith.constant 0 : i32
        %dma_wait3A_37 = tpu.memref_slice %arg4[%arg0, %dma_wait3A, %dma_wait3A_36] : memref<2x10000x16xf32, #tpu.memory_space<hbm>> -> memref<1x16x16xf32, #tpu.memory_space<hbm>>
        %dma_wait3A_38 = tpu.memref_squeeze %dma_wait3A_37 : memref<1x16x16xf32, #tpu.memory_space<hbm>> -> memref<16x16xf32, #tpu.memory_space<hbm>>
        %dma_wait3A_39 = arith.constant 9984 : i32
        %dma_wait3A_40 = arith.constant 0 : i32
        %dma_wait3A_41 = tpu.memref_slice %arg7[%dma_wait3A_39, %dma_wait3A_40] : memref<10240x16xf32, #tpu.memory_space<vmem_shared>> -> memref<16x16xf32, #tpu.memory_space<vmem_shared>>
        tpu.wait_dma2 semaphore(%run_scoped3A_29 : memref<!tpu.dma_semaphore, #tpu.memory_space<semaphore_mem>>) src(%dma_wait3A_41 : memref<16x16xf32, #tpu.memory_space<vmem_shared>>) dst(%dma_wait3A_38 : memref<16x16xf32, #tpu.memory_space<hbm>>)
        tpu.yield
      }) : () -> ()
    } else {
    }
    return
  }
}

module attributes {stable_mosaic.version = 14 : i64} {
  func.func @_prep1_body(%arg0: i32, %arg1: memref<2x2000x16xf32, #tpu.memory_space<vmem>>, %arg2: memref<2000x128xf32, #tpu.memory_space<vmem>>, %arg3: memref<128x128xf32, #tpu.memory_space<vmem>>, %arg4: memref<2000x128xf32, #tpu.memory_space<vmem>>) attributes {dimension_semantics = [#tpu.dimension_semantics<arbitrary>], iteration_bounds = array<i64: 5>, scalar_prefetch = 0 : i64, scratch_operands = 0 : i64, tpu.core_type = #tpu.core_type<tc>, window_params = [{transform_indices = @transform_0, window_bounds = array<i64: 2, 2000, 16>}, {transform_indices = @transform_1, window_bounds = array<i64: 2000, 128>}, {pipeline_mode = #tpu.pipeline_mode<synchronous>, transform_indices = @transform_2, window_bounds = array<i64: 128, 128>}, {transform_indices = @transform_3, window_bounds = array<i64: 2000, 128>}]} {
    %get3A = arith.constant 0 : index
    %get3A_0 = arith.constant 0 : index
    %get3A_1 = arith.constant 0 : index
    %get3A_2 = vector.load %arg1[%get3A, %get3A_0, %get3A_1] : memref<2x2000x16xf32, #tpu.memory_space<vmem>>, vector<2x2000x16xf32>
    %slice3A = vector.extract_strided_slice %get3A_2 {offsets = [0, 0, 0], sizes = [1, 2000, 1], strides = [1, 1, 1]} : vector<2x2000x16xf32> to vector<1x2000x1xf32>
    %squeeze3A = vector.shape_cast %slice3A : vector<1x2000x1xf32> to vector<2000x1xf32>
    %slice3A_3 = vector.extract_strided_slice %get3A_2 {offsets = [1, 0, 0], sizes = [1, 2000, 1], strides = [1, 1, 1]} : vector<2x2000x16xf32> to vector<1x2000x1xf32>
    %squeeze3A_4 = vector.shape_cast %slice3A_3 : vector<1x2000x1xf32> to vector<2000x1xf32>
    %add3A = arith.addf %squeeze3A, %squeeze3A_4 : vector<2000x1xf32>
    %add3A_5 = arith.constant 1.000000e+00 : f32
    %add3A_6 = vector.broadcast %add3A_5 : f32 to vector<2000x1xf32>
    %add3A_7 = arith.addf %add3A, %add3A_6 : vector<2000x1xf32>
    %rsqrt3A = math.rsqrt %add3A_7 : vector<2000x1xf32>
    %get3A_8 = arith.constant 0 : index
    %get3A_9 = arith.constant 0 : index
    %get3A_10 = vector.load %arg2[%get3A_8, %get3A_9] : memref<2000x128xf32, #tpu.memory_space<vmem>>, vector<2000x128xf32>
    %get3A_11 = arith.constant 0 : index
    %get3A_12 = arith.constant 0 : index
    %get3A_13 = vector.load %arg3[%get3A_11, %get3A_12] : memref<128x128xf32, #tpu.memory_space<vmem>>, vector<128x128xf32>
    %dot_general3A = arith.constant dense<0.000000e+00> : vector<2000x128xf32>
    %dot_general3A_14 = tpu.matmul %get3A_10, %get3A_13, %dot_general3A {dimension_numbers = #tpu.dot_dimension_numbers<[1], [0], [0], [1], [0, 0, 1, 1], [], []>, transpose_lhs_hint = false} : vector<2000x128xf32>, vector<128x128xf32>, vector<2000x128xf32> -> vector<2000x128xf32>
    %mul3A = vector.broadcast %rsqrt3A : vector<2000x1xf32> to vector<2000x128xf32>
    %mul3A_15 = arith.mulf %dot_general3A_14, %mul3A : vector<2000x128xf32>
    %swap3A = arith.constant 0 : index
    %swap3A_16 = arith.constant 0 : index
    %swap3A_17 = vector.load %arg4[%swap3A, %swap3A_16] : memref<2000x128xf32, #tpu.memory_space<vmem>>, vector<2000x128xf32>
    tpu.vector_store %arg4[%swap3A, %swap3A_16], %mul3A_15 {strides = array<i32>} : memref<2000x128xf32, #tpu.memory_space<vmem>>, vector<2000x128xf32>,
    return
  }
  func.func @transform_0(%arg0: i32) -> (i32, i32, i32) {
    %c0_i32 = arith.constant 0 : i32
    %c0_i32_0 = arith.constant 0 : i32
    %c0_i32_1 = arith.constant 0 : i32
    return %c0_i32, %arg0, %c0_i32_0 : i32, i32, i32
  }
  func.func @transform_1(%arg0: i32) -> (i32, i32) {
    %c0_i32 = arith.constant 0 : i32
    %c0_i32_0 = arith.constant 0 : i32
    return %arg0, %c0_i32 : i32, i32
  }
  func.func @transform_2(%arg0: i32) -> (i32, i32) {
    %c0_i32 = arith.constant 0 : i32
    %c0_i32_0 = arith.constant 0 : i32
    %c0_i32_1 = arith.constant 0 : i32
    return %c0_i32, %c0_i32_0 : i32, i32
  }
  func.func @transform_3(%arg0: i32) -> (i32, i32) {
    %c0_i32 = arith.constant 0 : i32
    %c0_i32_0 = arith.constant 0 : i32
    return %arg0, %c0_i32 : i32, i32
  }
}

module attributes {stable_mosaic.version = 14 : i64} {
  func.func @_combine_body(%arg0: i32, %arg1: memref<2x2000x16xf32, #tpu.memory_space<vmem>>, %arg2: memref<2x2000x128xf32, #tpu.memory_space<vmem>>, %arg3: memref<2000x128xf32, #tpu.memory_space<vmem>>, %arg4: memref<1x128xf32, #tpu.memory_space<vmem>>, %arg5: memref<128x128xf32, #tpu.memory_space<vmem>>, %arg6: memref<2000x128xf32, #tpu.memory_space<vmem>>) attributes {dimension_semantics = [#tpu.dimension_semantics<arbitrary>], iteration_bounds = array<i64: 5>, scalar_prefetch = 0 : i64, scratch_operands = 0 : i64, tpu.core_type = #tpu.core_type<tc>, window_params = [{transform_indices = @transform_0, window_bounds = array<i64: 2, 2000, 16>}, {transform_indices = @transform_1, window_bounds = array<i64: 2, 2000, 128>}, {transform_indices = @transform_2, window_bounds = array<i64: 2000, 128>}, {pipeline_mode = #tpu.pipeline_mode<synchronous>, transform_indices = @transform_3, window_bounds = array<i64: 1, 128>}, {pipeline_mode = #tpu.pipeline_mode<synchronous>, transform_indices = @transform_4, window_bounds = array<i64: 128, 128>}, {transform_indices = @transform_5, window_bounds = array<i64: 2000, 128>}]} {
    %get3A = arith.constant 0 : index
    %get3A_0 = arith.constant 0 : index
    %get3A_1 = arith.constant 0 : index
    %get3A_2 = vector.load %arg1[%get3A, %get3A_0, %get3A_1] : memref<2x2000x16xf32, #tpu.memory_space<vmem>>, vector<2x2000x16xf32>
    %slice3A = vector.extract_strided_slice %get3A_2 {offsets = [0, 0, 0], sizes = [1, 2000, 1], strides = [1, 1, 1]} : vector<2x2000x16xf32> to vector<1x2000x1xf32>
    %squeeze3A = vector.shape_cast %slice3A : vector<1x2000x1xf32> to vector<2000x1xf32>
    %slice3A_3 = vector.extract_strided_slice %get3A_2 {offsets = [1, 0, 0], sizes = [1, 2000, 1], strides = [1, 1, 1]} : vector<2x2000x16xf32> to vector<1x2000x1xf32>
    %squeeze3A_4 = vector.shape_cast %slice3A_3 : vector<1x2000x1xf32> to vector<2000x1xf32>
    %add3A = arith.addf %squeeze3A, %squeeze3A_4 : vector<2000x1xf32>
    %add3A_5 = arith.constant 1.000000e+00 : f32
    %add3A_6 = vector.broadcast %add3A_5 : f32 to vector<2000x1xf32>
    %add3A_7 = arith.addf %add3A, %add3A_6 : vector<2000x1xf32>
    %rsqrt3A = math.rsqrt %add3A_7 : vector<2000x1xf32>
    %get3A_8 = arith.constant 0 : index
    %get3A_9 = arith.constant 0 : index
    %get3A_10 = arith.constant 0 : index
    %get3A_11 = vector.load %arg2[%get3A_8, %get3A_9, %get3A_10] : memref<2x2000x128xf32, #tpu.memory_space<vmem>>, vector<1x2000x128xf32>
    %get3A_12 = vector.shape_cast %get3A_11 : vector<1x2000x128xf32> to vector<2000x128xf32>
    %get3A_13 = arith.constant 1 : index
    %get3A_14 = arith.constant 0 : index
    %get3A_15 = arith.constant 0 : index
    %get3A_16 = vector.load %arg2[%get3A_13, %get3A_14, %get3A_15] : memref<2x2000x128xf32, #tpu.memory_space<vmem>>, vector<1x2000x128xf32>
    %get3A_17 = vector.shape_cast %get3A_16 : vector<1x2000x128xf32> to vector<2000x128xf32>
    %add3A_18 = arith.addf %get3A_12, %get3A_17 : vector<2000x128xf32>
    %get3A_19 = arith.constant 0 : index
    %get3A_20 = arith.constant 0 : index
    %get3A_21 = vector.load %arg3[%get3A_19, %get3A_20] : memref<2000x128xf32, #tpu.memory_space<vmem>>, vector<2000x128xf32>
    %add3A_22 = arith.addf %add3A_18, %get3A_21 : vector<2000x128xf32>
    %mul3A = vector.broadcast %rsqrt3A : vector<2000x1xf32> to vector<2000x128xf32>
    %mul3A_23 = arith.mulf %mul3A, %add3A_22 : vector<2000x128xf32>
    %get3A_24 = arith.constant 0 : index
    %get3A_25 = arith.constant 0 : index
    %get3A_26 = vector.load %arg4[%get3A_24, %get3A_25] : memref<1x128xf32, #tpu.memory_space<vmem>>, vector<1x128xf32>
    %add3A_27 = vector.broadcast %get3A_26 : vector<1x128xf32> to vector<2000x128xf32>
    %add3A_28 = arith.addf %mul3A_23, %add3A_27 : vector<2000x128xf32>
    %max3A = arith.constant 0.000000e+00 : f32
    %max3A_29 = vector.broadcast %max3A : f32 to vector<2000x128xf32>
    %max3A_30 = arith.maximumf %add3A_28, %max3A_29 : vector<2000x128xf32>
    %get3A_31 = arith.constant 0 : index
    %get3A_32 = arith.constant 0 : index
    %get3A_33 = vector.load %arg5[%get3A_31, %get3A_32] : memref<128x128xf32, #tpu.memory_space<vmem>>, vector<128x128xf32>
    %dot_general3A = arith.constant dense<0.000000e+00> : vector<2000x128xf32>
    %dot_general3A_34 = tpu.matmul %max3A_30, %get3A_33, %dot_general3A {dimension_numbers = #tpu.dot_dimension_numbers<[1], [0], [0], [1], [0, 0, 1, 1], [], []>, transpose_lhs_hint = false} : vector<2000x128xf32>, vector<128x128xf32>, vector<2000x128xf32> -> vector<2000x128xf32>
    %mul3A_35 = vector.broadcast %rsqrt3A : vector<2000x1xf32> to vector<2000x128xf32>
    %mul3A_36 = arith.mulf %dot_general3A_34, %mul3A_35 : vector<2000x128xf32>
    %swap3A = arith.constant 0 : index
    %swap3A_37 = arith.constant 0 : index
    %swap3A_38 = vector.load %arg6[%swap3A, %swap3A_37] : memref<2000x128xf32, #tpu.memory_space<vmem>>, vector<2000x128xf32>
    tpu.vector_store %arg6[%swap3A, %swap3A_37], %mul3A_36 {strides = array<i32>} : memref<2000x128xf32, #tpu.memory_space<vmem>>, vector<2000x128xf32>,
    return
  }
  func.func @transform_0(%arg0: i32) -> (i32, i32, i32) {
    %c0_i32 = arith.constant 0 : i32
    %c0_i32_0 = arith.constant 0 : i32
    %c0_i32_1 = arith.constant 0 : i32
    return %c0_i32, %arg0, %c0_i32_0 : i32, i32, i32
  }
  func.func @transform_1(%arg0: i32) -> (i32, i32, i32) {
    %c0_i32 = arith.constant 0 : i32
    %c0_i32_0 = arith.constant 0 : i32
    %c0_i32_1 = arith.constant 0 : i32
    return %c0_i32, %arg0, %c0_i32_0 : i32, i32, i32
  }
  func.func @transform_2(%arg0: i32) -> (i32, i32) {
    %c0_i32 = arith.constant 0 : i32
    %c0_i32_0 = arith.constant 0 : i32
    return %arg0, %c0_i32 : i32, i32
  }
  func.func @transform_3(%arg0: i32) -> (i32, i32) {
    %c0_i32 = arith.constant 0 : i32
    %c0_i32_0 = arith.constant 0 : i32
    %c0_i32_1 = arith.constant 0 : i32
    return %c0_i32, %c0_i32_0 : i32, i32
  }
  func.func @transform_4(%arg0: i32) -> (i32, i32) {
    %c0_i32 = arith.constant 0 : i32
    %c0_i32_0 = arith.constant 0 : i32
    %c0_i32_1 = arith.constant 0 : i32
    return %c0_i32, %c0_i32_0 : i32, i32
  }
  func.func @transform_5(%arg0: i32) -> (i32, i32) {
    %c0_i32 = arith.constant 0 : i32
    %c0_i32_0 = arith.constant 0 : i32
    return %arg0, %c0_i32 : i32, i32
  }
}

module attributes {stable_mosaic.version = 14 : i64} {
  func.func @_final_body(%arg0: i32, %arg1: memref<2x2000x16xf32, #tpu.memory_space<vmem>>, %arg2: memref<2x2000x128xf32, #tpu.memory_space<vmem>>, %arg3: memref<2000x128xf32, #tpu.memory_space<vmem>>, %arg4: memref<1x128xf32, #tpu.memory_space<vmem>>, %arg5: memref<1x1x2000xi32, #tpu.memory_space<vmem>>, %arg6: memref<1x128xf32, #tpu.memory_space<vmem>>, %arg7: memref<1x1xf32, #tpu.memory_space<vmem>>, %arg8: memref<64x1xf32, #tpu.memory_space<vmem>>, %arg9: memref<64x128xf32, #tpu.memory_space<vmem>>, %arg10: memref<64x128xf32, #tpu.memory_space<vmem>>) attributes {dimension_semantics = [#tpu.dimension_semantics<arbitrary>], iteration_bounds = array<i64: 5>, scalar_prefetch = 0 : i64, scratch_operands = 2 : i64, tpu.core_type = #tpu.core_type<tc>, window_params = [{transform_indices = @transform_0, window_bounds = array<i64: 2, 2000, 16>}, {transform_indices = @transform_1, window_bounds = array<i64: 2, 2000, 128>}, {transform_indices = @transform_2, window_bounds = array<i64: 2000, 128>}, {pipeline_mode = #tpu.pipeline_mode<synchronous>, transform_indices = @transform_3, window_bounds = array<i64: 1, 128>}, {transform_indices = @transform_4, window_bounds = array<i64: 1, 1, 2000>}, {pipeline_mode = #tpu.pipeline_mode<synchronous>, transform_indices = @transform_5, window_bounds = array<i64: 1, 128>}, {pipeline_mode = #tpu.pipeline_mode<synchronous>, transform_indices = @transform_6, window_bounds = array<i64: 1, 1>}, {pipeline_mode = #tpu.pipeline_mode<synchronous>, transform_indices = @transform_7, window_bounds = array<i64: 64, 1>}]} {
    %get3A = arith.constant 0 : index
    %get3A_0 = arith.constant 0 : index
    %get3A_1 = arith.constant 0 : index
    %get3A_2 = vector.load %arg1[%get3A, %get3A_0, %get3A_1] : memref<2x2000x16xf32, #tpu.memory_space<vmem>>, vector<2x2000x16xf32>
    %slice3A = vector.extract_strided_slice %get3A_2 {offsets = [0, 0, 0], sizes = [1, 2000, 1], strides = [1, 1, 1]} : vector<2x2000x16xf32> to vector<1x2000x1xf32>
    %squeeze3A = vector.shape_cast %slice3A : vector<1x2000x1xf32> to vector<2000x1xf32>
    %slice3A_3 = vector.extract_strided_slice %get3A_2 {offsets = [1, 0, 0], sizes = [1, 2000, 1], strides = [1, 1, 1]} : vector<2x2000x16xf32> to vector<1x2000x1xf32>
    %squeeze3A_4 = vector.shape_cast %slice3A_3 : vector<1x2000x1xf32> to vector<2000x1xf32>
    %add3A = arith.addf %squeeze3A, %squeeze3A_4 : vector<2000x1xf32>
    %add3A_5 = arith.constant 1.000000e+00 : f32
    %add3A_6 = vector.broadcast %add3A_5 : f32 to vector<2000x1xf32>
    %add3A_7 = arith.addf %add3A, %add3A_6 : vector<2000x1xf32>
    %rsqrt3A = math.rsqrt %add3A_7 : vector<2000x1xf32>
    %get3A_8 = arith.constant 0 : index
    %get3A_9 = arith.constant 0 : index
    %get3A_10 = arith.constant 0 : index
    %get3A_11 = vector.load %arg2[%get3A_8, %get3A_9, %get3A_10] : memref<2x2000x128xf32, #tpu.memory_space<vmem>>, vector<1x2000x128xf32>
    %get3A_12 = vector.shape_cast %get3A_11 : vector<1x2000x128xf32> to vector<2000x128xf32>
    %get3A_13 = arith.constant 1 : index
    %get3A_14 = arith.constant 0 : index
    %get3A_15 = arith.constant 0 : index
    %get3A_16 = vector.load %arg2[%get3A_13, %get3A_14, %get3A_15] : memref<2x2000x128xf32, #tpu.memory_space<vmem>>, vector<1x2000x128xf32>
    %get3A_17 = vector.shape_cast %get3A_16 : vector<1x2000x128xf32> to vector<2000x128xf32>
    %add3A_18 = arith.addf %get3A_12, %get3A_17 : vector<2000x128xf32>
    %get3A_19 = arith.constant 0 : index
    %get3A_20 = arith.constant 0 : index
    %get3A_21 = vector.load %arg3[%get3A_19, %get3A_20] : memref<2000x128xf32, #tpu.memory_space<vmem>>, vector<2000x128xf32>
    %add3A_22 = arith.addf %add3A_18, %get3A_21 : vector<2000x128xf32>
    %mul3A = vector.broadcast %rsqrt3A : vector<2000x1xf32> to vector<2000x128xf32>
    %mul3A_23 = arith.mulf %mul3A, %add3A_22 : vector<2000x128xf32>
    %get3A_24 = arith.constant 0 : index
    %get3A_25 = arith.constant 0 : index
    %get3A_26 = vector.load %arg4[%get3A_24, %get3A_25] : memref<1x128xf32, #tpu.memory_space<vmem>>, vector<1x128xf32>
    %add3A_27 = vector.broadcast %get3A_26 : vector<1x128xf32> to vector<2000x128xf32>
    %add3A_28 = arith.addf %mul3A_23, %add3A_27 : vector<2000x128xf32>
    %max3A = arith.constant 0.000000e+00 : f32
    %max3A_29 = vector.broadcast %max3A : f32 to vector<2000x128xf32>
    %max3A_30 = arith.maximumf %add3A_28, %max3A_29 : vector<2000x128xf32>
    %get3A_31 = arith.constant 0 : index
    %get3A_32 = arith.constant 0 : index
    %get3A_33 = arith.constant 0 : index
    %get3A_34 = vector.load %arg5[%get3A_31, %get3A_32, %get3A_33] : memref<1x1x2000xi32, #tpu.memory_space<vmem>>, vector<1x1x2000xi32>
    %get3A_35 = vector.shape_cast %get3A_34 : vector<1x1x2000xi32> to vector<2000xi32>
    %broadcast_in_dim3A = vector.shape_cast %get3A_35 : vector<2000xi32> to vector<2000x1xi32>
    %iota3A = tpu.iota {dimensions = array<i32: 1>} : vector<2000x64xi32>
    %eq3A = vector.broadcast %broadcast_in_dim3A : vector<2000x1xi32> to vector<2000x64xi32>
    %eq3A_36 = arith.cmpi eq, %eq3A, %iota3A : vector<2000x64xi32>
    %convert_element_type3A = arith.extui %eq3A_36 : vector<2000x64xi1> to vector<2000x64xi32>
    %convert_element_type3A_37 = arith.sitofp %convert_element_type3A : vector<2000x64xi32> to vector<2000x64xf32>
    %dot_general3A = arith.constant dense<0.000000e+00> : vector<64x128xf32>
    %dot_general3A_38 = tpu.matmul %convert_element_type3A_37, %max3A_30, %dot_general3A {dimension_numbers = #tpu.dot_dimension_numbers<[0], [0], [1], [1], [0, 1, 1, 1], [], []>, transpose_lhs_hint = false} : vector<2000x64xf32>, vector<2000x128xf32>, vector<64x128xf32> -> vector<64x128xf32>
    %reduce_sum3A = arith.constant dense<0.000000e+00> : vector<64xf32>
    %reduce_sum3A_39 = vector.multi_reduction <add>, %convert_element_type3A_37, %reduce_sum3A [0] : vector<2000x64xf32> to vector<64xf32>
    %broadcast_in_dim3A_40 = vector.shape_cast %reduce_sum3A_39 : vector<64xf32> to vector<64x1xf32>
    %broadcast_in_dim3A_41 = vector.shape_cast %broadcast_in_dim3A_40 : vector<64x1xf32> to vector<64x1xf32>
    %broadcast_in_dim3A_42 = vector.broadcast %broadcast_in_dim3A_41 : vector<64x1xf32> to vector<64x128xf32>
    %eq3A_43 = arith.constant 0 : i32
    %eq3A_44 = arith.cmpi eq, %arg0, %eq3A_43 : i32
    %convert_element_type3A_45 = arith.extui %eq3A_44 : i1 to i32
    %cond3A = arith.constant 0 : i32
    %cond3A_46 = arith.cmpi ne, %convert_element_type3A_45, %cond3A : i32
    scf.if %cond3A_46 {
      %swap3A = arith.constant 0 : index
      %swap3A_56 = arith.constant 0 : index
      %swap3A_57 = vector.load %arg9[%swap3A, %swap3A_56] : memref<64x128xf32, #tpu.memory_space<vmem>>, vector<64x128xf32>
      tpu.vector_store %arg9[%swap3A, %swap3A_56], %dot_general3A_38 {strides = array<i32>} : memref<64x128xf32, #tpu.memory_space<vmem>>, vector<64x128xf32>,
      %swap3A_58 = arith.constant 0 : index
      %swap3A_59 = arith.constant 0 : index
      %swap3A_60 = vector.load %arg10[%swap3A_58, %swap3A_59] : memref<64x128xf32, #tpu.memory_space<vmem>>, vector<64x128xf32>
      tpu.vector_store %arg10[%swap3A_58, %swap3A_59], %broadcast_in_dim3A_42 {strides = array<i32>} : memref<64x128xf32, #tpu.memory_space<vmem>>, vector<64x128xf32>,
    } else {
    }
    %gt3A = arith.constant 0 : i32
    %gt3A_47 = arith.cmpi sgt, %arg0, %gt3A : i32
    %convert_element_type3A_48 = arith.extui %gt3A_47 : i1 to i32
    %cond3A_49 = arith.constant 0 : i32
    %cond3A_50 = arith.cmpi ne, %convert_element_type3A_48, %cond3A_49 : i32
    scf.if %cond3A_50 {
      %get3A_56 = arith.constant 0 : index
      %get3A_57 = arith.constant 0 : index
      %get3A_58 = vector.load %arg9[%get3A_56, %get3A_57] : memref<64x128xf32, #tpu.memory_space<vmem>>, vector<64x128xf32>
      %add3A_59 = arith.addf %get3A_58, %dot_general3A_38 : vector<64x128xf32>
      %swap3A = arith.constant 0 : index
      %swap3A_60 = arith.constant 0 : index
      %swap3A_61 = vector.load %arg9[%swap3A, %swap3A_60] : memref<64x128xf32, #tpu.memory_space<vmem>>, vector<64x128xf32>
      tpu.vector_store %arg9[%swap3A, %swap3A_60], %add3A_59 {strides = array<i32>} : memref<64x128xf32, #tpu.memory_space<vmem>>, vector<64x128xf32>,
      %get3A_62 = arith.constant 0 : index
      %get3A_63 = arith.constant 0 : index
      %get3A_64 = vector.load %arg10[%get3A_62, %get3A_63] : memref<64x128xf32, #tpu.memory_space<vmem>>, vector<64x128xf32>
      %add3A_65 = arith.addf %get3A_64, %broadcast_in_dim3A_42 : vector<64x128xf32>
      %swap3A_66 = arith.constant 0 : index
      %swap3A_67 = arith.constant 0 : index
      %swap3A_68 = vector.load %arg10[%swap3A_66, %swap3A_67] : memref<64x128xf32, #tpu.memory_space<vmem>>, vector<64x128xf32>
      tpu.vector_store %arg10[%swap3A_66, %swap3A_67], %add3A_65 {strides = array<i32>} : memref<64x128xf32, #tpu.memory_space<vmem>>, vector<64x128xf32>,
    } else {
    }
    %eq3A_51 = arith.constant 4 : i32
    %eq3A_52 = arith.cmpi eq, %arg0, %eq3A_51 : i32
    %convert_element_type3A_53 = arith.extui %eq3A_52 : i1 to i32
    %cond3A_54 = arith.constant 0 : i32
    %cond3A_55 = arith.cmpi ne, %convert_element_type3A_53, %cond3A_54 : i32
    scf.if %cond3A_55 {
      %get3A_56 = arith.constant 0 : index
      %get3A_57 = arith.constant 0 : index
      %get3A_58 = vector.load %arg9[%get3A_56, %get3A_57] : memref<64x128xf32, #tpu.memory_space<vmem>>, vector<64x128xf32>
      %get3A_59 = arith.constant 0 : index
      %get3A_60 = arith.constant 0 : index
      %get3A_61 = vector.load %arg10[%get3A_59, %get3A_60] : memref<64x128xf32, #tpu.memory_space<vmem>>, vector<64x128xf32>
      %max3A_62 = arith.constant 1.000000e+00 : f32
      %max3A_63 = vector.broadcast %max3A_62 : f32 to vector<64x128xf32>
      %max3A_64 = arith.maximumf %get3A_61, %max3A_63 : vector<64x128xf32>
      %div3A = arith.divf %get3A_58, %max3A_64 : vector<64x128xf32>
      %get3A_65 = arith.constant 0 : index
      %get3A_66 = arith.constant 0 : index
      %get3A_67 = vector.load %arg6[%get3A_65, %get3A_66] : memref<1x128xf32, #tpu.memory_space<vmem>>, vector<1x128xf32>
      %mul3A_68 = vector.broadcast %get3A_67 : vector<1x128xf32> to vector<64x128xf32>
      %mul3A_69 = arith.mulf %div3A, %mul3A_68 : vector<64x128xf32>
      %reduce_sum3A_70 = arith.constant dense<0.000000e+00> : vector<64xf32>
      %reduce_sum3A_71 = vector.multi_reduction <add>, %mul3A_69, %reduce_sum3A_70 [1] : vector<64x128xf32> to vector<64xf32>
      %broadcast_in_dim3A_72 = vector.shape_cast %reduce_sum3A_71 : vector<64xf32> to vector<64x1xf32>
      %get3A_73 = arith.constant 0 : index
      %get3A_74 = arith.constant 0 : index
      %get3A_75 = vector.load %arg7[%get3A_73, %get3A_74] : memref<1x1xf32, #tpu.memory_space<vmem>>, vector<1x1xf32>
      %add3A_76 = vector.broadcast %get3A_75 : vector<1x1xf32> to vector<64x1xf32>
      %add3A_77 = arith.addf %broadcast_in_dim3A_72, %add3A_76 : vector<64x1xf32>
      %neg3A = arith.constant 0.000000e+00 : f32
      %neg3A_78 = vector.broadcast %neg3A : f32 to vector<64x1xf32>
      %neg3A_79 = arith.subf %neg3A_78, %add3A_77 : vector<64x1xf32>
      %exp3A = math.exp %neg3A_79 : vector<64x1xf32>
      %add3A_80 = arith.constant 1.000000e+00 : f32
      %add3A_81 = vector.broadcast %add3A_80 : f32 to vector<64x1xf32>
      %add3A_82 = arith.addf %add3A_81, %exp3A : vector<64x1xf32>
      %div3A_83 = arith.constant 1.000000e+00 : f32
      %div3A_84 = vector.broadcast %div3A_83 : f32 to vector<64x1xf32>
      %div3A_85 = arith.divf %div3A_84, %add3A_82 : vector<64x1xf32>
      %swap3A = arith.constant 0 : index
      %swap3A_86 = arith.constant 0 : index
      %swap3A_87 = vector.load %arg8[%swap3A, %swap3A_86] : memref<64x1xf32, #tpu.memory_space<vmem>>, vector<64x1xf32>
      tpu.vector_store %arg8[%swap3A, %swap3A_86], %div3A_85 {strides = array<i32>} : memref<64x1xf32, #tpu.memory_space<vmem>>, vector<64x1xf32>,
    } else {
    }
    return
  }
  func.func @transform_0(%arg0: i32) -> (i32, i32, i32) {
    %c0_i32 = arith.constant 0 : i32
    %c0_i32_0 = arith.constant 0 : i32
    %c0_i32_1 = arith.constant 0 : i32
    return %c0_i32, %arg0, %c0_i32_0 : i32, i32, i32
  }
  func.func @transform_1(%arg0: i32) -> (i32, i32, i32) {
    %c0_i32 = arith.constant 0 : i32
    %c0_i32_0 = arith.constant 0 : i32
    %c0_i32_1 = arith.constant 0 : i32
    return %c0_i32, %arg0, %c0_i32_0 : i32, i32, i32
  }
  func.func @transform_2(%arg0: i32) -> (i32, i32) {
    %c0_i32 = arith.constant 0 : i32
    %c0_i32_0 = arith.constant 0 : i32
    return %arg0, %c0_i32 : i32, i32
  }
  func.func @transform_3(%arg0: i32) -> (i32, i32) {
    %c0_i32 = arith.constant 0 : i32
    %c0_i32_0 = arith.constant 0 : i32
    %c0_i32_1 = arith.constant 0 : i32
    return %c0_i32, %c0_i32_0 : i32, i32
  }
  func.func @transform_4(%arg0: i32) -> (i32, i32, i32) {
    %c0_i32 = arith.constant 0 : i32
    %c0_i32_0 = arith.constant 0 : i32
    %c0_i32_1 = arith.constant 0 : i32
    return %arg0, %c0_i32, %c0_i32_0 : i32, i32, i32
  }
  func.func @transform_5(%arg0: i32) -> (i32, i32) {
    %c0_i32 = arith.constant 0 : i32
    %c0_i32_0 = arith.constant 0 : i32
    %c0_i32_1 = arith.constant 0 : i32
    return %c0_i32, %c0_i32_0 : i32, i32
  }
  func.func @transform_6(%arg0: i32) -> (i32, i32) {
    %c0_i32 = arith.constant 0 : i32
    %c0_i32_0 = arith.constant 0 : i32
    %c0_i32_1 = arith.constant 0 : i32
    return %c0_i32, %c0_i32_0 : i32, i32
  }
  func.func @transform_7(%arg0: i32) -> (i32, i32) {
    %c0_i32 = arith.constant 0 : i32
    %c0_i32_0 = arith.constant 0 : i32
    %c0_i32_1 = arith.constant 0 : i32
    return %c0_i32, %c0_i32_0 : i32, i32
  }
}

</mosaic_0001>

<sc_bundles>
// kernel: kernel.11.cloned.1.call-start
scs
__scs_entry_jumppad:
0x0: {  	(pc) =	sbr.rel $0x88, $3  }
0x1: {  	(tag) =	ssettag $0x0;
	lr =	simm.s32 $0x1  }
0x2: {  	[smem:$0x3F98] =	sst lr;
	_ =	strace $0xD0000000  }
0x3: {  	_ = 	snop  }
0x4: {  	_ = 	snop  }
0x5: {  	_ = 	snop  }
0x6: {  	_ = 	snop  }
0x7: {  	_ = 	snop  }
__scs_overlays_trampoline_lowered:
0x8: {  	[smem:$0x3FA7] =	sst s0  }
0x9: {  	[smem:$0x3FA8] =	sst s1  }
0xa: {  	[smem:$0x3FA9] =	sst s2  }
0xb: {  	[smem:$0x3FAA] =	sst s3  }
0xc: {  	[smem:$0x3FAB] =	sst s4  }
0xd: {  	[smem:$0x3FAC] =	sst s5  }
0xe: {  	[smem:$0x3FAD] =	sst s6  }
0xf: {  	[smem:$0x3FAE] =	sst s7  }
0x10: {  	[smem:$0x3FAF] =	sst s8  }
0x11: {  	[smem:$0x3FB0] =	sst s9;
	s0 =	simm.s32 @!p0 $0x0  }
0x12: {  	s1 =	sld [smem:$0x3F96];
	s0 =	simm.s32 @p0 $0x1  }
0x13: {  	[smem:$0x3FB1] =	sst s0;
	s0 =	simm.s32 @!p1 $0x0  }
0x14: {  	s2 =	sld [smem:$0x3F95];
	s0 =	simm.s32 @p1 $0x1  }
0x15: {  	[smem:$0x3FB2] =	sst s0;
	s0 =	simm.s32 @!p2 $0x0  }
0x16: {  	s3 =	sld [smem:$0x3FDB];
	s0 =	simm.s32 @p2 $0x1  }
0x17: {  	s4 =	simm.s32 $0x1BF5;
	[smem:$0x3FB4] =	sst s0  }
0x18: {  	s0 =	sld [smem:$0x3F97];
	_ =	swait.ge [sflag:s4], $0x0  }
0x19: {  	s7 =	sld [smem:$0x3F98]  }
0x1a: {  	s8 =	sadd.s32 $0xFFFFE003, lr  }
0x1b: {  	s9 =	sadd.s32 $0xFFFFFEF7, lr;
	s5 =	simm.s32 $0xFFFFFFFF;
	p2 =	slt.u32 s8, $0xFFFFF086  }
0x1c: {  	p1 =	slt.u32 s9, $0xF7A;
	s5 =	simm.s32 @!p2 $0x0  }
0x1d: {  	s5 =	simm.s32 @p1 $0x1;
	p0 =	seq.s32 s7, s2  }
0x1e: {  	s7 =	smul.u32 @!p0 $0xF7A, s2;
	p2 =	seq.s32 @!p0 s5, $0x0  }
0x1f: {  	s9 =	smul.u32 $0xF7A, s1;
	s8 =	simm.s32 @!p0 $0x1BF5;
	p2 =	por !p2, p0  }
0x20: {  	[sflag:s8] =	ssyncset.s32 @!p0 $0xFFFFF086;
	s6 =	sadd.s32 @!p0 s3, s7;
	s7 =	simm.s32 @!p0 $0x108  }
0x21: {  	s3 =	sadd.s32 s3, s9;
	s6 =	sadd.s32 @!p0 $0x88, s6;
	s7 =	simm.s32 @p2 $0x1082  }
0x22: {  	[simem:s7], [sflag:s8] =	dma.local @!p0 [hbm:s6], $0xF7A  }
0x23: {  	s9 =	sor.u32 $0xD0000000, s2;
	s6 =	simm.s32 $0x108;
	_ =	swait.ge @!p0 [sflag:s8], $0x0  }
0x24: {  	s3 =	sadd.s32 $0x88, s3;
	s6 =	simm.s32 @!p1 $0x1082;
	[sflag:s4] =	ssyncset.s32 $0xFFFFF086  }
0x25: {  	[simem:s6], [sflag:s4] =	dma.local [hbm:s3], $0xF7A  }
0x26: {  	[smem:$0x3F98] =	sst s1;
	(tag) =	ssettag s2;
	_ =	strace s9  }
0x27: {  	s1 =	sld [smem:$0x3FA8]  }
0x28: {  	s2 =	sld [smem:$0x3FA9]  }
0x29: {  	s4 =	sld [smem:$0x3FAB]  }
0x2a: {  	p0 =	seq.s32 s5, $0x0;
	s5 =	sld [smem:$0x3FAC]  }
0x2b: {  	s6 =	sld [smem:$0x3FAD]  }
0x2c: {  	s7 =	sld [smem:$0x3FAE]  }
0x2d: {  	s3 =	simm.s32 $0x108;
	s8 =	sld [smem:$0x3FAF]  }
0x2e: {  	s3 =	simm.s32 @!p0 $0x1082;
	s9 =	sld [smem:$0x3FB0]  }
0x2f: {  	lr =	sadd.s32 s0, s3;
	s0 =	sld [smem:$0x3FA7]  }
0x30: {  	s3 =	sld [smem:$0x3FAA]  }
0x31: {  	[smem:$0x3FB3] =	sst s10  }
0x32: {  	s10 =	sld [smem:$0x3FB1];
	_ =	sdelay $0x3  }
0x33: {  	p0 =	seq.s32 s10, $0x1;
	s10 =	sld [smem:$0x3FB3];
	_ =	sdelay $0x3  }
0x34: {  	[smem:$0x3FB3] =	sst s10  }
0x35: {  	s10 =	sld [smem:$0x3FB2];
	_ =	sdelay $0x3  }
0x36: {  	p1 =	seq.s32 s10, $0x1;
	s10 =	sld [smem:$0x3FB3];
	_ =	sdelay $0x3  }
0x37: {  	[smem:$0x3FB3] =	sst s10  }
0x38: {  	s10 =	sld [smem:$0x3FB4]  }
0x39: {  	_ = 	snop;
	(pc) =	sbr.ind lr, $3  }
0x3a: {  	_ = 	snop  }
0x3b: {  	_ = 	snop  }
0x3c: {  	p2 =	seq.s32 s10, $0x1;
	s10 =	sld [smem:$0x3FB3]  }
0x3d: {  	_ =	shalt  }
0x3e: {  	_ =	shalt  }
0x3f: {  	_ =	shalt  }
0x40: {  	_ =	shalt  }
0x41: {  	_ =	shalt  }
0x42: {  	_ =	shalt  }
0x43: {  	_ =	shalt  }
0x44: {  	_ =	shalt  }
0x45: {  	_ =	shalt  }
0x46: {  	_ =	shalt  }
0x47: {  	_ =	shalt  }
0x48: {  	_ =	shalt  }
0x49: {  	_ =	shalt  }
0x4a: {  	_ =	shalt  }
0x4b: {  	_ =	shalt  }
0x4c: {  	_ =	shalt  }
0x4d: {  	_ =	shalt  }
0x4e: {  	_ =	shalt  }
0x4f: {  	_ =	shalt  }
0x50: {  	_ =	shalt  }
0x51: {  	_ =	shalt  }
0x52: {  	_ =	shalt  }
0x53: {  	_ =	shalt  }
0x54: {  	_ =	shalt  }
0x55: {  	_ =	shalt  }
0x56: {  	_ =	shalt  }
0x57: {  	_ =	shalt  }
0x58: {  	_ =	shalt  }
0x59: {  	_ =	shalt  }
0x5a: {  	_ =	shalt  }
0x5b: {  	_ =	shalt  }
0x5c: {  	_ =	shalt  }
0x5d: {  	_ =	shalt  }
0x5e: {  	_ =	shalt  }
0x5f: {  	_ =	shalt  }
0x60: {  	_ =	shalt  }
0x61: {  	_ =	shalt  }
0x62: {  	_ =	shalt  }
0x63: {  	_ =	shalt  }
0x64: {  	_ =	shalt  }
0x65: {  	_ =	shalt  }
0x66: {  	_ =	shalt  }
0x67: {  	_ =	shalt  }
0x68: {  	_ =	shalt  }
0x69: {  	_ =	shalt  }
0x6a: {  	_ =	shalt  }
0x6b: {  	_ =	shalt  }
0x6c: {  	_ =	shalt  }
0x6d: {  	_ =	shalt  }
0x6e: {  	_ =	shalt  }
0x6f: {  	_ =	shalt  }
0x70: {  	_ =	shalt  }
0x71: {  	_ =	shalt  }
0x72: {  	_ =	shalt  }
0x73: {  	_ =	shalt  }
0x74: {  	_ =	shalt  }
0x75: {  	_ =	shalt  }
0x76: {  	_ =	shalt  }
0x77: {  	_ =	shalt  }
0x78: {  	_ =	shalt  }
0x79: {  	_ =	shalt  }
0x7a: {  	_ =	shalt  }
0x7b: {  	_ =	shalt  }
0x7c: {  	_ =	shalt  }
0x7d: {  	_ =	shalt  }
0x7e: {  	_ =	shalt  }
0x7f: {  	_ =	shalt  }
0x80: {  	_ =	shalt  }
0x81: {  	_ =	shalt  }
0x82: {  	_ =	shalt  }
0x83: {  	_ =	shalt  }
0x84: {  	_ =	shalt  }
0x85: {  	_ =	shalt  }
0x86: {  	_ =	shalt  }
0x87: {  	_ =	shalt  }
.Lfunc_end0:
.L_simem_size_0:
called_computation.1_lowered:
.L_overlay_start_0:
0x88: {  	s2 =	sld [smem:$0x3FD9]  }
0x89: {  	s3 =	sld [smem:$0x3FFE];
	_ =	sdelay $0x1  }
0x8a: {  	s1 =	srdreg.scid  }
0x8b: {  	s0 =	sand.u32 $0x1, s1  }
0x8c: {  	s16 =	sshll.u32 s0, $0xA;
	s2 =	sadd.s32 s3, s2  }
0x8d: {  	s2 =	sadd.s32 s2, s16  }
0x8e: {  	[smem:$0x3FBF] =	sst s2  }
0x8f: {  	_ = 	snop  }
0x90: {  	(tm) =	ssettm $0x1  }
0x91: {  	s17 =	sld [smem:$0x3FFB];
	_ =	sdelay $0x3  }
0x92: {  	_ =	strace s17  }
0x93: {  	s2 =	sld [smem:$0x3FFC];
	_ =	sdelay $0x3  }
0x94: {  	_ =	strace s2  }
0x95: {  	s2 =	sld [smem:$0x3FFD];
	_ =	sdelay $0x3  }
0x96: {  	_ =	strace s2  }
0x97: {  	_ =	strace $0x8FFFFFFF  }
0x98: {  	s18 =	sld [smem:$0x3FDB];
	_ =	sdelay $0x1  }
0x99: {  	s19 =	simm.s32 $_scs_section_size  }
0x9a: {  	s4 =	simm.s32 $_size__tile_overlayer_lowered;
	s5 =	simm.s32 $_tile_overlayer_lowered  }
0x9b: {  	s22 =	simm.s32 $0x1BFF;
	s21 =	sshll.u32 s5, $0x1;
	s2 =	sadd.s32 s19, s18  }
0x9c: {  	s6 =	simm.s32 $0x0;
	s20 =	sshll.u32 s4, $0x1;
	s4 =	sadd.s32 s21, s2  }
0x9d: {  	[timem:s6], [sflag:s22] =	dma.local [hbm:s4], s20  }
0x9e: {  	_ =	swait.ge [sflag:s22], s20  }
0x9f: {  	s3 =	ssub.s32 $0x0, s20;
	[sflag:s22] =	ssyncset.done $0x0  }
0xa0: {  	[sflag:s22] =	ssyncadd.s32 s3;
	_ =	sdelay $0x1  }
0xa1: {  	s23 =	simm.s32 $0x1B8B  }
0xa2: {  	_ =	swait.ge [sflag:s23], $0x1  }
0xa3: {  	[sflag:s23] =	ssyncset.done $0x0  }
0xa4: {  	s25 =	simm.s32 $0x1B8E;
	s24 =	sld [smem:$0x3FFE];
	[sflag:s23] =	ssyncadd.s32 $0xFFFFFFFF  }
0xa5: {  	s26 =	simm.s32 $execute0_lowered;
	[smem:$0x3FD2] =	sst s25  }
0xa6: {  	s4 =	sshll.u32 s26, $0x1;
	_ =	strace $0x80000049;
	[dreg:$0x1] =	wrdreg $0xFFFFFFFF  }
0xa7: {  	s28 =	simm.s32 $_size_execute0_lowered;
	s2 =	sadd.s32 s2, s4;
	[dreg:$0x0] =	wrdreg $0x0  }
0xa8: {  	s4 =	sshll.u32 s28, $0x1;
	[dreg:$0x2] =	wrdreg s2  }
0xa9: {  	[dreg:$0x3] =	wrdreg s4  }
0xaa: {  	[dreg:$0x4] =	wrdreg $0xC0  }
0xab: {  	_ =	task [dreg:s6], $0x5FFFF  }
0xac: {  	[dreg:$0x1] =	wrdreg $0xFFFFFFFF  }
0xad: {  	[dreg:$0x0] =	wrdreg $0x60  }
0xae: {  	[dreg:$0x2] =	wrdreg s24  }
0xaf: {  	[dreg:$0x3] =	wrdreg $0xA8000  }
0xb0: {  	[dreg:$0x4] =	wrdreg $0x9  }
0xb1: {  	_ =	task.clear_ibuf [dreg:s6], $0x5FFFF;
	_ =	strace $0x90000049  }
0xb2: {  	s29 =	simm.s32 $0x9;
	_ =	strace $0x8000004B  }
0xb3: {  	_ =	swait.ge [sflag:s29], $0x1  }
0xb4: {  	[sflag:s29] =	ssyncadd.s32 $0xFFFFFFFF  }
0xb5: {  	_ =	strace $0x9000004B  }
0xb6: {  	_ =	sfence  }
0xb7: {  	s30 =	sld [smem:$0x0];
	_ =	sdelay $0x2  }
0xb8: {  	s31 =	sshll.u32 s1, $0xD;
	s1 =	sshrl.u32 s1, $0x2  }
0xb9: {  	s3 =	sand.u32 $0x4000, s31;
	s1 =	sadd.s32 s1, s30  }
0xba: {  	s0 =	sor.u32 s3, s0;
	s1 =	sshll.u32 s1, $0x11  }
0xbb: {  	s0 =	sor.u32 s1, s0  }
0xbc: {  	s0 =	sadd.s32 $0x8F2B, s0  }
0xbd: {  	[sflag:s0] =	ssyncadd.remote.s32 $0x1  }
0xbe: {  	_ =	sfence.sel $0xFFFF  }
0xbf: {  	[dreg:$0x0] =	wrdreg $0xFFFFFFFF;
	(pc) =	sbr.abs _section_cstart, $3  }
0xc0: {  	[dreg:$0x1] =	wrdreg $0xFFFFFFFF  }
0xc1: {  	_ =	task.clear_ibuf [dreg:s6], $0x2FFFF;
	_ =	strace $0x9FFFFFFF  }
0xc2: {  	(tm) =	ssettm $0x7FFFFFFF  }
0xc3: {  	_ =	shalt  }
tec
execute0_lowered:
.L_overlay_start_1:
0x0: {  	(tag) =	ssettag $0x1  }
0x1: {  	s0 =	rddreg [dreg:$0x0]  }
0x2: {  	s1 =	rddreg [dreg:$0x1];
	s2 =	simm.s32 $0x0;
	s4 =	srdreg.scid  }
0x3: {  	s3 =	stileid.u32;
	s20 =	simm.s32 $0x6800;
	s21 =	simm.s32 $0x1400  }
0x4: {  	s22 =	simm.s32 $0x2800;
	s28 =	simm.s32 $0x2700;
	s29 =	simm.s32 $0x2780  }
0x5: {  	s30 =	simm.s32 $0x0;
	[smem:$0x7FF] =	sst s2;
	s11 =	sand.u32 $0x1, s4  }
0x6: {  	s23 =	sshll.u32 s3, $0x1;
	s4 =	sadd.s32 $0x16C00, s0;
	s8 =	smul.u32 $0x50000, s3  }
0x7: {  	s13 =	sadd.s32 $0xCC00, s0;
	s14 =	sadd.s32 $0x2C00, s0;
	s18 =	smul.u32 $0x13800, s3  }
0x8: {  	s19 =	smul.u32 $0x4E000, s3;
	p0 =	sne.s32 s3, $0x0;
	_ =	strace $0x8000004A  }
0x9: {  	s5 =	sor.u32 s11, s23;
	s7 =	ssub.s32 $0x2, s11;
	s15 =	smul.u32 $0x138800, s11  }
0xa: {  	s23 =	simm.s32 $0x1;
	s6 =	smul.u32 $0x2800, s5;
	s5 =	sadd.s32 $0x3DE00, s0  }
0xb: {  	s0 =	sadd.s32 $0x3E600, s0;
	s9 =	sshrl.u32 s7, $0x1;
	s8 =	sshrl.u32 s8, $0x2  }
0xc: {  	s25 =	sshrl.u32 s19, $0x2;
	s19 =	simm.s32 $0x80;
	s17 =	ssub.s32 s7, s9  }
0xd: {  	s8 =	sadd.s32 s8, s1;
	s24 =	sadd.s32 s18, s15;
	s15 =	sshrl.u32 s15, $0x3  }
0xe: {  	s31 =	sadd.s32 s25, s1;
	s25 =	sadd.s32 $0x138000, s1;
	s18 =	simm.s32 $0x3  }
0xf: {  	s12 =	sshrl.u32 s6, $0x3;
	s9 =	sadd.s32 $0x4000, s8;
	s10 =	sadd.s32 $0x8000, s8  }
0x10: {  	s11 =	sadd.s32 $0xC000, s8;
	s26 =	sadd.s32 s0, s15;
	s17 =	smax.u32 s17, $0x1  }
0x11: {  	s25 =	sshrl.u32 @!p0 s25, $0x3;
	s6 =	sadd.s32 s13, s12;
	s16 =	sadd.s32 $0x280, s12  }
0x12: {  	s7 =	sadd.s32 s14, s12;
	s12 =	sadd.s32 $0x10000, s8;
	s13 =	sadd.s32 s13, s16  }
0x13: {  	s14 =	sadd.s32 s14, s16;
	s16 =	sshrl.u32 s24, $0x3;
	s24 =	sshrl.u32 s31, $0x3  }
0x14: {  	s15 =	sadd.s32 s0, s16;
	s16 =	sadd.s32 $0x27000, s26;
	s26 =	simm.s32 $0x2  }
.LBB2_1:
0x15: {  	[tilespmem:s2], [sflag:$0x3] =	stream.linear.gather [hbm4b:s6+s2], $0x1400, $0x38;
	[tilespmem:$0x1E800] =	vst v63  }
0x16: {  	_ =	swait.ge [sflag:s18], $0x1400  }
0x17: {  	[sflag:s18] =	ssyncset.done $0x0  }
0x18: {  	[sflag:s18] =	ssyncadd.s32 $0xFFFFEC00  }
0x19: {  	[tilespmem:s20], [sflag:$0x2] =	stream.indirect.gather [hbm4b:s4+s19], $0x80, s19, s19, $0xb8;
	[tilespmem:$0x1E800] =	vst v63  }
0x1a: {  	_ = 	snop  }
0x1b: {  	[tilespmem:s21], [sflag:$0x3] =	stream.linear.gather [hbm4b:s7+s2], $0x1400, $0x38;
	[tilespmem:$0x1E800] =	vst v63  }
0x1c: {  	_ =	swait.ge [sflag:s18], $0x1400  }
0x1d: {  	[sflag:s18] =	ssyncset.done $0x0  }
0x1e: {  	[sflag:s18] =	ssyncadd.s32 $0xFFFFEC00  }
0x1f: {  	[tilespmem:s22], [sflag:$0x3] =	stream.linear.gather [hbm4b:s5+s2], $0x4000, $0x38;
	[tilespmem:$0x1E800] =	vst v63  }
0x20: {  	_ =	swait.ge [sflag:s18], $0x4000  }
0x21: {  	[sflag:s18] =	ssyncset.done $0x0  }
0x22: {  	[sflag:s18] =	ssyncadd.s32 $0xFFFFC000  }
0x23: {  	[spmem:s8] =	stream.linear.scatter [tilespmem:s22], [sflag:$0x3], $0x4000, $0x38;
	[tilespmem:$0x1E800] =	vst v63  }
0x24: {  	_ =	swait.ge [sflag:s18], $0x4000  }
0x25: {  	[sflag:s18] =	ssyncset.done $0x0  }
0x26: {  	[sflag:s18] =	ssyncadd.s32 $0xFFFFC000  }
0x27: {  	[spmem:s9] =	stream.linear.scatter [tilespmem:s22], [sflag:$0x3], $0x4000, $0x38;
	[tilespmem:$0x1E800] =	vst v63  }
0x28: {  	_ =	swait.ge [sflag:s18], $0x4000  }
0x29: {  	[sflag:s18] =	ssyncset.done $0x0  }
0x2a: {  	[sflag:s18] =	ssyncadd.s32 $0xFFFFC000  }
0x2b: {  	[spmem:s10] =	stream.linear.scatter [tilespmem:s22], [sflag:$0x3], $0x4000, $0x38;
	[tilespmem:$0x1E800] =	vst v63  }
0x2c: {  	_ =	swait.ge [sflag:s18], $0x4000  }
0x2d: {  	[sflag:s18] =	ssyncset.done $0x0  }
0x2e: {  	[sflag:s18] =	ssyncadd.s32 $0xFFFFC000  }
0x2f: {  	[spmem:s11] =	stream.linear.scatter [tilespmem:s22], [sflag:$0x3], $0x4000, $0x38;
	[tilespmem:$0x1E800] =	vst v63  }
0x30: {  	_ =	swait.ge [sflag:s18], $0x4000  }
0x31: {  	[sflag:s18] =	ssyncset.done $0x0  }
0x32: {  	[sflag:s18] =	ssyncadd.s32 $0xFFFFC000  }
0x33: {  	[spmem:s12] =	stream.linear.scatter [tilespmem:s22], [sflag:$0x3], $0x4000, $0x38;
	[tilespmem:$0x1E800] =	vst v63  }
0x34: {  	_ =	swait.ge [sflag:s18], $0x4000  }
0x35: {  	[sflag:s18] =	ssyncset.done $0x0  }
0x36: {  	[sflag:s18] =	ssyncadd.s32 $0xFFFFC000  }
0x37: {  	[tilespmem:s22], [sflag:$0x1] =	stream.indirect.gather [hbm4b:s4+s19], $0x80, s2, s19, $0xb8;
	[tilespmem:$0x1E800] =	vst v63  }
0x38: {  	[bflag:$0x0] =	sbarrier.arrive $0xFFFF  }
0x39: {  	_ =	swait.ge [sflag:s23], $0x4000  }
0x3a: {  	[sflag:s23] =	ssyncset.done $0x0  }
0x3b: {  	s0 =	simm.s32 $0x1400;
	[sflag:s23] =	ssyncadd.s32 $0xFFFFC000  }
0x3c: {  	[spmem:s1] =	stream.indirect.scatter.add.f32 [tilespmem:s22], [sflag:$0x3], $0x80, s0, s19, $0xb8;
	[tilespmem:$0x1E800] =	vst v63  }
0x3d: {  	_ =	swait.ge [sflag:s18], $0x4000  }
0x3e: {  	[sflag:s18] =	ssyncset.done $0x0  }
0x3f: {  	s3 =	simm.s32 $0x100;
	[sflag:s18] =	ssyncadd.s32 $0xFFFFC000  }
0x40: {  	[tilespmem:s22], [sflag:$0x1] =	stream.indirect.gather [hbm4b:s4+s19], $0x80, s3, s19, $0xb8;
	[tilespmem:$0x1E800] =	vst v63  }
0x41: {  	_ =	swait.ge [sflag:s26], $0x4000  }
0x42: {  	[sflag:s26] =	ssyncset.done $0x0  }
0x43: {  	s3 =	simm.s32 $0x1480;
	[sflag:s26] =	ssyncadd.s32 $0xFFFFC000  }
0x44: {  	[spmem:s1] =	stream.indirect.scatter.add.f32 [tilespmem:s20], [sflag:$0x3], $0x80, s3, s19, $0xb8;
	[tilespmem:$0x1E800] =	vst v63  }
0x45: {  	_ =	swait.ge [sflag:s18], $0x4000  }
0x46: {  	[sflag:s18] =	ssyncset.done $0x0  }
0x47: {  	s31 =	simm.s32 $0x400;
	s0 =	simm.s32 $0x180;
	[sflag:s18] =	ssyncadd.s32 $0xFFFFC000  }
.LBB2_2:
0x48: {  	[tilespmem:s20], [sflag:$0x2] =	stream.indirect.gather [hbm4b:s4+s19], $0x80, s0, s19, $0xb8;
	[tilespmem:$0x1E800] =	vst v63  }
0x49: {  	s0 =	smov.u32 s31  }
0x4a: {  	p1 =	sne.s32 s31, $0x4800;
	s31 =	sadd.s32 $0x400, s31;
	_ =	swait.ge [sflag:s23], $0x4000  }
0x4b: {  	s0 =	sshra.s32 s0, $0x2;
	[sflag:s23] =	ssyncset.done $0x0  }
0x4c: {  	s3 =	sadd.s32 $0x1400, s0;
	[sflag:s23] =	ssyncadd.s32 $0xFFFFC000  }
0x4d: {  	[spmem:s1] =	stream.indirect.scatter.add.f32 [tilespmem:s22], [sflag:$0x3], $0x80, s3, s19, $0xb8;
	[tilespmem:$0x1E800] =	vst v63  }
0x4e: {  	_ =	swait.ge [sflag:s18], $0x4000  }
0x4f: {  	[sflag:s18] =	ssyncset.done $0x0  }
0x50: {  	s3 =	sadd.s32 $0x100, s0;
	[sflag:s18] =	ssyncadd.s32 $0xFFFFC000  }
0x51: {  	[tilespmem:s22], [sflag:$0x1] =	stream.indirect.gather [hbm4b:s4+s19], $0x80, s3, s19, $0xb8;
	[tilespmem:$0x1E800] =	vst v63  }
0x52: {  	_ =	swait.ge [sflag:s26], $0x4000  }
0x53: {  	[sflag:s26] =	ssyncset.done $0x0  }
.Ltmp0:
0x54: {  	s3 =	sadd.s32 $0x1480, s0;
	[sflag:s26] =	ssyncadd.s32 $0xFFFFC000;
	(pc) =	sbr.rel @p1 .LBB2_2-.Ltmp0, $4  }
0x55: {  	[spmem:s1] =	stream.indirect.scatter.add.f32 [tilespmem:s20], [sflag:$0x3], $0x80, s3, s19, $0xb8;
	[tilespmem:$0x1E800] =	vst v63  }
0x56: {  	_ =	swait.ge [sflag:s18], $0x4000  }
0x57: {  	[sflag:s18] =	ssyncset.done $0x0  }
0x58: {  	s0 =	sadd.s32 $0x180, s0;
	[sflag:s18] =	ssyncadd.s32 $0xFFFFC000  }
0x59: {  	[tilespmem:s20], [sflag:$0x2] =	stream.indirect.gather [hbm4b:s4+s19], $0x80, s0, s19, $0xb8;
	[tilespmem:$0x1E800] =	vst v63  }
0x5a: {  	_ =	swait.ge [sflag:s23], $0x4000  }
0x5b: {  	[sflag:s23] =	ssyncset.done $0x0  }
0x5c: {  	[sflag:s23] =	ssyncadd.s32 $0xFFFFC000  }
0x5d: {  	[spmem:s1] =	stream.indirect.scatter.add.f32 [tilespmem:s22], [sflag:$0x3], $0x80, s28, s19, $0xb8;
	[tilespmem:$0x1E800] =	vst v63  }
0x5e: {  	_ =	swait.ge [sflag:s18], $0x4000  }
0x5f: {  	[sflag:s18] =	ssyncset.done $0x0  }
0x60: {  	[sflag:s18] =	ssyncadd.s32 $0xFFFFC000  }
0x61: {  	_ =	swait.ge [sflag:s26], $0x4000  }
0x62: {  	[sflag:s26] =	ssyncset.done $0x0  }
0x63: {  	[sflag:s26] =	ssyncadd.s32 $0xFFFFC000  }
0x64: {  	[spmem:s1] =	stream.indirect.scatter.add.f32 [tilespmem:s20], [sflag:$0x3], $0x80, s29, s19, $0xb8;
	[tilespmem:$0x1E800] =	vst v63  }
0x65: {  	_ =	swait.ge [sflag:s18], $0x4000  }
0x66: {  	[sflag:s18] =	ssyncset.done $0x0  }
0x67: {  	s3 =	simm.s32 $0x0;
	[sflag:s18] =	ssyncadd.s32 $0xFFFFC000  }
0x68: {  	[tilespmem:s3], [sflag:$0x3] =	stream.linear.gather [hbm4b:s13+s3], $0x1400, $0x38;
	[tilespmem:$0x1E800] =	vst v63  }
0x69: {  	_ =	swait.ge [sflag:s18], $0x1400  }
0x6a: {  	[sflag:s18] =	ssyncset.done $0x0  }
0x6b: {  	[sflag:s18] =	ssyncadd.s32 $0xFFFFEC00  }
0x6c: {  	[tilespmem:s21], [sflag:$0x3] =	stream.linear.gather [hbm4b:s14+s3], $0x1400, $0x38;
	[tilespmem:$0x1E800] =	vst v63  }
0x6d: {  	_ =	swait.ge [sflag:s18], $0x1400  }
0x6e: {  	[sflag:s18] =	ssyncset.done $0x0  }
0x6f: {  	[sflag:s18] =	ssyncadd.s32 $0xFFFFEC00  }
0x70: {  	[tilespmem:s22], [sflag:$0x1] =	stream.indirect.gather [hbm4b:s4+s19], $0x80, s3, s19, $0xb8;
	[tilespmem:$0x1E800] =	vst v63  }
0x71: {  	_ = 	snop  }
0x72: {  	[tilespmem:s20], [sflag:$0x2] =	stream.indirect.gather [hbm4b:s4+s19], $0x80, s19, s19, $0xb8;
	[tilespmem:$0x1E800] =	vst v63  }
0x73: {  	_ =	swait.ge [sflag:s23], $0x4000  }
0x74: {  	[sflag:s23] =	ssyncset.done $0x0  }
0x75: {  	s3 =	simm.s32 $0x1400;
	[sflag:s23] =	ssyncadd.s32 $0xFFFFC000  }
0x76: {  	[spmem:s1] =	stream.indirect.scatter.add.f32 [tilespmem:s22], [sflag:$0x3], $0x80, s3, s19, $0xb8;
	[tilespmem:$0x1E800] =	vst v63  }
0x77: {  	_ =	swait.ge [sflag:s18], $0x4000  }
0x78: {  	[sflag:s18] =	ssyncset.done $0x0  }
0x79: {  	s3 =	simm.s32 $0x100;
	[sflag:s18] =	ssyncadd.s32 $0xFFFFC000  }
0x7a: {  	[tilespmem:s22], [sflag:$0x1] =	stream.indirect.gather [hbm4b:s4+s19], $0x80, s3, s19, $0xb8;
	[tilespmem:$0x1E800] =	vst v63  }
0x7b: {  	_ =	swait.ge [sflag:s26], $0x4000  }
0x7c: {  	[sflag:s26] =	ssyncset.done $0x0  }
0x7d: {  	s3 =	simm.s32 $0x1480;
	[sflag:s26] =	ssyncadd.s32 $0xFFFFC000  }
0x7e: {  	[spmem:s1] =	stream.indirect.scatter.add.f32 [tilespmem:s20], [sflag:$0x3], $0x80, s3, s19, $0xb8;
	[tilespmem:$0x1E800] =	vst v63  }
0x7f: {  	_ =	swait.ge [sflag:s18], $0x4000  }
0x80: {  	[sflag:s18] =	ssyncset.done $0x0  }
0x81: {  	s31 =	simm.s32 $0x400;
	s0 =	simm.s32 $0x180;
	[sflag:s18] =	ssyncadd.s32 $0xFFFFC000  }
.LBB2_4:
0x82: {  	[tilespmem:s20], [sflag:$0x2] =	stream.indirect.gather [hbm4b:s4+s19], $0x80, s0, s19, $0xb8;
	[tilespmem:$0x1E800] =	vst v63  }
0x83: {  	s0 =	smov.u32 s31  }
0x84: {  	p1 =	sne.s32 s31, $0x4800;
	s31 =	sadd.s32 $0x400, s31;
	_ =	swait.ge [sflag:s23], $0x4000  }
0x85: {  	s0 =	sshra.s32 s0, $0x2;
	[sflag:s23] =	ssyncset.done $0x0  }
0x86: {  	s3 =	sadd.s32 $0x1400, s0;
	[sflag:s23] =	ssyncadd.s32 $0xFFFFC000  }
0x87: {  	[spmem:s1] =	stream.indirect.scatter.add.f32 [tilespmem:s22], [sflag:$0x3], $0x80, s3, s19, $0xb8;
	[tilespmem:$0x1E800] =	vst v63  }
0x88: {  	_ =	swait.ge [sflag:s18], $0x4000  }
0x89: {  	[sflag:s18] =	ssyncset.done $0x0  }
0x8a: {  	s3 =	sadd.s32 $0x100, s0;
	[sflag:s18] =	ssyncadd.s32 $0xFFFFC000  }
0x8b: {  	[tilespmem:s22], [sflag:$0x1] =	stream.indirect.gather [hbm4b:s4+s19], $0x80, s3, s19, $0xb8;
	[tilespmem:$0x1E800] =	vst v63  }
0x8c: {  	_ =	swait.ge [sflag:s26], $0x4000  }
0x8d: {  	[sflag:s26] =	ssyncset.done $0x0  }
.Ltmp1:
0x8e: {  	s3 =	sadd.s32 $0x1480, s0;
	[sflag:s26] =	ssyncadd.s32 $0xFFFFC000;
	(pc) =	sbr.rel @p1 .LBB2_4-.Ltmp1, $4  }
0x8f: {  	[spmem:s1] =	stream.indirect.scatter.add.f32 [tilespmem:s20], [sflag:$0x3], $0x80, s3, s19, $0xb8;
	[tilespmem:$0x1E800] =	vst v63  }
0x90: {  	_ =	swait.ge [sflag:s18], $0x4000  }
0x91: {  	[sflag:s18] =	ssyncset.done $0x0  }
0x92: {  	s0 =	sadd.s32 $0x180, s0;
	[sflag:s18] =	ssyncadd.s32 $0xFFFFC000  }
0x93: {  	[tilespmem:s20], [sflag:$0x2] =	stream.indirect.gather [hbm4b:s4+s19], $0x80, s0, s19, $0xb8;
	[tilespmem:$0x1E800] =	vst v63  }
0x94: {  	_ =	swait.ge [sflag:s23], $0x4000  }
0x95: {  	[sflag:s23] =	ssyncset.done $0x0  }
0x96: {  	[sflag:s23] =	ssyncadd.s32 $0xFFFFC000  }
0x97: {  	[spmem:s1] =	stream.indirect.scatter.add.f32 [tilespmem:s22], [sflag:$0x3], $0x80, s28, s19, $0xb8;
	[tilespmem:$0x1E800] =	vst v63  }
0x98: {  	_ =	swait.ge [sflag:s18], $0x4000  }
0x99: {  	[sflag:s18] =	ssyncset.done $0x0  }
0x9a: {  	[sflag:s18] =	ssyncadd.s32 $0xFFFFC000  }
0x9b: {  	_ =	swait.ge [sflag:s26], $0x4000  }
0x9c: {  	[sflag:s26] =	ssyncset.done $0x0  }
0x9d: {  	[sflag:s26] =	ssyncadd.s32 $0xFFFFC000  }
0x9e: {  	[spmem:s1] =	stream.indirect.scatter.add.f32 [tilespmem:s20], [sflag:$0x3], $0x80, s29, s19, $0xb8;
	[tilespmem:$0x1E800] =	vst v63  }
0x9f: {  	_ =	swait.ge [sflag:s18], $0x4000  }
0xa0: {  	s31 =	stileid.u32;
	[sflag:s18] =	ssyncset.done $0x0  }
0xa1: {  	s0 =	sshll.u32 s31, $0x6;
	[sflag:s18] =	ssyncadd.s32 $0xFFFFC000  }
0xa2: {  	s0 =	sor.u32 $0x1C03, s0;
	[bflag:$0x0] =	sbarrier.arrive $0xFFFF  }
0xa3: {  	[hbm:s15], [sflag:s0] =	dma.local [spmem:s24], $0x2700  }
0xa4: {  	_ =	swait.ge [sflag:s18], $0x2700  }
0xa5: {  	s30 =	sadd.s32 $0x1, s30;
	[sflag:s18] =	ssyncset.done $0x0  }
0xa6: {  	p1 =	sne.s32 s30, s17;
	[sflag:s18] =	ssyncadd.s32 $0xFFFFD900  }
0xa7: {  	[hbm:s16], [sflag:s0] =	dma.local @!p0 [spmem:s25], $0x100  }
.Ltmp2:
0xa8: {  	_ = 	snop;
	(pc) =	sbr.rel @p1 .LBB2_1-.Ltmp2, $4  }
0xa9: {  	s0 =	simm.s32 @!p0 $0x3  }
0xaa: {  	_ =	swait.ge @!p0 [sflag:s0], $0x100  }
0xab: {  	[sflag:s0] =	ssyncset.done @!p0 $0x0  }
0xac: {  	[sflag:s0] =	ssyncadd.s32 @!p0 $0xFFFFFF00  }
0xad: {  	_ =	sfence.sel $0x180000  }
0xae: {  	[bflag:$0x0] =	sbarrier.arrive $0xFFFF  }
0xaf: {  	_ =	strace $0x9000004A  }
0xb0: {  	[bflag:$0x2] =	sbarrier.arrive $0xFFFF  }
0xb1: {  	s0 =	rddreg [dreg:$0x2]  }
0xb2: {  	s0 =	sadd.s32 @!p0 $0x100000, s0  }
0xb3: {  	[sflag:s0] =	ssyncadd.tile.s32 @!p0 $0x1;
	_ =	shalt  }
.Lfunc_end2:
_tile_overlayer_lowered:
.L_overlay_start_2:
0xb4: {  	(tag) =	ssettag $0x2  }
0xb5: {  	s0 =	rddreg [dreg:$0x0];
	s2 =	stileid.u32  }
0xb6: {  	s1 =	rddreg [dreg:$0x1];
	p0 =	sne.s32 s2, $0x0  }
0xb7: {  	s3 =	rddreg [dreg:$0x2];
	[bflag:$0x3] =	sbarrier.arrive $0xFFFF;
	s2 =	simm.s32 @!p0 $0x1C03  }
0xb8: {  	[timem:s3], [sflag:s2] =	dma.local @!p0 [hbm:s0], s1  }
0xb9: {  	s0 =	simm.s32 @!p0 $0x3  }
0xba: {  	_ =	swait.ge @!p0 [sflag:s0], s1  }
0xbb: {  	s1 =	ssub.s32 @!p0 $0x0, s1;
	[sflag:s0] =	ssyncset.done @!p0 $0x0  }
0xbc: {  	[sflag:s0] =	ssyncadd.s32 @!p0 s1  }
0xbd: {  	[bflag:$0x3] =	sbarrier.arrive $0xFFFF  }
0xbe: {  	_ =	shalt  }

// kernel: kernel.14.cloned.1.call-start
scs
__scs_entry_jumppad:
0x0: {  	(pc) =	sbr.rel $0x88, $3  }
0x1: {  	(tag) =	ssettag $0x0;
	lr =	simm.s32 $0x1  }
0x2: {  	[smem:$0x3F98] =	sst lr;
	_ =	strace $0xD0000000  }
0x3: {  	_ = 	snop  }
0x4: {  	_ = 	snop  }
0x5: {  	_ = 	snop  }
0x6: {  	_ = 	snop  }
0x7: {  	_ = 	snop  }
__scs_overlays_trampoline_lowered:
0x8: {  	[smem:$0x3FA7] =	sst s0  }
0x9: {  	[smem:$0x3FA8] =	sst s1  }
0xa: {  	[smem:$0x3FA9] =	sst s2  }
0xb: {  	[smem:$0x3FAA] =	sst s3  }
0xc: {  	[smem:$0x3FAB] =	sst s4  }
0xd: {  	[smem:$0x3FAC] =	sst s5  }
0xe: {  	[smem:$0x3FAD] =	sst s6  }
0xf: {  	[smem:$0x3FAE] =	sst s7  }
0x10: {  	[smem:$0x3FAF] =	sst s8  }
0x11: {  	[smem:$0x3FB0] =	sst s9;
	s0 =	simm.s32 @!p0 $0x0  }
0x12: {  	s1 =	sld [smem:$0x3F96];
	s0 =	simm.s32 @p0 $0x1  }
0x13: {  	[smem:$0x3FB1] =	sst s0;
	s0 =	simm.s32 @!p1 $0x0  }
0x14: {  	s2 =	sld [smem:$0x3F95];
	s0 =	simm.s32 @p1 $0x1  }
0x15: {  	[smem:$0x3FB2] =	sst s0;
	s0 =	simm.s32 @!p2 $0x0  }
0x16: {  	s3 =	sld [smem:$0x3FDB];
	s0 =	simm.s32 @p2 $0x1  }
0x17: {  	s4 =	simm.s32 $0x1BF5;
	[smem:$0x3FB4] =	sst s0  }
0x18: {  	s0 =	sld [smem:$0x3F97];
	_ =	swait.ge [sflag:s4], $0x0  }
0x19: {  	s7 =	sld [smem:$0x3F98]  }
0x1a: {  	s8 =	sadd.s32 $0xFFFFE003, lr  }
0x1b: {  	s9 =	sadd.s32 $0xFFFFFEF7, lr;
	s5 =	simm.s32 $0xFFFFFFFF;
	p2 =	slt.u32 s8, $0xFFFFF086  }
0x1c: {  	p1 =	slt.u32 s9, $0xF7A;
	s5 =	simm.s32 @!p2 $0x0  }
0x1d: {  	s5 =	simm.s32 @p1 $0x1;
	p0 =	seq.s32 s7, s2  }
0x1e: {  	s7 =	smul.u32 @!p0 $0xF7A, s2;
	p2 =	seq.s32 @!p0 s5, $0x0  }
0x1f: {  	s9 =	smul.u32 $0xF7A, s1;
	s8 =	simm.s32 @!p0 $0x1BF5;
	p2 =	por !p2, p0  }
0x20: {  	[sflag:s8] =	ssyncset.s32 @!p0 $0xFFFFF086;
	s6 =	sadd.s32 @!p0 s3, s7;
	s7 =	simm.s32 @!p0 $0x108  }
0x21: {  	s3 =	sadd.s32 s3, s9;
	s6 =	sadd.s32 @!p0 $0x88, s6;
	s7 =	simm.s32 @p2 $0x1082  }
0x22: {  	[simem:s7], [sflag:s8] =	dma.local @!p0 [hbm:s6], $0xF7A  }
0x23: {  	s9 =	sor.u32 $0xD0000000, s2;
	s6 =	simm.s32 $0x108;
	_ =	swait.ge @!p0 [sflag:s8], $0x0  }
0x24: {  	s3 =	sadd.s32 $0x88, s3;
	s6 =	simm.s32 @!p1 $0x1082;
	[sflag:s4] =	ssyncset.s32 $0xFFFFF086  }
0x25: {  	[simem:s6], [sflag:s4] =	dma.local [hbm:s3], $0xF7A  }
0x26: {  	[smem:$0x3F98] =	sst s1;
	(tag) =	ssettag s2;
	_ =	strace s9  }
0x27: {  	s1 =	sld [smem:$0x3FA8]  }
0x28: {  	s2 =	sld [smem:$0x3FA9]  }
0x29: {  	s4 =	sld [smem:$0x3FAB]  }
0x2a: {  	p0 =	seq.s32 s5, $0x0;
	s5 =	sld [smem:$0x3FAC]  }
0x2b: {  	s6 =	sld [smem:$0x3FAD]  }
0x2c: {  	s7 =	sld [smem:$0x3FAE]  }
0x2d: {  	s3 =	simm.s32 $0x108;
	s8 =	sld [smem:$0x3FAF]  }
0x2e: {  	s3 =	simm.s32 @!p0 $0x1082;
	s9 =	sld [smem:$0x3FB0]  }
0x2f: {  	lr =	sadd.s32 s0, s3;
	s0 =	sld [smem:$0x3FA7]  }
0x30: {  	s3 =	sld [smem:$0x3FAA]  }
0x31: {  	[smem:$0x3FB3] =	sst s10  }
0x32: {  	s10 =	sld [smem:$0x3FB1];
	_ =	sdelay $0x3  }
0x33: {  	p0 =	seq.s32 s10, $0x1;
	s10 =	sld [smem:$0x3FB3];
	_ =	sdelay $0x3  }
0x34: {  	[smem:$0x3FB3] =	sst s10  }
0x35: {  	s10 =	sld [smem:$0x3FB2];
	_ =	sdelay $0x3  }
0x36: {  	p1 =	seq.s32 s10, $0x1;
	s10 =	sld [smem:$0x3FB3];
	_ =	sdelay $0x3  }
0x37: {  	[smem:$0x3FB3] =	sst s10  }
0x38: {  	s10 =	sld [smem:$0x3FB4]  }
0x39: {  	_ = 	snop;
	(pc) =	sbr.ind lr, $3  }
0x3a: {  	_ = 	snop  }
0x3b: {  	_ = 	snop  }
0x3c: {  	p2 =	seq.s32 s10, $0x1;
	s10 =	sld [smem:$0x3FB3]  }
0x3d: {  	_ =	shalt  }
0x3e: {  	_ =	shalt  }
0x3f: {  	_ =	shalt  }
0x40: {  	_ =	shalt  }
0x41: {  	_ =	shalt  }
0x42: {  	_ =	shalt  }
0x43: {  	_ =	shalt  }
0x44: {  	_ =	shalt  }
0x45: {  	_ =	shalt  }
0x46: {  	_ =	shalt  }
0x47: {  	_ =	shalt  }
0x48: {  	_ =	shalt  }
0x49: {  	_ =	shalt  }
0x4a: {  	_ =	shalt  }
0x4b: {  	_ =	shalt  }
0x4c: {  	_ =	shalt  }
0x4d: {  	_ =	shalt  }
0x4e: {  	_ =	shalt  }
0x4f: {  	_ =	shalt  }
0x50: {  	_ =	shalt  }
0x51: {  	_ =	shalt  }
0x52: {  	_ =	shalt  }
0x53: {  	_ =	shalt  }
0x54: {  	_ =	shalt  }
0x55: {  	_ =	shalt  }
0x56: {  	_ =	shalt  }
0x57: {  	_ =	shalt  }
0x58: {  	_ =	shalt  }
0x59: {  	_ =	shalt  }
0x5a: {  	_ =	shalt  }
0x5b: {  	_ =	shalt  }
0x5c: {  	_ =	shalt  }
0x5d: {  	_ =	shalt  }
0x5e: {  	_ =	shalt  }
0x5f: {  	_ =	shalt  }
0x60: {  	_ =	shalt  }
0x61: {  	_ =	shalt  }
0x62: {  	_ =	shalt  }
0x63: {  	_ =	shalt  }
0x64: {  	_ =	shalt  }
0x65: {  	_ =	shalt  }
0x66: {  	_ =	shalt  }
0x67: {  	_ =	shalt  }
0x68: {  	_ =	shalt  }
0x69: {  	_ =	shalt  }
0x6a: {  	_ =	shalt  }
0x6b: {  	_ =	shalt  }
0x6c: {  	_ =	shalt  }
0x6d: {  	_ =	shalt  }
0x6e: {  	_ =	shalt  }
0x6f: {  	_ =	shalt  }
0x70: {  	_ =	shalt  }
0x71: {  	_ =	shalt  }
0x72: {  	_ =	shalt  }
0x73: {  	_ =	shalt  }
0x74: {  	_ =	shalt  }
0x75: {  	_ =	shalt  }
0x76: {  	_ =	shalt  }
0x77: {  	_ =	shalt  }
0x78: {  	_ =	shalt  }
0x79: {  	_ =	shalt  }
0x7a: {  	_ =	shalt  }
0x7b: {  	_ =	shalt  }
0x7c: {  	_ =	shalt  }
0x7d: {  	_ =	shalt  }
0x7e: {  	_ =	shalt  }
0x7f: {  	_ =	shalt  }
0x80: {  	_ =	shalt  }
0x81: {  	_ =	shalt  }
0x82: {  	_ =	shalt  }
0x83: {  	_ =	shalt  }
0x84: {  	_ =	shalt  }
0x85: {  	_ =	shalt  }
0x86: {  	_ =	shalt  }
0x87: {  	_ =	shalt  }
.Lfunc_end0:
.L_simem_size_0:
called_computation.2_lowered:
.L_overlay_start_0:
0x88: {  	s2 =	sld [smem:$0x3FD9]  }
0x89: {  	s3 =	sld [smem:$0x3FFE];
	_ =	sdelay $0x1  }
0x8a: {  	s1 =	srdreg.scid  }
0x8b: {  	s0 =	sand.u32 $0x1, s1  }
0x8c: {  	s16 =	sshll.u32 s0, $0xA;
	s2 =	sadd.s32 s3, s2  }
0x8d: {  	s2 =	sadd.s32 s2, s16  }
0x8e: {  	[smem:$0x3FBF] =	sst s2  }
0x8f: {  	_ = 	snop  }
0x90: {  	(tm) =	ssettm $0x1  }
0x91: {  	s17 =	sld [smem:$0x3FFB];
	_ =	sdelay $0x3  }
0x92: {  	_ =	strace s17  }
0x93: {  	s2 =	sld [smem:$0x3FFC];
	_ =	sdelay $0x3  }
0x94: {  	_ =	strace s2  }
0x95: {  	s2 =	sld [smem:$0x3FFD];
	_ =	sdelay $0x3  }
0x96: {  	_ =	strace s2  }
0x97: {  	_ =	strace $0x8FFFFFFF  }
0x98: {  	s18 =	sld [smem:$0x3FDB];
	_ =	sdelay $0x1  }
0x99: {  	s19 =	simm.s32 $_scs_section_size  }
0x9a: {  	s4 =	simm.s32 $_size__tile_overlayer_lowered;
	s5 =	simm.s32 $_tile_overlayer_lowered  }
0x9b: {  	s22 =	simm.s32 $0x1BFF;
	s21 =	sshll.u32 s5, $0x1;
	s2 =	sadd.s32 s19, s18  }
0x9c: {  	s6 =	simm.s32 $0x0;
	s20 =	sshll.u32 s4, $0x1;
	s4 =	sadd.s32 s21, s2  }
0x9d: {  	[timem:s6], [sflag:s22] =	dma.local [hbm:s4], s20  }
0x9e: {  	_ =	swait.ge [sflag:s22], s20  }
0x9f: {  	s3 =	ssub.s32 $0x0, s20;
	[sflag:s22] =	ssyncset.done $0x0  }
0xa0: {  	[sflag:s22] =	ssyncadd.s32 s3;
	_ =	sdelay $0x1  }
0xa1: {  	s23 =	simm.s32 $0x1B8B  }
0xa2: {  	_ =	swait.ge [sflag:s23], $0x1  }
0xa3: {  	[sflag:s23] =	ssyncset.done $0x0  }
0xa4: {  	s25 =	simm.s32 $0x1B8E;
	s24 =	sld [smem:$0x3FFE];
	[sflag:s23] =	ssyncadd.s32 $0xFFFFFFFF  }
0xa5: {  	s26 =	simm.s32 $execute0_lowered;
	[smem:$0x3FD2] =	sst s25  }
0xa6: {  	s4 =	sshll.u32 s26, $0x1;
	_ =	strace $0x8000004C;
	[dreg:$0x1] =	wrdreg $0xFFFFFFFF  }
0xa7: {  	s28 =	simm.s32 $_size_execute0_lowered;
	s2 =	sadd.s32 s2, s4;
	[dreg:$0x0] =	wrdreg $0x0  }
0xa8: {  	s4 =	sshll.u32 s28, $0x1;
	[dreg:$0x2] =	wrdreg s2  }
0xa9: {  	[dreg:$0x3] =	wrdreg s4  }
0xaa: {  	[dreg:$0x4] =	wrdreg $0xC0  }
0xab: {  	_ =	task [dreg:s6], $0x5FFFF  }
0xac: {  	[dreg:$0x1] =	wrdreg $0xFFFFFFFF  }
0xad: {  	[dreg:$0x0] =	wrdreg $0x60  }
0xae: {  	[dreg:$0x2] =	wrdreg s24  }
0xaf: {  	[dreg:$0x3] =	wrdreg $0xA8000  }
0xb0: {  	[dreg:$0x4] =	wrdreg $0x9  }
0xb1: {  	_ =	task.clear_ibuf [dreg:s6], $0x5FFFF;
	_ =	strace $0x9000004C  }
0xb2: {  	s29 =	simm.s32 $0x9;
	_ =	strace $0x8000004E  }
0xb3: {  	_ =	swait.ge [sflag:s29], $0x1  }
0xb4: {  	[sflag:s29] =	ssyncadd.s32 $0xFFFFFFFF  }
0xb5: {  	_ =	strace $0x9000004E  }
0xb6: {  	_ =	sfence  }
0xb7: {  	s30 =	sld [smem:$0x0];
	_ =	sdelay $0x2  }
0xb8: {  	s31 =	sshll.u32 s1, $0xD;
	s1 =	sshrl.u32 s1, $0x2  }
0xb9: {  	s3 =	sand.u32 $0x4000, s31;
	s1 =	sadd.s32 s1, s30  }
0xba: {  	s0 =	sor.u32 s3, s0;
	s1 =	sshll.u32 s1, $0x11  }
0xbb: {  	s0 =	sor.u32 s1, s0  }
0xbc: {  	s0 =	sadd.s32 $0x8F2B, s0  }
0xbd: {  	[sflag:s0] =	ssyncadd.remote.s32 $0x1  }
0xbe: {  	_ =	sfence.sel $0xFFFF  }
0xbf: {  	[dreg:$0x0] =	wrdreg $0xFFFFFFFF;
	(pc) =	sbr.abs _section_cstart, $3  }
0xc0: {  	[dreg:$0x1] =	wrdreg $0xFFFFFFFF  }
0xc1: {  	_ =	task.clear_ibuf [dreg:s6], $0x2FFFF;
	_ =	strace $0x9FFFFFFF  }
0xc2: {  	(tm) =	ssettm $0x7FFFFFFF  }
0xc3: {  	_ =	shalt  }
tec
execute0_lowered:
.L_overlay_start_1:
0x0: {  	(tag) =	ssettag $0x1  }
0x1: {  	s0 =	rddreg [dreg:$0x0]  }
0x2: {  	s1 =	rddreg [dreg:$0x1];
	s2 =	simm.s32 $0x0;
	s4 =	srdreg.scid  }
0x3: {  	s3 =	stileid.u32;
	s20 =	simm.s32 $0x6800;
	s21 =	simm.s32 $0x1400  }
0x4: {  	s22 =	simm.s32 $0x2800;
	s28 =	simm.s32 $0x2700;
	s29 =	simm.s32 $0x2780  }
0x5: {  	s30 =	simm.s32 $0x0;
	[smem:$0x7FF] =	sst s2;
	s11 =	sand.u32 $0x1, s4  }
0x6: {  	s23 =	sshll.u32 s3, $0x1;
	s4 =	sadd.s32 $0x16C00, s0;
	s8 =	smul.u32 $0x50000, s3  }
0x7: {  	s13 =	sadd.s32 $0xCC00, s0;
	s14 =	sadd.s32 $0x2C00, s0;
	s18 =	smul.u32 $0x13800, s3  }
0x8: {  	s19 =	smul.u32 $0x4E000, s3;
	p0 =	sne.s32 s3, $0x0;
	_ =	strace $0x8000004D  }
0x9: {  	s5 =	sor.u32 s11, s23;
	s7 =	ssub.s32 $0x2, s11;
	s15 =	smul.u32 $0x138800, s11  }
0xa: {  	s23 =	simm.s32 $0x1;
	s6 =	smul.u32 $0x2800, s5;
	s5 =	sadd.s32 $0x3DE00, s0  }
0xb: {  	s0 =	sadd.s32 $0x3E600, s0;
	s9 =	sshrl.u32 s7, $0x1;
	s8 =	sshrl.u32 s8, $0x2  }
0xc: {  	s25 =	sshrl.u32 s19, $0x2;
	s19 =	simm.s32 $0x80;
	s17 =	ssub.s32 s7, s9  }
0xd: {  	s8 =	sadd.s32 s8, s1;
	s24 =	sadd.s32 s18, s15;
	s15 =	sshrl.u32 s15, $0x3  }
0xe: {  	s31 =	sadd.s32 s25, s1;
	s25 =	sadd.s32 $0x138000, s1;
	s18 =	simm.s32 $0x3  }
0xf: {  	s12 =	sshrl.u32 s6, $0x3;
	s9 =	sadd.s32 $0x4000, s8;
	s10 =	sadd.s32 $0x8000, s8  }
0x10: {  	s11 =	sadd.s32 $0xC000, s8;
	s26 =	sadd.s32 s0, s15;
	s17 =	smax.u32 s17, $0x1  }
0x11: {  	s25 =	sshrl.u32 @!p0 s25, $0x3;
	s6 =	sadd.s32 s13, s12;
	s16 =	sadd.s32 $0x280, s12  }
0x12: {  	s7 =	sadd.s32 s14, s12;
	s12 =	sadd.s32 $0x10000, s8;
	s13 =	sadd.s32 s13, s16  }
0x13: {  	s14 =	sadd.s32 s14, s16;
	s16 =	sshrl.u32 s24, $0x3;
	s24 =	sshrl.u32 s31, $0x3  }
0x14: {  	s15 =	sadd.s32 s0, s16;
	s16 =	sadd.s32 $0x27000, s26;
	s26 =	simm.s32 $0x2  }
.LBB2_1:
0x15: {  	[tilespmem:s2], [sflag:$0x3] =	stream.linear.gather [hbm4b:s6+s2], $0x1400, $0x38;
	[tilespmem:$0x1E800] =	vst v63  }
0x16: {  	_ =	swait.ge [sflag:s18], $0x1400  }
0x17: {  	[sflag:s18] =	ssyncset.done $0x0  }
0x18: {  	[sflag:s18] =	ssyncadd.s32 $0xFFFFEC00  }
0x19: {  	[tilespmem:s20], [sflag:$0x2] =	stream.indirect.gather [hbm4b:s4+s19], $0x80, s19, s19, $0xb8;
	[tilespmem:$0x1E800] =	vst v63  }
0x1a: {  	_ = 	snop  }
0x1b: {  	[tilespmem:s21], [sflag:$0x3] =	stream.linear.gather [hbm4b:s7+s2], $0x1400, $0x38;
	[tilespmem:$0x1E800] =	vst v63  }
0x1c: {  	_ =	swait.ge [sflag:s18], $0x1400  }
0x1d: {  	[sflag:s18] =	ssyncset.done $0x0  }
0x1e: {  	[sflag:s18] =	ssyncadd.s32 $0xFFFFEC00  }
0x1f: {  	[tilespmem:s22], [sflag:$0x3] =	stream.linear.gather [hbm4b:s5+s2], $0x4000, $0x38;
	[tilespmem:$0x1E800] =	vst v63  }
0x20: {  	_ =	swait.ge [sflag:s18], $0x4000  }
0x21: {  	[sflag:s18] =	ssyncset.done $0x0  }
0x22: {  	[sflag:s18] =	ssyncadd.s32 $0xFFFFC000  }
0x23: {  	[spmem:s8] =	stream.linear.scatter [tilespmem:s22], [sflag:$0x3], $0x4000, $0x38;
	[tilespmem:$0x1E800] =	vst v63  }
0x24: {  	_ =	swait.ge [sflag:s18], $0x4000  }
0x25: {  	[sflag:s18] =	ssyncset.done $0x0  }
0x26: {  	[sflag:s18] =	ssyncadd.s32 $0xFFFFC000  }
0x27: {  	[spmem:s9] =	stream.linear.scatter [tilespmem:s22], [sflag:$0x3], $0x4000, $0x38;
	[tilespmem:$0x1E800] =	vst v63  }
0x28: {  	_ =	swait.ge [sflag:s18], $0x4000  }
0x29: {  	[sflag:s18] =	ssyncset.done $0x0  }
0x2a: {  	[sflag:s18] =	ssyncadd.s32 $0xFFFFC000  }
0x2b: {  	[spmem:s10] =	stream.linear.scatter [tilespmem:s22], [sflag:$0x3], $0x4000, $0x38;
	[tilespmem:$0x1E800] =	vst v63  }
0x2c: {  	_ =	swait.ge [sflag:s18], $0x4000  }
0x2d: {  	[sflag:s18] =	ssyncset.done $0x0  }
0x2e: {  	[sflag:s18] =	ssyncadd.s32 $0xFFFFC000  }
0x2f: {  	[spmem:s11] =	stream.linear.scatter [tilespmem:s22], [sflag:$0x3], $0x4000, $0x38;
	[tilespmem:$0x1E800] =	vst v63  }
0x30: {  	_ =	swait.ge [sflag:s18], $0x4000  }
0x31: {  	[sflag:s18] =	ssyncset.done $0x0  }
0x32: {  	[sflag:s18] =	ssyncadd.s32 $0xFFFFC000  }
0x33: {  	[spmem:s12] =	stream.linear.scatter [tilespmem:s22], [sflag:$0x3], $0x4000, $0x38;
	[tilespmem:$0x1E800] =	vst v63  }
0x34: {  	_ =	swait.ge [sflag:s18], $0x4000  }
0x35: {  	[sflag:s18] =	ssyncset.done $0x0  }
0x36: {  	[sflag:s18] =	ssyncadd.s32 $0xFFFFC000  }
0x37: {  	[tilespmem:s22], [sflag:$0x1] =	stream.indirect.gather [hbm4b:s4+s19], $0x80, s2, s19, $0xb8;
	[tilespmem:$0x1E800] =	vst v63  }
0x38: {  	[bflag:$0x0] =	sbarrier.arrive $0xFFFF  }
0x39: {  	_ =	swait.ge [sflag:s23], $0x4000  }
0x3a: {  	[sflag:s23] =	ssyncset.done $0x0  }
0x3b: {  	s0 =	simm.s32 $0x1400;
	[sflag:s23] =	ssyncadd.s32 $0xFFFFC000  }
0x3c: {  	[spmem:s1] =	stream.indirect.scatter.add.f32 [tilespmem:s22], [sflag:$0x3], $0x80, s0, s19, $0xb8;
	[tilespmem:$0x1E800] =	vst v63  }
0x3d: {  	_ =	swait.ge [sflag:s18], $0x4000  }
0x3e: {  	[sflag:s18] =	ssyncset.done $0x0  }
0x3f: {  	s3 =	simm.s32 $0x100;
	[sflag:s18] =	ssyncadd.s32 $0xFFFFC000  }
0x40: {  	[tilespmem:s22], [sflag:$0x1] =	stream.indirect.gather [hbm4b:s4+s19], $0x80, s3, s19, $0xb8;
	[tilespmem:$0x1E800] =	vst v63  }
0x41: {  	_ =	swait.ge [sflag:s26], $0x4000  }
0x42: {  	[sflag:s26] =	ssyncset.done $0x0  }
0x43: {  	s3 =	simm.s32 $0x1480;
	[sflag:s26] =	ssyncadd.s32 $0xFFFFC000  }
0x44: {  	[spmem:s1] =	stream.indirect.scatter.add.f32 [tilespmem:s20], [sflag:$0x3], $0x80, s3, s19, $0xb8;
	[tilespmem:$0x1E800] =	vst v63  }
0x45: {  	_ =	swait.ge [sflag:s18], $0x4000  }
0x46: {  	[sflag:s18] =	ssyncset.done $0x0  }
0x47: {  	s31 =	simm.s32 $0x400;
	s0 =	simm.s32 $0x180;
	[sflag:s18] =	ssyncadd.s32 $0xFFFFC000  }
.LBB2_2:
0x48: {  	[tilespmem:s20], [sflag:$0x2] =	stream.indirect.gather [hbm4b:s4+s19], $0x80, s0, s19, $0xb8;
	[tilespmem:$0x1E800] =	vst v63  }
0x49: {  	s0 =	smov.u32 s31  }
0x4a: {  	p1 =	sne.s32 s31, $0x4800;
	s31 =	sadd.s32 $0x400, s31;
	_ =	swait.ge [sflag:s23], $0x4000  }
0x4b: {  	s0 =	sshra.s32 s0, $0x2;
	[sflag:s23] =	ssyncset.done $0x0  }
0x4c: {  	s3 =	sadd.s32 $0x1400, s0;
	[sflag:s23] =	ssyncadd.s32 $0xFFFFC000  }
0x4d: {  	[spmem:s1] =	stream.indirect.scatter.add.f32 [tilespmem:s22], [sflag:$0x3], $0x80, s3, s19, $0xb8;
	[tilespmem:$0x1E800] =	vst v63  }
0x4e: {  	_ =	swait.ge [sflag:s18], $0x4000  }
0x4f: {  	[sflag:s18] =	ssyncset.done $0x0  }
0x50: {  	s3 =	sadd.s32 $0x100, s0;
	[sflag:s18] =	ssyncadd.s32 $0xFFFFC000  }
0x51: {  	[tilespmem:s22], [sflag:$0x1] =	stream.indirect.gather [hbm4b:s4+s19], $0x80, s3, s19, $0xb8;
	[tilespmem:$0x1E800] =	vst v63  }
0x52: {  	_ =	swait.ge [sflag:s26], $0x4000  }
0x53: {  	[sflag:s26] =	ssyncset.done $0x0  }
.Ltmp0:
0x54: {  	s3 =	sadd.s32 $0x1480, s0;
	[sflag:s26] =	ssyncadd.s32 $0xFFFFC000;
	(pc) =	sbr.rel @p1 .LBB2_2-.Ltmp0, $4  }
0x55: {  	[spmem:s1] =	stream.indirect.scatter.add.f32 [tilespmem:s20], [sflag:$0x3], $0x80, s3, s19, $0xb8;
	[tilespmem:$0x1E800] =	vst v63  }
0x56: {  	_ =	swait.ge [sflag:s18], $0x4000  }
0x57: {  	[sflag:s18] =	ssyncset.done $0x0  }
0x58: {  	s0 =	sadd.s32 $0x180, s0;
	[sflag:s18] =	ssyncadd.s32 $0xFFFFC000  }
0x59: {  	[tilespmem:s20], [sflag:$0x2] =	stream.indirect.gather [hbm4b:s4+s19], $0x80, s0, s19, $0xb8;
	[tilespmem:$0x1E800] =	vst v63  }
0x5a: {  	_ =	swait.ge [sflag:s23], $0x4000  }
0x5b: {  	[sflag:s23] =	ssyncset.done $0x0  }
0x5c: {  	[sflag:s23] =	ssyncadd.s32 $0xFFFFC000  }
0x5d: {  	[spmem:s1] =	stream.indirect.scatter.add.f32 [tilespmem:s22], [sflag:$0x3], $0x80, s28, s19, $0xb8;
	[tilespmem:$0x1E800] =	vst v63  }
0x5e: {  	_ =	swait.ge [sflag:s18], $0x4000  }
0x5f: {  	[sflag:s18] =	ssyncset.done $0x0  }
0x60: {  	[sflag:s18] =	ssyncadd.s32 $0xFFFFC000  }
0x61: {  	_ =	swait.ge [sflag:s26], $0x4000  }
0x62: {  	[sflag:s26] =	ssyncset.done $0x0  }
0x63: {  	[sflag:s26] =	ssyncadd.s32 $0xFFFFC000  }
0x64: {  	[spmem:s1] =	stream.indirect.scatter.add.f32 [tilespmem:s20], [sflag:$0x3], $0x80, s29, s19, $0xb8;
	[tilespmem:$0x1E800] =	vst v63  }
0x65: {  	_ =	swait.ge [sflag:s18], $0x4000  }
0x66: {  	[sflag:s18] =	ssyncset.done $0x0  }
0x67: {  	s3 =	simm.s32 $0x0;
	[sflag:s18] =	ssyncadd.s32 $0xFFFFC000  }
0x68: {  	[tilespmem:s3], [sflag:$0x3] =	stream.linear.gather [hbm4b:s13+s3], $0x1400, $0x38;
	[tilespmem:$0x1E800] =	vst v63  }
0x69: {  	_ =	swait.ge [sflag:s18], $0x1400  }
0x6a: {  	[sflag:s18] =	ssyncset.done $0x0  }
0x6b: {  	[sflag:s18] =	ssyncadd.s32 $0xFFFFEC00  }
0x6c: {  	[tilespmem:s21], [sflag:$0x3] =	stream.linear.gather [hbm4b:s14+s3], $0x1400, $0x38;
	[tilespmem:$0x1E800] =	vst v63  }
0x6d: {  	_ =	swait.ge [sflag:s18], $0x1400  }
0x6e: {  	[sflag:s18] =	ssyncset.done $0x0  }
0x6f: {  	[sflag:s18] =	ssyncadd.s32 $0xFFFFEC00  }
0x70: {  	[tilespmem:s22], [sflag:$0x1] =	stream.indirect.gather [hbm4b:s4+s19], $0x80, s3, s19, $0xb8;
	[tilespmem:$0x1E800] =	vst v63  }
0x71: {  	_ = 	snop  }
0x72: {  	[tilespmem:s20], [sflag:$0x2] =	stream.indirect.gather [hbm4b:s4+s19], $0x80, s19, s19, $0xb8;
	[tilespmem:$0x1E800] =	vst v63  }
0x73: {  	_ =	swait.ge [sflag:s23], $0x4000  }
0x74: {  	[sflag:s23] =	ssyncset.done $0x0  }
0x75: {  	s3 =	simm.s32 $0x1400;
	[sflag:s23] =	ssyncadd.s32 $0xFFFFC000  }
0x76: {  	[spmem:s1] =	stream.indirect.scatter.add.f32 [tilespmem:s22], [sflag:$0x3], $0x80, s3, s19, $0xb8;
	[tilespmem:$0x1E800] =	vst v63  }
0x77: {  	_ =	swait.ge [sflag:s18], $0x4000  }
0x78: {  	[sflag:s18] =	ssyncset.done $0x0  }
0x79: {  	s3 =	simm.s32 $0x100;
	[sflag:s18] =	ssyncadd.s32 $0xFFFFC000  }
0x7a: {  	[tilespmem:s22], [sflag:$0x1] =	stream.indirect.gather [hbm4b:s4+s19], $0x80, s3, s19, $0xb8;
	[tilespmem:$0x1E800] =	vst v63  }
0x7b: {  	_ =	swait.ge [sflag:s26], $0x4000  }
0x7c: {  	[sflag:s26] =	ssyncset.done $0x0  }
0x7d: {  	s3 =	simm.s32 $0x1480;
	[sflag:s26] =	ssyncadd.s32 $0xFFFFC000  }
0x7e: {  	[spmem:s1] =	stream.indirect.scatter.add.f32 [tilespmem:s20], [sflag:$0x3], $0x80, s3, s19, $0xb8;
	[tilespmem:$0x1E800] =	vst v63  }
0x7f: {  	_ =	swait.ge [sflag:s18], $0x4000  }
0x80: {  	[sflag:s18] =	ssyncset.done $0x0  }
0x81: {  	s31 =	simm.s32 $0x400;
	s0 =	simm.s32 $0x180;
	[sflag:s18] =	ssyncadd.s32 $0xFFFFC000  }
.LBB2_4:
0x82: {  	[tilespmem:s20], [sflag:$0x2] =	stream.indirect.gather [hbm4b:s4+s19], $0x80, s0, s19, $0xb8;
	[tilespmem:$0x1E800] =	vst v63  }
0x83: {  	s0 =	smov.u32 s31  }
0x84: {  	p1 =	sne.s32 s31, $0x4800;
	s31 =	sadd.s32 $0x400, s31;
	_ =	swait.ge [sflag:s23], $0x4000  }
0x85: {  	s0 =	sshra.s32 s0, $0x2;
	[sflag:s23] =	ssyncset.done $0x0  }
0x86: {  	s3 =	sadd.s32 $0x1400, s0;
	[sflag:s23] =	ssyncadd.s32 $0xFFFFC000  }
0x87: {  	[spmem:s1] =	stream.indirect.scatter.add.f32 [tilespmem:s22], [sflag:$0x3], $0x80, s3, s19, $0xb8;
	[tilespmem:$0x1E800] =	vst v63  }
0x88: {  	_ =	swait.ge [sflag:s18], $0x4000  }
0x89: {  	[sflag:s18] =	ssyncset.done $0x0  }
0x8a: {  	s3 =	sadd.s32 $0x100, s0;
	[sflag:s18] =	ssyncadd.s32 $0xFFFFC000  }
0x8b: {  	[tilespmem:s22], [sflag:$0x1] =	stream.indirect.gather [hbm4b:s4+s19], $0x80, s3, s19, $0xb8;
	[tilespmem:$0x1E800] =	vst v63  }
0x8c: {  	_ =	swait.ge [sflag:s26], $0x4000  }
0x8d: {  	[sflag:s26] =	ssyncset.done $0x0  }
.Ltmp1:
0x8e: {  	s3 =	sadd.s32 $0x1480, s0;
	[sflag:s26] =	ssyncadd.s32 $0xFFFFC000;
	(pc) =	sbr.rel @p1 .LBB2_4-.Ltmp1, $4  }
0x8f: {  	[spmem:s1] =	stream.indirect.scatter.add.f32 [tilespmem:s20], [sflag:$0x3], $0x80, s3, s19, $0xb8;
	[tilespmem:$0x1E800] =	vst v63  }
0x90: {  	_ =	swait.ge [sflag:s18], $0x4000  }
0x91: {  	[sflag:s18] =	ssyncset.done $0x0  }
0x92: {  	s0 =	sadd.s32 $0x180, s0;
	[sflag:s18] =	ssyncadd.s32 $0xFFFFC000  }
0x93: {  	[tilespmem:s20], [sflag:$0x2] =	stream.indirect.gather [hbm4b:s4+s19], $0x80, s0, s19, $0xb8;
	[tilespmem:$0x1E800] =	vst v63  }
0x94: {  	_ =	swait.ge [sflag:s23], $0x4000  }
0x95: {  	[sflag:s23] =	ssyncset.done $0x0  }
0x96: {  	[sflag:s23] =	ssyncadd.s32 $0xFFFFC000  }
0x97: {  	[spmem:s1] =	stream.indirect.scatter.add.f32 [tilespmem:s22], [sflag:$0x3], $0x80, s28, s19, $0xb8;
	[tilespmem:$0x1E800] =	vst v63  }
0x98: {  	_ =	swait.ge [sflag:s18], $0x4000  }
0x99: {  	[sflag:s18] =	ssyncset.done $0x0  }
0x9a: {  	[sflag:s18] =	ssyncadd.s32 $0xFFFFC000  }
0x9b: {  	_ =	swait.ge [sflag:s26], $0x4000  }
0x9c: {  	[sflag:s26] =	ssyncset.done $0x0  }
0x9d: {  	[sflag:s26] =	ssyncadd.s32 $0xFFFFC000  }
0x9e: {  	[spmem:s1] =	stream.indirect.scatter.add.f32 [tilespmem:s20], [sflag:$0x3], $0x80, s29, s19, $0xb8;
	[tilespmem:$0x1E800] =	vst v63  }
0x9f: {  	_ =	swait.ge [sflag:s18], $0x4000  }
0xa0: {  	s31 =	stileid.u32;
	[sflag:s18] =	ssyncset.done $0x0  }
0xa1: {  	s0 =	sshll.u32 s31, $0x6;
	[sflag:s18] =	ssyncadd.s32 $0xFFFFC000  }
0xa2: {  	s0 =	sor.u32 $0x1C03, s0;
	[bflag:$0x0] =	sbarrier.arrive $0xFFFF  }
0xa3: {  	[hbm:s15], [sflag:s0] =	dma.local [spmem:s24], $0x2700  }
0xa4: {  	_ =	swait.ge [sflag:s18], $0x2700  }
0xa5: {  	s30 =	sadd.s32 $0x1, s30;
	[sflag:s18] =	ssyncset.done $0x0  }
0xa6: {  	p1 =	sne.s32 s30, s17;
	[sflag:s18] =	ssyncadd.s32 $0xFFFFD900  }
0xa7: {  	[hbm:s16], [sflag:s0] =	dma.local @!p0 [spmem:s25], $0x100  }
.Ltmp2:
0xa8: {  	_ = 	snop;
	(pc) =	sbr.rel @p1 .LBB2_1-.Ltmp2, $4  }
0xa9: {  	s0 =	simm.s32 @!p0 $0x3  }
0xaa: {  	_ =	swait.ge @!p0 [sflag:s0], $0x100  }
0xab: {  	[sflag:s0] =	ssyncset.done @!p0 $0x0  }
0xac: {  	[sflag:s0] =	ssyncadd.s32 @!p0 $0xFFFFFF00  }
0xad: {  	_ =	sfence.sel $0x180000  }
0xae: {  	[bflag:$0x0] =	sbarrier.arrive $0xFFFF  }
0xaf: {  	_ =	strace $0x9000004D  }
0xb0: {  	[bflag:$0x2] =	sbarrier.arrive $0xFFFF  }
0xb1: {  	s0 =	rddreg [dreg:$0x2]  }
0xb2: {  	s0 =	sadd.s32 @!p0 $0x100000, s0  }
0xb3: {  	[sflag:s0] =	ssyncadd.tile.s32 @!p0 $0x1;
	_ =	shalt  }
.Lfunc_end2:
_tile_overlayer_lowered:
.L_overlay_start_2:
0xb4: {  	(tag) =	ssettag $0x2  }
0xb5: {  	s0 =	rddreg [dreg:$0x0];
	s2 =	stileid.u32  }
0xb6: {  	s1 =	rddreg [dreg:$0x1];
	p0 =	sne.s32 s2, $0x0  }
0xb7: {  	s3 =	rddreg [dreg:$0x2];
	[bflag:$0x3] =	sbarrier.arrive $0xFFFF;
	s2 =	simm.s32 @!p0 $0x1C03  }
0xb8: {  	[timem:s3], [sflag:s2] =	dma.local @!p0 [hbm:s0], s1  }
0xb9: {  	s0 =	simm.s32 @!p0 $0x3  }
0xba: {  	_ =	swait.ge @!p0 [sflag:s0], s1  }
0xbb: {  	s1 =	ssub.s32 @!p0 $0x0, s1;
	[sflag:s0] =	ssyncset.done @!p0 $0x0  }
0xbc: {  	[sflag:s0] =	ssyncadd.s32 @!p0 s1  }
0xbd: {  	[bflag:$0x3] =	sbarrier.arrive $0xFFFF  }
0xbe: {  	_ =	shalt  }

// kernel: kernel.8.cloned.1.call-start
scs
__scs_entry_jumppad:
0x0: {  	(pc) =	sbr.rel $0x88, $3  }
0x1: {  	(tag) =	ssettag $0x0;
	lr =	simm.s32 $0x1  }
0x2: {  	[smem:$0x3F98] =	sst lr;
	_ =	strace $0xD0000000  }
0x3: {  	_ = 	snop  }
0x4: {  	_ = 	snop  }
0x5: {  	_ = 	snop  }
0x6: {  	_ = 	snop  }
0x7: {  	_ = 	snop  }
__scs_overlays_trampoline_lowered:
0x8: {  	[smem:$0x3FA7] =	sst s0  }
0x9: {  	[smem:$0x3FA8] =	sst s1  }
0xa: {  	[smem:$0x3FA9] =	sst s2  }
0xb: {  	[smem:$0x3FAA] =	sst s3  }
0xc: {  	[smem:$0x3FAB] =	sst s4  }
0xd: {  	[smem:$0x3FAC] =	sst s5  }
0xe: {  	[smem:$0x3FAD] =	sst s6  }
0xf: {  	[smem:$0x3FAE] =	sst s7  }
0x10: {  	[smem:$0x3FAF] =	sst s8  }
0x11: {  	[smem:$0x3FB0] =	sst s9;
	s0 =	simm.s32 @!p0 $0x0  }
0x12: {  	s1 =	sld [smem:$0x3F96];
	s0 =	simm.s32 @p0 $0x1  }
0x13: {  	[smem:$0x3FB1] =	sst s0;
	s0 =	simm.s32 @!p1 $0x0  }
0x14: {  	s2 =	sld [smem:$0x3F95];
	s0 =	simm.s32 @p1 $0x1  }
0x15: {  	[smem:$0x3FB2] =	sst s0;
	s0 =	simm.s32 @!p2 $0x0  }
0x16: {  	s3 =	sld [smem:$0x3FDB];
	s0 =	simm.s32 @p2 $0x1  }
0x17: {  	s4 =	simm.s32 $0x1BF5;
	[smem:$0x3FB4] =	sst s0  }
0x18: {  	s0 =	sld [smem:$0x3F97];
	_ =	swait.ge [sflag:s4], $0x0  }
0x19: {  	s7 =	sld [smem:$0x3F98]  }
0x1a: {  	s8 =	sadd.s32 $0xFFFFE003, lr  }
0x1b: {  	s9 =	sadd.s32 $0xFFFFFEF7, lr;
	s5 =	simm.s32 $0xFFFFFFFF;
	p2 =	slt.u32 s8, $0xFFFFF086  }
0x1c: {  	p1 =	slt.u32 s9, $0xF7A;
	s5 =	simm.s32 @!p2 $0x0  }
0x1d: {  	s5 =	simm.s32 @p1 $0x1;
	p0 =	seq.s32 s7, s2  }
0x1e: {  	s7 =	smul.u32 @!p0 $0xF7A, s2;
	p2 =	seq.s32 @!p0 s5, $0x0  }
0x1f: {  	s9 =	smul.u32 $0xF7A, s1;
	s8 =	simm.s32 @!p0 $0x1BF5;
	p2 =	por !p2, p0  }
0x20: {  	[sflag:s8] =	ssyncset.s32 @!p0 $0xFFFFF086;
	s6 =	sadd.s32 @!p0 s3, s7;
	s7 =	simm.s32 @!p0 $0x108  }
0x21: {  	s3 =	sadd.s32 s3, s9;
	s6 =	sadd.s32 @!p0 $0x88, s6;
	s7 =	simm.s32 @p2 $0x1082  }
0x22: {  	[simem:s7], [sflag:s8] =	dma.local @!p0 [hbm:s6], $0xF7A  }
0x23: {  	s9 =	sor.u32 $0xD0000000, s2;
	s6 =	simm.s32 $0x108;
	_ =	swait.ge @!p0 [sflag:s8], $0x0  }
0x24: {  	s3 =	sadd.s32 $0x88, s3;
	s6 =	simm.s32 @!p1 $0x1082;
	[sflag:s4] =	ssyncset.s32 $0xFFFFF086  }
0x25: {  	[simem:s6], [sflag:s4] =	dma.local [hbm:s3], $0xF7A  }
0x26: {  	[smem:$0x3F98] =	sst s1;
	(tag) =	ssettag s2;
	_ =	strace s9  }
0x27: {  	s1 =	sld [smem:$0x3FA8]  }
0x28: {  	s2 =	sld [smem:$0x3FA9]  }
0x29: {  	s4 =	sld [smem:$0x3FAB]  }
0x2a: {  	p0 =	seq.s32 s5, $0x0;
	s5 =	sld [smem:$0x3FAC]  }
0x2b: {  	s6 =	sld [smem:$0x3FAD]  }
0x2c: {  	s7 =	sld [smem:$0x3FAE]  }
0x2d: {  	s3 =	simm.s32 $0x108;
	s8 =	sld [smem:$0x3FAF]  }
0x2e: {  	s3 =	simm.s32 @!p0 $0x1082;
	s9 =	sld [smem:$0x3FB0]  }
0x2f: {  	lr =	sadd.s32 s0, s3;
	s0 =	sld [smem:$0x3FA7]  }
0x30: {  	s3 =	sld [smem:$0x3FAA]  }
0x31: {  	[smem:$0x3FB3] =	sst s10  }
0x32: {  	s10 =	sld [smem:$0x3FB1];
	_ =	sdelay $0x3  }
0x33: {  	p0 =	seq.s32 s10, $0x1;
	s10 =	sld [smem:$0x3FB3];
	_ =	sdelay $0x3  }
0x34: {  	[smem:$0x3FB3] =	sst s10  }
0x35: {  	s10 =	sld [smem:$0x3FB2];
	_ =	sdelay $0x3  }
0x36: {  	p1 =	seq.s32 s10, $0x1;
	s10 =	sld [smem:$0x3FB3];
	_ =	sdelay $0x3  }
0x37: {  	[smem:$0x3FB3] =	sst s10  }
0x38: {  	s10 =	sld [smem:$0x3FB4]  }
0x39: {  	_ = 	snop;
	(pc) =	sbr.ind lr, $3  }
0x3a: {  	_ = 	snop  }
0x3b: {  	_ = 	snop  }
0x3c: {  	p2 =	seq.s32 s10, $0x1;
	s10 =	sld [smem:$0x3FB3]  }
0x3d: {  	_ =	shalt  }
0x3e: {  	_ =	shalt  }
0x3f: {  	_ =	shalt  }
0x40: {  	_ =	shalt  }
0x41: {  	_ =	shalt  }
0x42: {  	_ =	shalt  }
0x43: {  	_ =	shalt  }
0x44: {  	_ =	shalt  }
0x45: {  	_ =	shalt  }
0x46: {  	_ =	shalt  }
0x47: {  	_ =	shalt  }
0x48: {  	_ =	shalt  }
0x49: {  	_ =	shalt  }
0x4a: {  	_ =	shalt  }
0x4b: {  	_ =	shalt  }
0x4c: {  	_ =	shalt  }
0x4d: {  	_ =	shalt  }
0x4e: {  	_ =	shalt  }
0x4f: {  	_ =	shalt  }
0x50: {  	_ =	shalt  }
0x51: {  	_ =	shalt  }
0x52: {  	_ =	shalt  }
0x53: {  	_ =	shalt  }
0x54: {  	_ =	shalt  }
0x55: {  	_ =	shalt  }
0x56: {  	_ =	shalt  }
0x57: {  	_ =	shalt  }
0x58: {  	_ =	shalt  }
0x59: {  	_ =	shalt  }
0x5a: {  	_ =	shalt  }
0x5b: {  	_ =	shalt  }
0x5c: {  	_ =	shalt  }
0x5d: {  	_ =	shalt  }
0x5e: {  	_ =	shalt  }
0x5f: {  	_ =	shalt  }
0x60: {  	_ =	shalt  }
0x61: {  	_ =	shalt  }
0x62: {  	_ =	shalt  }
0x63: {  	_ =	shalt  }
0x64: {  	_ =	shalt  }
0x65: {  	_ =	shalt  }
0x66: {  	_ =	shalt  }
0x67: {  	_ =	shalt  }
0x68: {  	_ =	shalt  }
0x69: {  	_ =	shalt  }
0x6a: {  	_ =	shalt  }
0x6b: {  	_ =	shalt  }
0x6c: {  	_ =	shalt  }
0x6d: {  	_ =	shalt  }
0x6e: {  	_ =	shalt  }
0x6f: {  	_ =	shalt  }
0x70: {  	_ =	shalt  }
0x71: {  	_ =	shalt  }
0x72: {  	_ =	shalt  }
0x73: {  	_ =	shalt  }
0x74: {  	_ =	shalt  }
0x75: {  	_ =	shalt  }
0x76: {  	_ =	shalt  }
0x77: {  	_ =	shalt  }
0x78: {  	_ =	shalt  }
0x79: {  	_ =	shalt  }
0x7a: {  	_ =	shalt  }
0x7b: {  	_ =	shalt  }
0x7c: {  	_ =	shalt  }
0x7d: {  	_ =	shalt  }
0x7e: {  	_ =	shalt  }
0x7f: {  	_ =	shalt  }
0x80: {  	_ =	shalt  }
0x81: {  	_ =	shalt  }
0x82: {  	_ =	shalt  }
0x83: {  	_ =	shalt  }
0x84: {  	_ =	shalt  }
0x85: {  	_ =	shalt  }
0x86: {  	_ =	shalt  }
0x87: {  	_ =	shalt  }
.Lfunc_end0:
.L_simem_size_0:
called_computation_lowered:
.L_overlay_start_0:
0x88: {  	s2 =	sld [smem:$0x3FD9]  }
0x89: {  	s3 =	sld [smem:$0x3FFE];
	_ =	sdelay $0x1  }
0x8a: {  	s1 =	srdreg.scid  }
0x8b: {  	s0 =	sand.u32 $0x1, s1  }
0x8c: {  	s16 =	sshll.u32 s0, $0xA;
	s2 =	sadd.s32 s3, s2  }
0x8d: {  	s2 =	sadd.s32 s2, s16  }
0x8e: {  	[smem:$0x3FBF] =	sst s2  }
0x8f: {  	_ = 	snop  }
0x90: {  	(tm) =	ssettm $0x1  }
0x91: {  	s17 =	sld [smem:$0x3FFB];
	_ =	sdelay $0x3  }
0x92: {  	_ =	strace s17  }
0x93: {  	s2 =	sld [smem:$0x3FFC];
	_ =	sdelay $0x3  }
0x94: {  	_ =	strace s2  }
0x95: {  	s2 =	sld [smem:$0x3FFD];
	_ =	sdelay $0x3  }
0x96: {  	_ =	strace s2  }
0x97: {  	_ =	strace $0x8FFFFFFF  }
0x98: {  	s18 =	sld [smem:$0x3FDB];
	_ =	sdelay $0x1  }
0x99: {  	s19 =	simm.s32 $_scs_section_size  }
0x9a: {  	s4 =	simm.s32 $_size__tile_overlayer_lowered;
	s5 =	simm.s32 $_tile_overlayer_lowered  }
0x9b: {  	s22 =	simm.s32 $0x1BFF;
	s21 =	sshll.u32 s5, $0x1;
	s2 =	sadd.s32 s19, s18  }
0x9c: {  	s6 =	simm.s32 $0x0;
	s20 =	sshll.u32 s4, $0x1;
	s4 =	sadd.s32 s21, s2  }
0x9d: {  	[timem:s6], [sflag:s22] =	dma.local [hbm:s4], s20  }
0x9e: {  	_ =	swait.ge [sflag:s22], s20  }
0x9f: {  	s3 =	ssub.s32 $0x0, s20;
	[sflag:s22] =	ssyncset.done $0x0  }
0xa0: {  	[sflag:s22] =	ssyncadd.s32 s3;
	_ =	sdelay $0x1  }
0xa1: {  	s23 =	simm.s32 $0x1B8B  }
0xa2: {  	_ =	swait.ge [sflag:s23], $0x1  }
0xa3: {  	[sflag:s23] =	ssyncset.done $0x0  }
0xa4: {  	s25 =	simm.s32 $0x1B8E;
	s24 =	sld [smem:$0x3FFE];
	[sflag:s23] =	ssyncadd.s32 $0xFFFFFFFF  }
0xa5: {  	s26 =	simm.s32 $execute0_lowered;
	[smem:$0x3FD2] =	sst s25  }
0xa6: {  	s4 =	sshll.u32 s26, $0x1;
	_ =	strace $0x80000046;
	[dreg:$0x1] =	wrdreg $0xFFFFFFFF  }
0xa7: {  	s28 =	simm.s32 $_size_execute0_lowered;
	s2 =	sadd.s32 s2, s4;
	[dreg:$0x0] =	wrdreg $0x0  }
0xa8: {  	s4 =	sshll.u32 s28, $0x1;
	[dreg:$0x2] =	wrdreg s2  }
0xa9: {  	[dreg:$0x3] =	wrdreg s4  }
0xaa: {  	[dreg:$0x4] =	wrdreg $0xC0  }
0xab: {  	_ =	task [dreg:s6], $0x5FFFF  }
0xac: {  	[dreg:$0x1] =	wrdreg $0xFFFFFFFF  }
0xad: {  	[dreg:$0x0] =	wrdreg $0x60  }
0xae: {  	[dreg:$0x2] =	wrdreg s24  }
0xaf: {  	[dreg:$0x3] =	wrdreg $0xA8000  }
0xb0: {  	[dreg:$0x4] =	wrdreg $0x9  }
0xb1: {  	_ =	task.clear_ibuf [dreg:s6], $0x5FFFF;
	_ =	strace $0x90000046  }
0xb2: {  	s29 =	simm.s32 $0x9;
	_ =	strace $0x80000048  }
0xb3: {  	_ =	swait.ge [sflag:s29], $0x1  }
0xb4: {  	[sflag:s29] =	ssyncadd.s32 $0xFFFFFFFF  }
0xb5: {  	_ =	strace $0x90000048  }
0xb6: {  	_ =	sfence  }
0xb7: {  	s30 =	sld [smem:$0x0];
	_ =	sdelay $0x2  }
0xb8: {  	s31 =	sshll.u32 s1, $0xD;
	s1 =	sshrl.u32 s1, $0x2  }
0xb9: {  	s3 =	sand.u32 $0x4000, s31;
	s1 =	sadd.s32 s1, s30  }
0xba: {  	s0 =	sor.u32 s3, s0;
	s1 =	sshll.u32 s1, $0x11  }
0xbb: {  	s0 =	sor.u32 s1, s0  }
0xbc: {  	s0 =	sadd.s32 $0x8F2B, s0  }
0xbd: {  	[sflag:s0] =	ssyncadd.remote.s32 $0x1  }
0xbe: {  	_ =	sfence.sel $0xFFFF  }
0xbf: {  	[dreg:$0x0] =	wrdreg $0xFFFFFFFF;
	(pc) =	sbr.abs _section_cstart, $3  }
0xc0: {  	[dreg:$0x1] =	wrdreg $0xFFFFFFFF  }
0xc1: {  	_ =	task.clear_ibuf [dreg:s6], $0x2FFFF;
	_ =	strace $0x9FFFFFFF  }
0xc2: {  	(tm) =	ssettm $0x7FFFFFFF  }
0xc3: {  	_ =	shalt  }
tec
execute0_lowered:
.L_overlay_start_1:
0x0: {  	(tag) =	ssettag $0x1  }
0x1: {  	s4 =	rddreg [dreg:$0x0];
	s0 =	srdreg.scid  }
0x2: {  	s17 =	stileid.u32;
	s1 =	rddreg [dreg:$0x1]  }
0x3: {  	s2 =	simm.s32 $0x0;
	s15 =	simm.s32 $0x80;
	s16 =	simm.s32 $0x6800  }
0x4: {  	s5 =	sand.u32 $0x1, s0;
	s0 =	rddreg [dreg:$0x2];
	s6 =	smul.u32 $0x50000, s17  }
0x5: {  	s3 =	sshll.u32 s17, $0x1;
	[smem:$0x7FF] =	sst s2;
	s13 =	smul.u32 $0x13800, s17  }
0x6: {  	s10 =	sadd.s32 $0x17C00, s4;
	s14 =	smul.u32 $0x4E000, s17;
	s19 =	sadd.s32 $0x138000, s1  }
0x7: {  	s20 =	sshll.u32 s17, $0x6;
	p0 =	sne.s32 s17, $0x0;
	s3 =	sor.u32 s5, s3  }
0x8: {  	_ =	strace $0x80000047;
	s8 =	ssub.s32 $0x2, s5;
	s11 =	smul.u32 $0x138800, s5  }
0x9: {  	s17 =	sor.u32 $0x1C01, s20;
	s19 =	sshrl.u32 @!p0 s19, $0x3;
	s20 =	simm.s32 $0x0  }
0xa: {  	s3 =	smul.u32 $0x500, s3;
	s31 =	sshrl.u32 s8, $0x1;
	s6 =	sshrl.u32 s6, $0x2  }
0xb: {  	s14 =	sshrl.u32 s14, $0x2;
	s12 =	ssub.s32 s8, s31;
	s13 =	sadd.s32 s13, s11  }
0xc: {  	s11 =	sshrl.u32 s11, $0x3;
	s18 =	sadd.s32 s14, s1;
	s14 =	simm.s32 $0x1  }
0xd: {  	s7 =	sadd.s32 s3, s4;
	s3 =	sadd.s32 $0x16C00, s4;
	s4 =	sadd.s32 s6, s1  }
0xe: {  	s13 =	sshrl.u32 s13, $0x3;
	s11 =	sadd.s32 s10, s11;
	s12 =	smax.u32 s12, $0x1  }
0xf: {  	s18 =	sshrl.u32 s18, $0x3;
	s5 =	sadd.s32 $0x2C00, s7;
	s6 =	sadd.s32 $0x4000, s4  }
0x10: {  	s7 =	sadd.s32 $0x8000, s4;
	s8 =	sadd.s32 $0xC000, s4;
	s9 =	sadd.s32 $0x10000, s4  }
0x11: {  	s10 =	sadd.s32 s10, s13;
	s11 =	sadd.s32 $0x27000, s11;
	s13 =	simm.s32 $0x2800  }
.LBB2_1:
0x12: {  	[tilespmem:s13], [sflag:$0x1] =	stream.linear.gather [hbm4b:s3+s2], $0x8000, $0x38;
	[tilespmem:$0xD000] =	vst v63  }
0x13: {  	_ =	swait.ge [sflag:s14], $0x8000  }
0x14: {  	[sflag:s14] =	ssyncset.done $0x0  }
0x15: {  	[sflag:s14] =	ssyncadd.s32 $0xFFFF8000  }
0x16: {  	[tilespmem:s2], [sflag:$0x1] =	stream.linear.gather [hbm4b:s5+s2], $0x2800, $0x38;
	[tilespmem:$0xD000] =	vst v63  }
0x17: {  	_ =	swait.ge [sflag:s14], $0x2800  }
0x18: {  	[sflag:s14] =	ssyncset.done $0x0  }
0x19: {  	[sflag:s14] =	ssyncadd.s32 $0xFFFFD800  }
0x1a: {  	[spmem:s4] =	stream.linear.scatter [tilespmem:s13], [sflag:$0x1], $0x4000, $0x38;
	[tilespmem:$0xD000] =	vst v63  }
0x1b: {  	_ =	swait.ge [sflag:s14], $0x4000  }
0x1c: {  	[sflag:s14] =	ssyncset.done $0x0  }
0x1d: {  	[sflag:s14] =	ssyncadd.s32 $0xFFFFC000  }
0x1e: {  	[spmem:s6] =	stream.linear.scatter [tilespmem:s13], [sflag:$0x1], $0x4000, $0x38;
	[tilespmem:$0xD000] =	vst v63  }
0x1f: {  	_ =	swait.ge [sflag:s14], $0x4000  }
0x20: {  	[sflag:s14] =	ssyncset.done $0x0  }
0x21: {  	[sflag:s14] =	ssyncadd.s32 $0xFFFFC000  }
0x22: {  	[spmem:s7] =	stream.linear.scatter [tilespmem:s13], [sflag:$0x1], $0x4000, $0x38;
	[tilespmem:$0xD000] =	vst v63  }
0x23: {  	_ =	swait.ge [sflag:s14], $0x4000  }
0x24: {  	[sflag:s14] =	ssyncset.done $0x0  }
0x25: {  	[sflag:s14] =	ssyncadd.s32 $0xFFFFC000  }
0x26: {  	[spmem:s8] =	stream.linear.scatter [tilespmem:s13], [sflag:$0x1], $0x4000, $0x38;
	[tilespmem:$0xD000] =	vst v63  }
0x27: {  	_ =	swait.ge [sflag:s14], $0x4000  }
0x28: {  	[sflag:s14] =	ssyncset.done $0x0  }
0x29: {  	[sflag:s14] =	ssyncadd.s32 $0xFFFFC000  }
0x2a: {  	[spmem:s9] =	stream.linear.scatter [tilespmem:s13], [sflag:$0x1], $0x4000, $0x38;
	[tilespmem:$0xD000] =	vst v63  }
0x2b: {  	_ =	swait.ge [sflag:s14], $0x4000  }
0x2c: {  	[sflag:s14] =	ssyncset.done $0x0  }
0x2d: {  	[sflag:s14] =	ssyncadd.s32 $0xFFFFC000  }
0x2e: {  	s21 =	simm.s32 $0x0;
	[bflag:$0x0] =	sbarrier.arrive $0xFFFF  }
0x2f: {  	[spmem:s1] =	stream.indirect.scatter.add.f32 [tilespmem:s16], [sflag:$0x1], $0x10, s21, s15, $0xb8;
	[tilespmem:$0xD000] =	vst v63  }
0x30: {  	_ =	swait.ge [sflag:s14], $0x800  }
0x31: {  	s21 =	simm.s32 $0x200;
	[sflag:s14] =	ssyncset.done $0x0  }
.LBB2_2:
0x32: {  	s22 =	sshra.s32 s21, $0x2;
	[sflag:s14] =	ssyncadd.s32 $0xFFFFF800;
	p1 =	sne.s32 s21, $0x9E00  }
0x33: {  	[spmem:s1] =	stream.indirect.scatter.add.f32 [tilespmem:s16], [sflag:$0x1], $0x10, s22, s15, $0xb8;
	[tilespmem:$0xD000] =	vst v63  }
.Ltmp0:
0x34: {  	_ = 	snop;
	(pc) =	sbr.rel @p1 .LBB2_2-.Ltmp0, $4  }
0x35: {  	_ = 	snop  }
0x36: {  	s21 =	sadd.s32 $0x200, s21  }
0x37: {  	_ =	swait.ge [sflag:s14], $0x800  }
0x38: {  	[sflag:s14] =	ssyncset.done $0x0  }
0x39: {  	[sflag:s14] =	ssyncadd.s32 $0xFFFFF800  }
0x3a: {  	[bflag:$0x0] =	sbarrier.arrive $0xFFFF  }
0x3b: {  	[hbm:s10], [sflag:s17] =	dma.local [spmem:s18], $0x2700  }
0x3c: {  	s20 =	sadd.s32 $0x1, s20;
	_ =	swait.ge [sflag:s14], $0x2700  }
0x3d: {  	p1 =	sne.s32 s20, s12;
	[sflag:s14] =	ssyncset.done $0x0  }
.Ltmp1:
0x3e: {  	s21 =	simm.s32 @!p0 $0x1;
	[sflag:s14] =	ssyncadd.s32 $0xFFFFD900;
	(pc) =	sbr.rel @p1 .LBB2_1-.Ltmp1, $4  }
0x3f: {  	[hbm:s11], [sflag:s17] =	dma.local @!p0 [spmem:s19], $0x100  }
0x40: {  	_ =	swait.ge @!p0 [sflag:s21], $0x100  }
0x41: {  	[sflag:s21] =	ssyncset.done @!p0 $0x0  }
0x42: {  	[sflag:s21] =	ssyncadd.s32 @!p0 $0xFFFFFF00  }
0x43: {  	_ =	sfence.sel $0x180000  }
0x44: {  	[bflag:$0x0] =	sbarrier.arrive $0xFFFF  }
0x45: {  	_ =	strace $0x90000047  }
0x46: {  	s0 =	sadd.s32 @!p0 $0x100000, s0;
	[bflag:$0x2] =	sbarrier.arrive $0xFFFF  }
0x47: {  	[sflag:s0] =	ssyncadd.tile.s32 @!p0 $0x1;
	_ =	shalt  }
.Lfunc_end2:
_tile_overlayer_lowered:
.L_overlay_start_2:
0x48: {  	(tag) =	ssettag $0x2  }
0x49: {  	s0 =	rddreg [dreg:$0x0];
	s2 =	stileid.u32  }
0x4a: {  	s1 =	rddreg [dreg:$0x1];
	p0 =	sne.s32 s2, $0x0  }
0x4b: {  	s3 =	rddreg [dreg:$0x2];
	[bflag:$0x3] =	sbarrier.arrive $0xFFFF;
	s2 =	simm.s32 @!p0 $0x1C01  }
0x4c: {  	[timem:s3], [sflag:s2] =	dma.local @!p0 [hbm:s0], s1  }
0x4d: {  	s0 =	simm.s32 @!p0 $0x1  }
0x4e: {  	_ =	swait.ge @!p0 [sflag:s0], s1  }
0x4f: {  	s1 =	ssub.s32 @!p0 $0x0, s1;
	[sflag:s0] =	ssyncset.done @!p0 $0x0  }
0x50: {  	[sflag:s0] =	ssyncadd.s32 @!p0 s1  }
0x51: {  	[bflag:$0x3] =	sbarrier.arrive $0xFFFF  }
0x52: {  	_ =	shalt  }

</sc_bundles>
